<compile_context>
chip_gen: v7x
topology: tpu7x:2x2x1
jax: 0.10.2.dev20260603
libtpu: 0.0.44.dev20260713+nightly
codegen_flags: <defaults>
</compile_context>

<pallas_src>
import functools

import jax
import jax.numpy as jnp
from jax import lax
from jax.experimental import pallas as pl
from jax.experimental.pallas import tpu as pltpu
from jax.experimental.pallas import tpu_sc as plsc

_NC = 2
_NS = 16
_NW = _NC * _NS
_G = 128

_SC_PARAMS = pltpu.CompilerParams(use_tc_tiling_on_sc=False,
                                  needs_layout_passes=False)



@functools.lru_cache(maxsize=None)
def _make_gather(N, R, H):
    mesh = plsc.VectorSubcoreMesh(core_axis_name="c", subcore_axis_name="s")
    per_w = (R + _NW - 1) // _NW

    @functools.partial(
        pl.kernel,
        out_type=jax.ShapeDtypeStruct((R * _G // 2, 2 * H), jnp.float32),
        mesh=mesh,
        scratch_types=[
            pltpu.VMEM((2, 1, _G), jnp.int32),
            pltpu.VMEM((2, 1, _G), jnp.int32),
            pltpu.VMEM((2, _G, H), jnp.bfloat16),
            pltpu.VMEM((2, _G, H), jnp.bfloat16),
            pltpu.VMEM((2, _G // 2, 2 * H), jnp.float32),
            pltpu.SemaphoreType.DMA,
            pltpu.SemaphoreType.DMA,
            pltpu.SemaphoreType.DMA,
        ],
        compiler_params=_SC_PARAMS,
    )
    def gather_k(a_hbm, b_hbm, dst_hbm, src_hbm, h_hbm, idxd, idxs, abuf,
                 bbuf, obuf, sem_idx, sem_g, sem_w):
        c = lax.axis_index("c")
        s = lax.axis_index("s")
        wid = s * _NC + c
        r0 = wid * per_w
        nv = jnp.clip(R - r0, 0, per_w)

        def issue_idx(row, slot):
            pltpu.async_copy(dst_hbm.at[pl.ds(row, 1)], idxd.at[slot],
                             sem_idx)
            pltpu.async_copy(src_hbm.at[pl.ds(row, 1)], idxs.at[slot],
                             sem_idx)

        def wait_idx(slot):
            pltpu.make_async_copy(dst_hbm.at[pl.ds(0, 1)], idxd.at[slot],
                                  sem_idx).wait()
            pltpu.make_async_copy(src_hbm.at[pl.ds(0, 1)], idxs.at[slot],
                                  sem_idx).wait()

        def issue_gather(slot):
            for h0 in (0, 64):
                sl = pl.ds(h0, 64)
                pltpu.async_copy(a_hbm.at[idxd.at[slot, 0, sl]],
                                 abuf.at[slot, sl], sem_g)
                pltpu.async_copy(b_hbm.at[idxs.at[slot, 0, sl]],
                                 bbuf.at[slot, sl], sem_g)

        def wait_gather(slot):
            for _ in range(2):
                pltpu.make_async_copy(a_hbm.at[pl.ds(0, 64)],
                                      abuf.at[slot, pl.ds(0, 64)],
                                      sem_g).wait()
                pltpu.make_async_copy(b_hbm.at[pl.ds(0, 64)],
                                      bbuf.at[slot, pl.ds(0, 64)],
                                      sem_g).wait()

        def wait_write(slot):
            pltpu.make_async_copy(obuf.at[slot],
                                  h_hbm.at[pl.ds(0, _G // 2)],
                                  sem_w).wait()

        @pl.when(nv >= 1)
        def _():
            issue_idx(r0, 0)
            wait_idx(0)
            issue_gather(0)

            @pl.when(nv >= 2)
            def _():
                issue_idx(r0 + 1, 1)

        def body(i, carry):
            row = r0 + i
            p = jnp.bitwise_and(i, 1)

            @pl.when(row < R)
            def _():
                wait_gather(p)

                @pl.when((i <= per_w - 3) & (row + 2 < R))
                def _():
                    issue_idx(row + 2, p)

                @pl.when((i <= per_w - 2) & (row + 1 < R))
                def _():
                    @pl.when(i >= 1)
                    def _():
                        wait_write(1 - p)

                    wait_idx(1 - p)
                    issue_gather(1 - p)

                msk = jnp.uint32(0xFFFF0000)

                def vbody(r, carry2):
                    q = lax.shift_right_logical(r, 1)
                    off = jnp.bitwise_and(r, 1) * (2 * H // 2)
                    for j in range(H // 32):
                        sl = pl.ds(j * 32, 32)
                        hv = jnp.maximum(abuf[p, r, sl] + bbuf[p, r, sl],
                                         jnp.bfloat16(0.0))
                        u = plsc.bitcast(hv, jnp.uint32)
                        lo = plsc.bitcast(u << 16, jnp.float32)
                        hi = plsc.bitcast(jnp.bitwise_and(u, msk),
                                          jnp.float32)
                        obuf[p, q, pl.dslice(off + 32 * j, 16)] = lo
                        obuf[p, q, pl.dslice(off + 32 * j + 16, 16)] = hi
                    return carry2

                lax.fori_loop(0, _G, vbody, 0)
                pltpu.async_copy(
                    obuf.at[p],
                    h_hbm.at[pl.ds(row * (_G // 2), _G // 2)], sem_w)

            return carry

        lax.fori_loop(0, per_w, body, 0)

        @pl.when(nv >= 2)
        def _():
            wait_write(0)

        @pl.when(nv >= 1)
        def _():
            wait_write(0)

    return gather_k



@functools.lru_cache(maxsize=None)
def _make_scatter(N, R, C, with_counts):
    mesh = plsc.VectorSubcoreMesh(core_axis_name="c", subcore_axis_name="s")
    r_core = R // _NC
    per_s = (r_core + _NS - 1) // _NS
    n_sub = N // _NS
    zrows = 125
    nz = n_sub // zrows
    assert n_sub % zrows == 0

    out_type = [jax.ShapeDtypeStruct((_NC, N, C), jnp.float32)]
    scratch = [
        pltpu.VMEM((2, 1, _G), jnp.int32),
        pltpu.VMEM((2, _G, C), jnp.float32),
        pltpu.VMEM_SHARED((N, C), jnp.float32),
        pltpu.SemaphoreType.DMA,
        pltpu.SemaphoreType.DMA,
    ]
    if with_counts:
        out_type.append(jax.ShapeDtypeStruct((_NC, N, 16), jnp.float32))
        scratch += [
            pltpu.VMEM((_G, 16), jnp.float32),
            pltpu.VMEM_SHARED((N, 16), jnp.float32),
        ]

    @functools.partial(pl.kernel, out_type=out_type, mesh=mesh,
                       scratch_types=scratch, compiler_params=_SC_PARAMS)
    def scatter_k(m_hbm, dst_hbm, zs_hbm, zc_hbm, *refs):
        if with_counts:
            (s_out, c_out, idxd, mbuf, s_sh, sem_idx, sem_m, ones,
             c_sh) = refs
        else:
            s_out, idxd, mbuf, s_sh, sem_idx, sem_m = refs
        c = lax.axis_index("c")
        s = lax.axis_index("s")

        if with_counts:
            def obody(i, carry):
                lane = lax.iota(jnp.int32, 16)
                ones[i, pl.ds(0, 16)] = jnp.where(lane == 0, 1.0, 0.0)
                return carry

            lax.fori_loop(0, _G, obody, 0)
        for k in range(nz):
            dst_sl = pl.ds(s * n_sub + k * zrows, zrows)
            pltpu.sync_copy(zs_hbm, s_sh.at[dst_sl])
            if with_counts:
                pltpu.sync_copy(zc_hbm, c_sh.at[dst_sl])
        plsc.subcore_barrier()

        r0 = c * r_core + s * per_s
        rend = (c + 1) * r_core

        def issue(row, slot):
            pltpu.async_copy(dst_hbm.at[pl.ds(row, 1)], idxd.at[slot],
                             sem_idx)
            pltpu.async_copy(m_hbm.at[pl.ds(row * _G, _G)], mbuf.at[slot],
                             sem_m)

        def wait_in(slot):
            pltpu.make_async_copy(dst_hbm.at[pl.ds(0, 1)], idxd.at[slot],
                                  sem_idx).wait()
            pltpu.make_async_copy(m_hbm.at[pl.ds(0, _G)], mbuf.at[slot],
                                  sem_m).wait()

        @pl.when(r0 < rend)
        def _():
            issue(r0, 0)

        def body(i, carry):
            row = r0 + i
            p = jnp.bitwise_and(i, 1)

            @pl.when(row < rend)
            def _():
                wait_in(p)

                @pl.when((i < per_s - 1) & (row + 1 < rend))
                def _():
                    issue(row + 1, 1 - p)

                pltpu.sync_copy(mbuf.at[p], s_sh.at[idxd.at[p, 0]],
                                add=True)
                if with_counts:
                    pltpu.sync_copy(ones, c_sh.at[idxd.at[p, 0]], add=True)

            return carry

        lax.fori_loop(0, per_s, body, 0)
        plsc.subcore_barrier()

        my = pl.ds(s * n_sub, n_sub)
        pltpu.sync_copy(s_sh.at[my], s_out.at[c, my])
        if with_counts:
            pltpu.sync_copy(c_sh.at[my], c_out.at[c, my])

    return scatter_k



def _dense_pre(x, W1, b1):
    N, D = x.shape
    H = W1.shape[1]

    def body(x_ref, wt_ref, wb_ref, b1_ref, a_ref, b_ref):
        xv = x_ref[...]
        a_ref[...] = (jnp.dot(xv, wt_ref[...],
                              preferred_element_type=jnp.float32)
                      + b1_ref[...]).astype(jnp.bfloat16)
        b_ref[...] = jnp.dot(xv, wb_ref[...],
                             preferred_element_type=jnp.float32
                             ).astype(jnp.bfloat16)

    return pl.pallas_call(
        body,
        out_shape=(jax.ShapeDtypeStruct((N, H), jnp.bfloat16),
                   jax.ShapeDtypeStruct((N, H), jnp.bfloat16)),
    )(x, W1[:D], W1[D:], b1.reshape(1, H))


def _combine_pre(S, Cnt, W1, b1):
    _, N, D = S.shape
    H = W1.shape[1]

    def body(s_ref, c_ref, wt_ref, wb_ref, b1_ref, a_ref, b_ref):
        cnt = c_ref[0, :, 0] + c_ref[1, :, 0]
        xv = (s_ref[0] + s_ref[1]) / jnp.maximum(cnt, 1.0)[:, None]
        a_ref[...] = (jnp.dot(xv, wt_ref[...],
                              preferred_element_type=jnp.float32)
                      + b1_ref[...]).astype(jnp.bfloat16)
        b_ref[...] = jnp.dot(xv, wb_ref[...],
                             preferred_element_type=jnp.float32
                             ).astype(jnp.bfloat16)

    return pl.pallas_call(
        body,
        out_shape=(jax.ShapeDtypeStruct((N, H), jnp.bfloat16),
                   jax.ShapeDtypeStruct((N, H), jnp.bfloat16)),
    )(S, Cnt, W1[:D], W1[D:], b1.reshape(1, H))


def _edge_mlp(Hm2, W2p, b2, E):
    H = W2p.shape[0]
    C = W2p.shape[1]
    BE = 2560
    BE2 = BE // 2
    assert E % BE == 0

    def body(h_ref, w_ref, b_ref, m_ref):
        h2 = h_ref[...]
        w = w_ref[...]
        b = b_ref[...]
        ml = jnp.maximum(
            jnp.dot(h2[:, :H], w, preferred_element_type=jnp.float32)
            + b, 0.0)
        mr = jnp.maximum(
            jnp.dot(h2[:, H:], w, preferred_element_type=jnp.float32)
            + b, 0.0)
        m_ref[...] = jnp.concatenate(
            [ml[:, None, :], mr[:, None, :]], axis=1).reshape(BE, C)

    return pl.pallas_call(
        body,
        grid=(E // BE,),
        in_specs=[
            pl.BlockSpec((BE2, 2 * H), lambda i: (i, 0)),
            pl.BlockSpec((H, C), lambda i: (0, 0)),
            pl.BlockSpec((1, C), lambda i: (0, 0)),
        ],
        out_specs=pl.BlockSpec((BE, C), lambda i: (i, 0)),
        out_shape=jax.ShapeDtypeStruct((E, C), jnp.float32),
    )(Hm2, W2p, b2.reshape(1, C))


def _final_combine(S, Cnt, N):
    _, _, C = S.shape

    def body(s_ref, c_ref, o_ref):
        cnt = c_ref[0, :N, 0] + c_ref[1, :N, 0]
        o_ref[...] = (s_ref[0, :N] + s_ref[1, :N]) / jnp.maximum(
            cnt, 1.0)[:, None]

    return pl.pallas_call(
        body,
        out_shape=jax.ShapeDtypeStruct((N, C), jnp.float32),
    )(S, Cnt)



def kernel(x, edge_index, W1_0, b1_0, W2_0, b2_0, W1_1, b1_1, W2_1, b2_1):
    N, D = x.shape
    E = edge_index.shape[1]
    H = W1_0.shape[1]
    assert E % _G == 0
    R = E // _G

    dst2 = edge_index[0].reshape(R, _G)
    src2 = edge_index[1].reshape(R, _G)

    pos = jnp.arange(H)
    perm = 32 * (pos // 32) + 2 * (pos % 16) + ((pos % 32) // 16)
    W2p_0 = W2_0[perm]
    W2p_1 = W2_1[perm]

    A0, B0 = _dense_pre(x, W1_0, b1_0)
    Hm0 = _make_gather(N, R, H)(A0, B0, dst2, src2)
    M0 = _edge_mlp(Hm0, W2p_0, b2_0, E)
    zs = jnp.zeros((125, W2_0.shape[1]), jnp.float32)
    zc = jnp.zeros((125, 16), jnp.float32)
    S0, Cnt = _make_scatter(N, R, W2_0.shape[1], True)(M0, dst2, zs, zc)

    A1, B1 = _combine_pre(S0, Cnt, W1_1, b1_1)
    Hm1 = _make_gather(N, R, H)(A1, B1, dst2, src2)
    M1 = _edge_mlp(Hm1, W2p_1, b2_1, E)
    (S1,) = _make_scatter(N, R, W2_1.shape[1], False)(M1, dst2, zs, zc)

    return _final_combine(S1, Cnt, N)

# --- scband reference (transcript-rebuilt; emitter-appended) ---
"""Pipeline reference for scband-graph-electron-model2-43928925503631 (READ-ONLY COPY).

The authoritative reference and input builder live on the scoring server;
editing this copy changes nothing except your own understanding.
"""

import jax, jax.numpy as jnp
import numpy as np

N = 10000
E = 320000
D = 128
H = 64  # mlp_hidden_units default
SIZES = [128, 128]  # graph_layer_sizes


def setup_inputs(seed: int = 0) -> dict:
    key = jax.random.key(seed)
    ks = jax.random.split(key, 16)
    inp = {}
    inp["x"] = jax.random.normal(ks[0], (N, D), dtype=jnp.float32)
    inp["edge_index"] = jax.random.randint(ks[1], (2, E), 0, N, dtype=jnp.int32)
    d_in = D
    k = 2
    for l, ch in enumerate(SIZES):
        inp[f"W1_{l}"] = jax.random.normal(ks[k], (2 * d_in, H), dtype=jnp.float32) * (1.0 / np.sqrt(2 * d_in)); k += 1
        inp[f"b1_{l}"] = jnp.zeros((H,), dtype=jnp.float32)
        inp[f"W2_{l}"] = jax.random.normal(ks[k], (H, ch), dtype=jnp.float32) * (1.0 / np.sqrt(H)); k += 1
        inp[f"b2_{l}"] = jnp.zeros((ch,), dtype=jnp.float32)
        d_in = ch
    return inp


def _mp_layer(x, dst, src, W1, b1, W2, b2):
    # MLPMessagePassing: message(x_i, x_j) = MLP(concat([x_i, x_j]))
    x_i = x[dst]  # gather target-node features
    x_j = x[src]  # gather source-node features
    m = jnp.concatenate([x_i, x_j], axis=-1)
    m = jax.nn.relu(m @ W1 + b1)
    m = jax.nn.relu(m @ W2 + b2)
    # aggregate: unsorted_segment_mean over destination index
    sums = jax.ops.segment_sum(m, dst, num_segments=N)
    counts = jax.ops.segment_sum(jnp.ones((m.shape[0],), dtype=m.dtype), dst, num_segments=N)
    return sums / jnp.maximum(counts, 1.0)[:, None]


def reference(x, edge_index, W1_0, b1_0, W2_0, b2_0, W1_1, b1_1, W2_1, b2_1):
    dst = edge_index[0]
    src = edge_index[1]
    x = _mp_layer(x, dst, src, W1_0, b1_0, W2_0, b2_0)
    x = _mp_layer(x, dst, src, W1_1, b1_1, W2_1, b2_1)
    # layer_sizes is None -> no dense tail; return node embeddings
    return x

if __name__ == "__main__":
    import jax
    _d = setup_inputs()
    print(jax.jit(kernel)(*tuple(_d.values())))

</pallas_src>

<mosaic_0001>
#map = affine_map<(d0, d1) -> (0, 0)>
#map1 = affine_map<(d0, d1) -> (0, 0, 0)>
module attributes {stable_mosaic.version = 14 : i64} {
  func.func @scatter_k(%arg0: i32, %arg1: i32, %arg2: memref<320000x128xf32, #tpu.memory_space<hbm>>, %arg3: memref<2500x128xi32, #tpu.memory_space<hbm>>, %arg4: memref<125x128xf32, #tpu.memory_space<hbm>>, %arg5: memref<125x16xf32, #tpu.memory_space<hbm>>, %arg6: memref<2x10000x128xf32, #tpu.memory_space<hbm>>, %arg7: memref<2x10000x16xf32, #tpu.memory_space<hbm>>, %arg8: memref<2x1x128xi32, #tpu.memory_space<vmem>>, %arg9: memref<2x128x128xf32, #tpu.memory_space<vmem>>, %arg10: memref<10000x128xf32, #tpu.memory_space<vmem_shared>>, %arg11: memref<!tpu.dma_semaphore, #tpu.memory_space<semaphore_mem>>, %arg12: memref<!tpu.dma_semaphore, #tpu.memory_space<semaphore_mem>>, %arg13: memref<128x16xf32, #tpu.memory_space<vmem>>, %arg14: memref<10000x16xf32, #tpu.memory_space<vmem_shared>>) attributes {dimension_semantics = [#tpu.dimension_semantics<core_parallel>, #tpu.dimension_semantics<subcore_parallel>], iteration_bounds = array<i64: 2, 16>, scalar_prefetch = 0 : i64, scratch_operands = 7 : i64, tpu.core_type = #tpu.core_type<sc_vector_subcore>, window_params = [{transform_indices = #map}, {transform_indices = #map}, {transform_indices = #map}, {transform_indices = #map}, {transform_indices = #map1}, {transform_indices = #map1}]} {
    %scan3A = arith.constant 0 : i32
    %scan3A_0 = arith.constant 0 : i32
    %scan3A_1 = arith.constant 128 : i32
    %scan3A_2 = arith.addi %scan3A_0, %scan3A_1 : i32
    %scan3A_3 = arith.constant 1 : i32
    scf.for %scan3A_42 = %scan3A_0 to %scan3A_2 step %scan3A_3  : i32 {
      %iota3A = tpu.iota {dimensions = array<i32: 0>} : vector<16xi32>
      %eq3A = arith.constant 0 : i32
      %eq3A_43 = vector.broadcast %eq3A : i32 to vector<16xi32>
      %eq3A_44 = arith.cmpi eq, %iota3A, %eq3A_43 : vector<16xi32>
      %jit3A = arith.constant 1.000000e+00 : f32
      %jit3A_45 = arith.constant 0.000000e+00 : f32
      %broadcast_in_dim3A = vector.broadcast %jit3A : f32 to vector<16xf32>
      %broadcast_in_dim3A_46 = vector.broadcast %jit3A_45 : f32 to vector<16xf32>
      %select_n3A = arith.select %eq3A_44, %broadcast_in_dim3A, %broadcast_in_dim3A_46 : vector<16xi1>, vector<16xf32>
      %swap3A = arith.index_cast %scan3A_42 : i32 to index
      %swap3A_47 = arith.constant 0 : index
      %swap3A_48 = tpu.vector_load %arg13[%swap3A, %swap3A_47] {strides = array<i32>} : memref<128x16xf32, #tpu.memory_space<vmem>>, vector<16xf32>,
      tpu.vector_store %arg13[%swap3A, %swap3A_47], %select_n3A {strides = array<i32>} : memref<128x16xf32, #tpu.memory_space<vmem>>, vector<16xf32>,
    }
    %scan3A_4 = arith.constant 128 : i32
    %mul3A = arith.constant 625 : i32
    %mul3A_5 = arith.muli %arg1, %mul3A : i32
    %add3A = arith.constant 0 : i32
    %add3A_6 = arith.addi %mul3A_5, %add3A : i32
    "tpu.region"() ({
      %run_scoped3A = tpu.sem_alloc : memref<!tpu.dma_semaphore, #tpu.memory_space<semaphore_mem>>
      %dma_start3A = arith.constant 0 : i32
      %dma_start3A_42 = tpu.memref_slice %arg10[%add3A_6, %dma_start3A] : memref<10000x128xf32, #tpu.memory_space<vmem_shared>> -> memref<125x128xf32, #tpu.memory_space<vmem_shared>>
      tpu.enqueue_dma source(%arg4 : memref<125x128xf32, #tpu.memory_space<hbm>>) target(%dma_start3A_42 : memref<125x128xf32, #tpu.memory_space<vmem_shared>>) target_semaphore(%run_scoped3A : memref<!tpu.dma_semaphore, #tpu.memory_space<semaphore_mem>>)
      %dma_wait3A = arith.constant 0 : i32
      %dma_wait3A_43 = tpu.memref_slice %arg10[%add3A_6, %dma_wait3A] : memref<10000x128xf32, #tpu.memory_space<vmem_shared>> -> memref<125x128xf32, #tpu.memory_space<vmem_shared>>
      tpu.wait_dma2 semaphore(%run_scoped3A : memref<!tpu.dma_semaphore, #tpu.memory_space<semaphore_mem>>) src(%arg4 : memref<125x128xf32, #tpu.memory_space<hbm>>) dst(%dma_wait3A_43 : memref<125x128xf32, #tpu.memory_space<vmem_shared>>)
      tpu.yield
    }) : () -> ()
    "tpu.region"() ({
      %run_scoped3A = tpu.sem_alloc : memref<!tpu.dma_semaphore, #tpu.memory_space<semaphore_mem>>
      %dma_start3A = arith.constant 0 : i32
      %dma_start3A_42 = tpu.memref_slice %arg14[%add3A_6, %dma_start3A] : memref<10000x16xf32, #tpu.memory_space<vmem_shared>> -> memref<125x16xf32, #tpu.memory_space<vmem_shared>>
      tpu.enqueue_dma source(%arg5 : memref<125x16xf32, #tpu.memory_space<hbm>>) target(%dma_start3A_42 : memref<125x16xf32, #tpu.memory_space<vmem_shared>>) target_semaphore(%run_scoped3A : memref<!tpu.dma_semaphore, #tpu.memory_space<semaphore_mem>>)
      %dma_wait3A = arith.constant 0 : i32
      %dma_wait3A_43 = tpu.memref_slice %arg14[%add3A_6, %dma_wait3A] : memref<10000x16xf32, #tpu.memory_space<vmem_shared>> -> memref<125x16xf32, #tpu.memory_space<vmem_shared>>
      tpu.wait_dma2 semaphore(%run_scoped3A : memref<!tpu.dma_semaphore, #tpu.memory_space<semaphore_mem>>) src(%arg5 : memref<125x16xf32, #tpu.memory_space<hbm>>) dst(%dma_wait3A_43 : memref<125x16xf32, #tpu.memory_space<vmem_shared>>)
      tpu.yield
    }) : () -> ()
    %mul3A_7 = arith.constant 625 : i32
    %mul3A_8 = arith.muli %arg1, %mul3A_7 : i32
    %add3A_9 = arith.constant 125 : i32
    %add3A_10 = arith.addi %mul3A_8, %add3A_9 : i32
    "tpu.region"() ({
      %run_scoped3A = tpu.sem_alloc : memref<!tpu.dma_semaphore, #tpu.memory_space<semaphore_mem>>
      %dma_start3A = arith.constant 0 : i32
      %dma_start3A_42 = tpu.memref_slice %arg10[%add3A_10, %dma_start3A] : memref<10000x128xf32, #tpu.memory_space<vmem_shared>> -> memref<125x128xf32, #tpu.memory_space<vmem_shared>>
      tpu.enqueue_dma source(%arg4 : memref<125x128xf32, #tpu.memory_space<hbm>>) target(%dma_start3A_42 : memref<125x128xf32, #tpu.memory_space<vmem_shared>>) target_semaphore(%run_scoped3A : memref<!tpu.dma_semaphore, #tpu.memory_space<semaphore_mem>>)
      %dma_wait3A = arith.constant 0 : i32
      %dma_wait3A_43 = tpu.memref_slice %arg10[%add3A_10, %dma_wait3A] : memref<10000x128xf32, #tpu.memory_space<vmem_shared>> -> memref<125x128xf32, #tpu.memory_space<vmem_shared>>
      tpu.wait_dma2 semaphore(%run_scoped3A : memref<!tpu.dma_semaphore, #tpu.memory_space<semaphore_mem>>) src(%arg4 : memref<125x128xf32, #tpu.memory_space<hbm>>) dst(%dma_wait3A_43 : memref<125x128xf32, #tpu.memory_space<vmem_shared>>)
      tpu.yield
    }) : () -> ()
    "tpu.region"() ({
      %run_scoped3A = tpu.sem_alloc : memref<!tpu.dma_semaphore, #tpu.memory_space<semaphore_mem>>
      %dma_start3A = arith.constant 0 : i32
      %dma_start3A_42 = tpu.memref_slice %arg14[%add3A_10, %dma_start3A] : memref<10000x16xf32, #tpu.memory_space<vmem_shared>> -> memref<125x16xf32, #tpu.memory_space<vmem_shared>>
      tpu.enqueue_dma source(%arg5 : memref<125x16xf32, #tpu.memory_space<hbm>>) target(%dma_start3A_42 : memref<125x16xf32, #tpu.memory_space<vmem_shared>>) target_semaphore(%run_scoped3A : memref<!tpu.dma_semaphore, #tpu.memory_space<semaphore_mem>>)
      %dma_wait3A = arith.constant 0 : i32
      %dma_wait3A_43 = tpu.memref_slice %arg14[%add3A_10, %dma_wait3A] : memref<10000x16xf32, #tpu.memory_space<vmem_shared>> -> memref<125x16xf32, #tpu.memory_space<vmem_shared>>
      tpu.wait_dma2 semaphore(%run_scoped3A : memref<!tpu.dma_semaphore, #tpu.memory_space<semaphore_mem>>) src(%arg5 : memref<125x16xf32, #tpu.memory_space<hbm>>) dst(%dma_wait3A_43 : memref<125x16xf32, #tpu.memory_space<vmem_shared>>)
      tpu.yield
    }) : () -> ()
    %mul3A_11 = arith.constant 625 : i32
    %mul3A_12 = arith.muli %arg1, %mul3A_11 : i32
    %add3A_13 = arith.constant 250 : i32
    %add3A_14 = arith.addi %mul3A_12, %add3A_13 : i32
    "tpu.region"() ({
      %run_scoped3A = tpu.sem_alloc : memref<!tpu.dma_semaphore, #tpu.memory_space<semaphore_mem>>
      %dma_start3A = arith.constant 0 : i32
      %dma_start3A_42 = tpu.memref_slice %arg10[%add3A_14, %dma_start3A] : memref<10000x128xf32, #tpu.memory_space<vmem_shared>> -> memref<125x128xf32, #tpu.memory_space<vmem_shared>>
      tpu.enqueue_dma source(%arg4 : memref<125x128xf32, #tpu.memory_space<hbm>>) target(%dma_start3A_42 : memref<125x128xf32, #tpu.memory_space<vmem_shared>>) target_semaphore(%run_scoped3A : memref<!tpu.dma_semaphore, #tpu.memory_space<semaphore_mem>>)
      %dma_wait3A = arith.constant 0 : i32
      %dma_wait3A_43 = tpu.memref_slice %arg10[%add3A_14, %dma_wait3A] : memref<10000x128xf32, #tpu.memory_space<vmem_shared>> -> memref<125x128xf32, #tpu.memory_space<vmem_shared>>
      tpu.wait_dma2 semaphore(%run_scoped3A : memref<!tpu.dma_semaphore, #tpu.memory_space<semaphore_mem>>) src(%arg4 : memref<125x128xf32, #tpu.memory_space<hbm>>) dst(%dma_wait3A_43 : memref<125x128xf32, #tpu.memory_space<vmem_shared>>)
      tpu.yield
    }) : () -> ()
    "tpu.region"() ({
      %run_scoped3A = tpu.sem_alloc : memref<!tpu.dma_semaphore, #tpu.memory_space<semaphore_mem>>
      %dma_start3A = arith.constant 0 : i32
      %dma_start3A_42 = tpu.memref_slice %arg14[%add3A_14, %dma_start3A] : memref<10000x16xf32, #tpu.memory_space<vmem_shared>> -> memref<125x16xf32, #tpu.memory_space<vmem_shared>>
      tpu.enqueue_dma source(%arg5 : memref<125x16xf32, #tpu.memory_space<hbm>>) target(%dma_start3A_42 : memref<125x16xf32, #tpu.memory_space<vmem_shared>>) target_semaphore(%run_scoped3A : memref<!tpu.dma_semaphore, #tpu.memory_space<semaphore_mem>>)
      %dma_wait3A = arith.constant 0 : i32
      %dma_wait3A_43 = tpu.memref_slice %arg14[%add3A_14, %dma_wait3A] : memref<10000x16xf32, #tpu.memory_space<vmem_shared>> -> memref<125x16xf32, #tpu.memory_space<vmem_shared>>
      tpu.wait_dma2 semaphore(%run_scoped3A : memref<!tpu.dma_semaphore, #tpu.memory_space<semaphore_mem>>) src(%arg5 : memref<125x16xf32, #tpu.memory_space<hbm>>) dst(%dma_wait3A_43 : memref<125x16xf32, #tpu.memory_space<vmem_shared>>)
      tpu.yield
    }) : () -> ()
    %mul3A_15 = arith.constant 625 : i32
    %mul3A_16 = arith.muli %arg1, %mul3A_15 : i32
    %add3A_17 = arith.constant 375 : i32
    %add3A_18 = arith.addi %mul3A_16, %add3A_17 : i32
    "tpu.region"() ({
      %run_scoped3A = tpu.sem_alloc : memref<!tpu.dma_semaphore, #tpu.memory_space<semaphore_mem>>
      %dma_start3A = arith.constant 0 : i32
      %dma_start3A_42 = tpu.memref_slice %arg10[%add3A_18, %dma_start3A] : memref<10000x128xf32, #tpu.memory_space<vmem_shared>> -> memref<125x128xf32, #tpu.memory_space<vmem_shared>>
      tpu.enqueue_dma source(%arg4 : memref<125x128xf32, #tpu.memory_space<hbm>>) target(%dma_start3A_42 : memref<125x128xf32, #tpu.memory_space<vmem_shared>>) target_semaphore(%run_scoped3A : memref<!tpu.dma_semaphore, #tpu.memory_space<semaphore_mem>>)
      %dma_wait3A = arith.constant 0 : i32
      %dma_wait3A_43 = tpu.memref_slice %arg10[%add3A_18, %dma_wait3A] : memref<10000x128xf32, #tpu.memory_space<vmem_shared>> -> memref<125x128xf32, #tpu.memory_space<vmem_shared>>
      tpu.wait_dma2 semaphore(%run_scoped3A : memref<!tpu.dma_semaphore, #tpu.memory_space<semaphore_mem>>) src(%arg4 : memref<125x128xf32, #tpu.memory_space<hbm>>) dst(%dma_wait3A_43 : memref<125x128xf32, #tpu.memory_space<vmem_shared>>)
      tpu.yield
    }) : () -> ()
    "tpu.region"() ({
      %run_scoped3A = tpu.sem_alloc : memref<!tpu.dma_semaphore, #tpu.memory_space<semaphore_mem>>
      %dma_start3A = arith.constant 0 : i32
      %dma_start3A_42 = tpu.memref_slice %arg14[%add3A_18, %dma_start3A] : memref<10000x16xf32, #tpu.memory_space<vmem_shared>> -> memref<125x16xf32, #tpu.memory_space<vmem_shared>>
      tpu.enqueue_dma source(%arg5 : memref<125x16xf32, #tpu.memory_space<hbm>>) target(%dma_start3A_42 : memref<125x16xf32, #tpu.memory_space<vmem_shared>>) target_semaphore(%run_scoped3A : memref<!tpu.dma_semaphore, #tpu.memory_space<semaphore_mem>>)
      %dma_wait3A = arith.constant 0 : i32
      %dma_wait3A_43 = tpu.memref_slice %arg14[%add3A_18, %dma_wait3A] : memref<10000x16xf32, #tpu.memory_space<vmem_shared>> -> memref<125x16xf32, #tpu.memory_space<vmem_shared>>
      tpu.wait_dma2 semaphore(%run_scoped3A : memref<!tpu.dma_semaphore, #tpu.memory_space<semaphore_mem>>) src(%arg5 : memref<125x16xf32, #tpu.memory_space<hbm>>) dst(%dma_wait3A_43 : memref<125x16xf32, #tpu.memory_space<vmem_shared>>)
      tpu.yield
    }) : () -> ()
    %mul3A_19 = arith.constant 625 : i32
    %mul3A_20 = arith.muli %arg1, %mul3A_19 : i32
    %add3A_21 = arith.constant 500 : i32
    %add3A_22 = arith.addi %mul3A_20, %add3A_21 : i32
    "tpu.region"() ({
      %run_scoped3A = tpu.sem_alloc : memref<!tpu.dma_semaphore, #tpu.memory_space<semaphore_mem>>
      %dma_start3A = arith.constant 0 : i32
      %dma_start3A_42 = tpu.memref_slice %arg10[%add3A_22, %dma_start3A] : memref<10000x128xf32, #tpu.memory_space<vmem_shared>> -> memref<125x128xf32, #tpu.memory_space<vmem_shared>>
      tpu.enqueue_dma source(%arg4 : memref<125x128xf32, #tpu.memory_space<hbm>>) target(%dma_start3A_42 : memref<125x128xf32, #tpu.memory_space<vmem_shared>>) target_semaphore(%run_scoped3A : memref<!tpu.dma_semaphore, #tpu.memory_space<semaphore_mem>>)
      %dma_wait3A = arith.constant 0 : i32
      %dma_wait3A_43 = tpu.memref_slice %arg10[%add3A_22, %dma_wait3A] : memref<10000x128xf32, #tpu.memory_space<vmem_shared>> -> memref<125x128xf32, #tpu.memory_space<vmem_shared>>
      tpu.wait_dma2 semaphore(%run_scoped3A : memref<!tpu.dma_semaphore, #tpu.memory_space<semaphore_mem>>) src(%arg4 : memref<125x128xf32, #tpu.memory_space<hbm>>) dst(%dma_wait3A_43 : memref<125x128xf32, #tpu.memory_space<vmem_shared>>)
      tpu.yield
    }) : () -> ()
    "tpu.region"() ({
      %run_scoped3A = tpu.sem_alloc : memref<!tpu.dma_semaphore, #tpu.memory_space<semaphore_mem>>
      %dma_start3A = arith.constant 0 : i32
      %dma_start3A_42 = tpu.memref_slice %arg14[%add3A_22, %dma_start3A] : memref<10000x16xf32, #tpu.memory_space<vmem_shared>> -> memref<125x16xf32, #tpu.memory_space<vmem_shared>>
      tpu.enqueue_dma source(%arg5 : memref<125x16xf32, #tpu.memory_space<hbm>>) target(%dma_start3A_42 : memref<125x16xf32, #tpu.memory_space<vmem_shared>>) target_semaphore(%run_scoped3A : memref<!tpu.dma_semaphore, #tpu.memory_space<semaphore_mem>>)
      %dma_wait3A = arith.constant 0 : i32
      %dma_wait3A_43 = tpu.memref_slice %arg14[%add3A_22, %dma_wait3A] : memref<10000x16xf32, #tpu.memory_space<vmem_shared>> -> memref<125x16xf32, #tpu.memory_space<vmem_shared>>
      tpu.wait_dma2 semaphore(%run_scoped3A : memref<!tpu.dma_semaphore, #tpu.memory_space<semaphore_mem>>) src(%arg5 : memref<125x16xf32, #tpu.memory_space<hbm>>) dst(%dma_wait3A_43 : memref<125x16xf32, #tpu.memory_space<vmem_shared>>)
      tpu.yield
    }) : () -> ()
    %barrier3A = arith.constant 0 : index
    tpu.barrier barrier_id(%barrier3A)
    %mul3A_23 = arith.constant 1250 : i32
    %mul3A_24 = arith.muli %arg0, %mul3A_23 : i32
    %mul3A_25 = arith.constant 79 : i32
    %mul3A_26 = arith.muli %arg1, %mul3A_25 : i32
    %add3A_27 = arith.addi %mul3A_24, %mul3A_26 : i32
    %add3A_28 = arith.constant 1 : i32
    %add3A_29 = arith.addi %arg0, %add3A_28 : i32
    %mul3A_30 = arith.constant 1250 : i32
    %mul3A_31 = arith.muli %add3A_29, %mul3A_30 : i32
    %lt3A = arith.cmpi slt, %add3A_27, %mul3A_31 : i32
    %convert_element_type3A = arith.extui %lt3A : i1 to i32
    %cond3A = arith.constant 0 : i32
    %cond3A_32 = arith.cmpi ne, %convert_element_type3A, %cond3A : i32
    scf.if %cond3A_32 {
      %dma_start3A = arith.constant 0 : i32
      %dma_start3A_42 = arith.constant 0 : i32
      %dma_start3A_43 = arith.constant 0 : i32
      %dma_start3A_44 = tpu.memref_slice %arg8[%dma_start3A, %dma_start3A_42, %dma_start3A_43] : memref<2x1x128xi32, #tpu.memory_space<vmem>> -> memref<1x1x128xi32, #tpu.memory_space<vmem>>
      %dma_start3A_45 = tpu.memref_squeeze %dma_start3A_44 : memref<1x1x128xi32, #tpu.memory_space<vmem>> -> memref<1x128xi32, #tpu.memory_space<vmem>>
      %dma_start3A_46 = arith.constant 0 : i32
      %dma_start3A_47 = tpu.memref_slice %arg3[%add3A_27, %dma_start3A_46] : memref<2500x128xi32, #tpu.memory_space<hbm>> -> memref<1x128xi32, #tpu.memory_space<hbm>>
      %dma_start3A_48 = arith.constant 0 : i32
      %dma_start3A_49 = arith.constant 0 : i32
      %dma_start3A_50 = tpu.memref_slice %arg8[%dma_start3A, %dma_start3A_48, %dma_start3A_49] : memref<2x1x128xi32, #tpu.memory_space<vmem>> -> memref<1x1x128xi32, #tpu.memory_space<vmem>>
      %dma_start3A_51 = tpu.memref_squeeze %dma_start3A_50 : memref<1x1x128xi32, #tpu.memory_space<vmem>> -> memref<1x128xi32, #tpu.memory_space<vmem>>
      %dma_start3A_52 = arith.constant 0 : i32
      %dma_start3A_53 = tpu.memref_slice %arg3[%add3A_27, %dma_start3A_52] : memref<2500x128xi32, #tpu.memory_space<hbm>> -> memref<1x128xi32, #tpu.memory_space<hbm>>
      tpu.enqueue_dma source(%dma_start3A_53 : memref<1x128xi32, #tpu.memory_space<hbm>>) target(%dma_start3A_51 : memref<1x128xi32, #tpu.memory_space<vmem>>) target_semaphore(%arg11 : memref<!tpu.dma_semaphore, #tpu.memory_space<semaphore_mem>>)
      %mul3A_54 = arith.constant 128 : i32
      %mul3A_55 = arith.muli %add3A_27, %mul3A_54 : i32
      %dma_start3A_56 = arith.constant 0 : i32
      %dma_start3A_57 = arith.constant 0 : i32
      %dma_start3A_58 = arith.constant 0 : i32
      %dma_start3A_59 = tpu.memref_slice %arg9[%dma_start3A_56, %dma_start3A_57, %dma_start3A_58] : memref<2x128x128xf32, #tpu.memory_space<vmem>> -> memref<1x128x128xf32, #tpu.memory_space<vmem>>
      %dma_start3A_60 = tpu.memref_squeeze %dma_start3A_59 : memref<1x128x128xf32, #tpu.memory_space<vmem>> -> memref<128x128xf32, #tpu.memory_space<vmem>>
      %dma_start3A_61 = arith.constant 0 : i32
      %dma_start3A_62 = tpu.memref_slice %arg2[%mul3A_55, %dma_start3A_61] : memref<320000x128xf32, #tpu.memory_space<hbm>> -> memref<128x128xf32, #tpu.memory_space<hbm>>
      %dma_start3A_63 = arith.constant 0 : i32
      %dma_start3A_64 = arith.constant 0 : i32
      %dma_start3A_65 = tpu.memref_slice %arg9[%dma_start3A_56, %dma_start3A_63, %dma_start3A_64] : memref<2x128x128xf32, #tpu.memory_space<vmem>> -> memref<1x128x128xf32, #tpu.memory_space<vmem>>
      %dma_start3A_66 = tpu.memref_squeeze %dma_start3A_65 : memref<1x128x128xf32, #tpu.memory_space<vmem>> -> memref<128x128xf32, #tpu.memory_space<vmem>>
      %dma_start3A_67 = arith.constant 0 : i32
      %dma_start3A_68 = tpu.memref_slice %arg2[%mul3A_55, %dma_start3A_67] : memref<320000x128xf32, #tpu.memory_space<hbm>> -> memref<128x128xf32, #tpu.memory_space<hbm>>
      tpu.enqueue_dma source(%dma_start3A_68 : memref<128x128xf32, #tpu.memory_space<hbm>>) target(%dma_start3A_66 : memref<128x128xf32, #tpu.memory_space<vmem>>) target_semaphore(%arg12 : memref<!tpu.dma_semaphore, #tpu.memory_space<semaphore_mem>>)
    } else {
    }
    %scan3A_33 = arith.constant 0 : i32
    %scan3A_34 = arith.constant 0 : i32
    %scan3A_35 = arith.constant 79 : i32
    %scan3A_36 = arith.addi %scan3A_34, %scan3A_35 : i32
    %scan3A_37 = arith.constant 1 : i32
    scf.for %scan3A_42 = %scan3A_34 to %scan3A_36 step %scan3A_37  : i32 {
      %add3A_43 = arith.addi %add3A_27, %scan3A_42 : i32
      %and3A = arith.constant 1 : i32
      %and3A_44 = arith.andi %scan3A_42, %and3A : i32
      %lt3A_45 = arith.cmpi slt, %add3A_43, %mul3A_31 : i32
      %convert_element_type3A_46 = arith.extui %lt3A_45 : i1 to i32
      %cond3A_47 = arith.constant 0 : i32
      %cond3A_48 = arith.cmpi ne, %convert_element_type3A_46, %cond3A_47 : i32
      scf.if %cond3A_48 {
        %dma_wait3A = arith.constant 0 : i32
        %dma_wait3A_49 = arith.constant 0 : i32
        %dma_wait3A_50 = tpu.memref_slice %arg8[%and3A_44, %dma_wait3A, %dma_wait3A_49] : memref<2x1x128xi32, #tpu.memory_space<vmem>> -> memref<1x1x128xi32, #tpu.memory_space<vmem>>
        %dma_wait3A_51 = tpu.memref_squeeze %dma_wait3A_50 : memref<1x1x128xi32, #tpu.memory_space<vmem>> -> memref<1x128xi32, #tpu.memory_space<vmem>>
        %dma_wait3A_52 = arith.constant 0 : i32
        %dma_wait3A_53 = arith.constant 0 : i32
        %dma_wait3A_54 = tpu.memref_slice %arg3[%dma_wait3A_52, %dma_wait3A_53] : memref<2500x128xi32, #tpu.memory_space<hbm>> -> memref<1x128xi32, #tpu.memory_space<hbm>>
        %dma_wait3A_55 = arith.constant 0 : i32
        %dma_wait3A_56 = arith.constant 0 : i32
        %dma_wait3A_57 = tpu.memref_slice %arg8[%and3A_44, %dma_wait3A_55, %dma_wait3A_56] : memref<2x1x128xi32, #tpu.memory_space<vmem>> -> memref<1x1x128xi32, #tpu.memory_space<vmem>>
        %dma_wait3A_58 = tpu.memref_squeeze %dma_wait3A_57 : memref<1x1x128xi32, #tpu.memory_space<vmem>> -> memref<1x128xi32, #tpu.memory_space<vmem>>
        %dma_wait3A_59 = arith.constant 0 : i32
        %dma_wait3A_60 = arith.constant 0 : i32
        %dma_wait3A_61 = tpu.memref_slice %arg3[%dma_wait3A_59, %dma_wait3A_60] : memref<2500x128xi32, #tpu.memory_space<hbm>> -> memref<1x128xi32, #tpu.memory_space<hbm>>
        tpu.wait_dma2 semaphore(%arg11 : memref<!tpu.dma_semaphore, #tpu.memory_space<semaphore_mem>>) src(%dma_wait3A_61 : memref<1x128xi32, #tpu.memory_space<hbm>>) dst(%dma_wait3A_58 : memref<1x128xi32, #tpu.memory_space<vmem>>)
        %dma_wait3A_62 = arith.constant 0 : i32
        %dma_wait3A_63 = arith.constant 0 : i32
        %dma_wait3A_64 = tpu.memref_slice %arg9[%and3A_44, %dma_wait3A_62, %dma_wait3A_63] : memref<2x128x128xf32, #tpu.memory_space<vmem>> -> memref<1x128x128xf32, #tpu.memory_space<vmem>>
        %dma_wait3A_65 = tpu.memref_squeeze %dma_wait3A_64 : memref<1x128x128xf32, #tpu.memory_space<vmem>> -> memref<128x128xf32, #tpu.memory_space<vmem>>
        %dma_wait3A_66 = arith.constant 0 : i32
        %dma_wait3A_67 = arith.constant 0 : i32
        %dma_wait3A_68 = tpu.memref_slice %arg2[%dma_wait3A_66, %dma_wait3A_67] : memref<320000x128xf32, #tpu.memory_space<hbm>> -> memref<128x128xf32, #tpu.memory_space<hbm>>
        %dma_wait3A_69 = arith.constant 0 : i32
        %dma_wait3A_70 = arith.constant 0 : i32
        %dma_wait3A_71 = tpu.memref_slice %arg9[%and3A_44, %dma_wait3A_69, %dma_wait3A_70] : memref<2x128x128xf32, #tpu.memory_space<vmem>> -> memref<1x128x128xf32, #tpu.memory_space<vmem>>
        %dma_wait3A_72 = tpu.memref_squeeze %dma_wait3A_71 : memref<1x128x128xf32, #tpu.memory_space<vmem>> -> memref<128x128xf32, #tpu.memory_space<vmem>>
        %dma_wait3A_73 = arith.constant 0 : i32
        %dma_wait3A_74 = arith.constant 0 : i32
        %dma_wait3A_75 = tpu.memref_slice %arg2[%dma_wait3A_73, %dma_wait3A_74] : memref<320000x128xf32, #tpu.memory_space<hbm>> -> memref<128x128xf32, #tpu.memory_space<hbm>>
        tpu.wait_dma2 semaphore(%arg12 : memref<!tpu.dma_semaphore, #tpu.memory_space<semaphore_mem>>) src(%dma_wait3A_75 : memref<128x128xf32, #tpu.memory_space<hbm>>) dst(%dma_wait3A_72 : memref<128x128xf32, #tpu.memory_space<vmem>>)
        %lt3A_76 = arith.constant 78 : i32
        %lt3A_77 = arith.cmpi slt, %scan3A_42, %lt3A_76 : i32
        %add3A_78 = arith.constant 1 : i32
        %add3A_79 = arith.addi %add3A_43, %add3A_78 : i32
        %lt3A_80 = arith.cmpi slt, %add3A_79, %mul3A_31 : i32
        %and3A_81 = arith.andi %lt3A_77, %lt3A_80 : i1
        %convert_element_type3A_82 = arith.extui %and3A_81 : i1 to i32
        %cond3A_83 = arith.constant 0 : i32
        %cond3A_84 = arith.cmpi ne, %convert_element_type3A_82, %cond3A_83 : i32
        scf.if %cond3A_84 {
          %add3A_86 = arith.constant 1 : i32
          %add3A_87 = arith.addi %add3A_43, %add3A_86 : i32
          %sub3A = arith.constant 1 : i32
          %sub3A_88 = arith.subi %sub3A, %and3A_44 : i32
          %dma_start3A = arith.constant 0 : i32
          %dma_start3A_89 = arith.constant 0 : i32
          %dma_start3A_90 = tpu.memref_slice %arg8[%sub3A_88, %dma_start3A, %dma_start3A_89] : memref<2x1x128xi32, #tpu.memory_space<vmem>> -> memref<1x1x128xi32, #tpu.memory_space<vmem>>
          %dma_start3A_91 = tpu.memref_squeeze %dma_start3A_90 : memref<1x1x128xi32, #tpu.memory_space<vmem>> -> memref<1x128xi32, #tpu.memory_space<vmem>>
          %dma_start3A_92 = arith.constant 0 : i32
          %dma_start3A_93 = tpu.memref_slice %arg3[%add3A_87, %dma_start3A_92] : memref<2500x128xi32, #tpu.memory_space<hbm>> -> memref<1x128xi32, #tpu.memory_space<hbm>>
          %dma_start3A_94 = arith.constant 0 : i32
          %dma_start3A_95 = arith.constant 0 : i32
          %dma_start3A_96 = tpu.memref_slice %arg8[%sub3A_88, %dma_start3A_94, %dma_start3A_95] : memref<2x1x128xi32, #tpu.memory_space<vmem>> -> memref<1x1x128xi32, #tpu.memory_space<vmem>>
          %dma_start3A_97 = tpu.memref_squeeze %dma_start3A_96 : memref<1x1x128xi32, #tpu.memory_space<vmem>> -> memref<1x128xi32, #tpu.memory_space<vmem>>
          %dma_start3A_98 = arith.constant 0 : i32
          %dma_start3A_99 = tpu.memref_slice %arg3[%add3A_87, %dma_start3A_98] : memref<2500x128xi32, #tpu.memory_space<hbm>> -> memref<1x128xi32, #tpu.memory_space<hbm>>
          tpu.enqueue_dma source(%dma_start3A_99 : memref<1x128xi32, #tpu.memory_space<hbm>>) target(%dma_start3A_97 : memref<1x128xi32, #tpu.memory_space<vmem>>) target_semaphore(%arg11 : memref<!tpu.dma_semaphore, #tpu.memory_space<semaphore_mem>>)
          %mul3A_100 = arith.constant 128 : i32
          %mul3A_101 = arith.muli %add3A_87, %mul3A_100 : i32
          %dma_start3A_102 = arith.constant 0 : i32
          %dma_start3A_103 = arith.constant 0 : i32
          %dma_start3A_104 = tpu.memref_slice %arg9[%sub3A_88, %dma_start3A_102, %dma_start3A_103] : memref<2x128x128xf32, #tpu.memory_space<vmem>> -> memref<1x128x128xf32, #tpu.memory_space<vmem>>
          %dma_start3A_105 = tpu.memref_squeeze %dma_start3A_104 : memref<1x128x128xf32, #tpu.memory_space<vmem>> -> memref<128x128xf32, #tpu.memory_space<vmem>>
          %dma_start3A_106 = arith.constant 0 : i32
          %dma_start3A_107 = tpu.memref_slice %arg2[%mul3A_101, %dma_start3A_106] : memref<320000x128xf32, #tpu.memory_space<hbm>> -> memref<128x128xf32, #tpu.memory_space<hbm>>
          %dma_start3A_108 = arith.constant 0 : i32
          %dma_start3A_109 = arith.constant 0 : i32
          %dma_start3A_110 = tpu.memref_slice %arg9[%sub3A_88, %dma_start3A_108, %dma_start3A_109] : memref<2x128x128xf32, #tpu.memory_space<vmem>> -> memref<1x128x128xf32, #tpu.memory_space<vmem>>
          %dma_start3A_111 = tpu.memref_squeeze %dma_start3A_110 : memref<1x128x128xf32, #tpu.memory_space<vmem>> -> memref<128x128xf32, #tpu.memory_space<vmem>>
          %dma_start3A_112 = arith.constant 0 : i32
          %dma_start3A_113 = tpu.memref_slice %arg2[%mul3A_101, %dma_start3A_112] : memref<320000x128xf32, #tpu.memory_space<hbm>> -> memref<128x128xf32, #tpu.memory_space<hbm>>
          tpu.enqueue_dma source(%dma_start3A_113 : memref<128x128xf32, #tpu.memory_space<hbm>>) target(%dma_start3A_111 : memref<128x128xf32, #tpu.memory_space<vmem>>) target_semaphore(%arg12 : memref<!tpu.dma_semaphore, #tpu.memory_space<semaphore_mem>>)
        } else {
        }
        %run_scoped3A = arith.constant 0 : i32
        "tpu.region"() ({
          %run_scoped3A_86 = tpu.sem_alloc : memref<!tpu.dma_semaphore, #tpu.memory_space<semaphore_mem>>
          %dma_start3A = arith.constant 0 : i32
          %dma_start3A_87 = arith.constant 0 : i32
          %dma_start3A_88 = tpu.memref_slice %arg9[%and3A_44, %dma_start3A, %dma_start3A_87] : memref<2x128x128xf32, #tpu.memory_space<vmem>> -> memref<1x128x128xf32, #tpu.memory_space<vmem>>
          %dma_start3A_89 = tpu.memref_squeeze %dma_start3A_88 : memref<1x128x128xf32, #tpu.memory_space<vmem>> -> memref<128x128xf32, #tpu.memory_space<vmem>>
          %dma_start3A_90 = arith.constant 0 : i32
          %dma_start3A_91 = tpu.memref_slice %arg8[%and3A_44, %run_scoped3A, %dma_start3A_90] : memref<2x1x128xi32, #tpu.memory_space<vmem>> -> memref<1x1x128xi32, #tpu.memory_space<vmem>>
          %dma_start3A_92 = tpu.memref_squeeze %dma_start3A_91 : memref<1x1x128xi32, #tpu.memory_space<vmem>> -> memref<128xi32, #tpu.memory_space<vmem>>
          %dma_start3A_93 = arith.constant 0 : i32
          %dma_start3A_94 = arith.constant 0 : i32
          %dma_start3A_95 = tpu.memref_slice %arg10[%dma_start3A_93, %dma_start3A_94] : memref<10000x128xf32, #tpu.memory_space<vmem_shared>> -> memref<10000x128xf32, #tpu.memory_space<vmem_shared>>
          tpu.enqueue_indirect_dma source(%dma_start3A_89 : memref<128x128xf32, #tpu.memory_space<vmem>>) target(%dma_start3A_95 : memref<10000x128xf32, #tpu.memory_space<vmem_shared>>) offsets(%dma_start3A_92 : memref<128xi32, #tpu.memory_space<vmem>>) semaphore(%run_scoped3A_86 : memref<!tpu.dma_semaphore, #tpu.memory_space<semaphore_mem>>) {add = true}
          %dma_wait3A_96 = arith.constant 0 : i32
          %dma_wait3A_97 = arith.constant 0 : i32
          %dma_wait3A_98 = tpu.memref_slice %arg9[%and3A_44, %dma_wait3A_96, %dma_wait3A_97] : memref<2x128x128xf32, #tpu.memory_space<vmem>> -> memref<1x128x128xf32, #tpu.memory_space<vmem>>
          %dma_wait3A_99 = tpu.memref_squeeze %dma_wait3A_98 : memref<1x128x128xf32, #tpu.memory_space<vmem>> -> memref<128x128xf32, #tpu.memory_space<vmem>>
          %dma_wait3A_100 = arith.constant 0 : i32
          %dma_wait3A_101 = tpu.memref_slice %arg8[%and3A_44, %run_scoped3A, %dma_wait3A_100] : memref<2x1x128xi32, #tpu.memory_space<vmem>> -> memref<1x1x128xi32, #tpu.memory_space<vmem>>
          %dma_wait3A_102 = tpu.memref_squeeze %dma_wait3A_101 : memref<1x1x128xi32, #tpu.memory_space<vmem>> -> memref<128xi32, #tpu.memory_space<vmem>>
          %dma_wait3A_103 = arith.constant 0 : i32
          %dma_wait3A_104 = arith.constant 0 : i32
          %dma_wait3A_105 = tpu.memref_slice %arg10[%dma_wait3A_103, %dma_wait3A_104] : memref<10000x128xf32, #tpu.memory_space<vmem_shared>> -> memref<10000x128xf32, #tpu.memory_space<vmem_shared>>
          tpu.wait_indirect_dma semaphore(%run_scoped3A_86 : memref<!tpu.dma_semaphore, #tpu.memory_space<semaphore_mem>>) src(%dma_wait3A_99 : memref<128x128xf32, #tpu.memory_space<vmem>>) dst(%dma_wait3A_105 : memref<10000x128xf32, #tpu.memory_space<vmem_shared>>)
          tpu.yield
        }) : () -> ()
        %run_scoped3A_85 = arith.constant 0 : i32
        "tpu.region"() ({
          %run_scoped3A_86 = tpu.sem_alloc : memref<!tpu.dma_semaphore, #tpu.memory_space<semaphore_mem>>
          %dma_start3A = arith.constant 0 : i32
          %dma_start3A_87 = tpu.memref_slice %arg8[%and3A_44, %run_scoped3A_85, %dma_start3A] : memref<2x1x128xi32, #tpu.memory_space<vmem>> -> memref<1x1x128xi32, #tpu.memory_space<vmem>>
          %dma_start3A_88 = tpu.memref_squeeze %dma_start3A_87 : memref<1x1x128xi32, #tpu.memory_space<vmem>> -> memref<128xi32, #tpu.memory_space<vmem>>
          %dma_start3A_89 = arith.constant 0 : i32
          %dma_start3A_90 = arith.constant 0 : i32
          %dma_start3A_91 = tpu.memref_slice %arg14[%dma_start3A_89, %dma_start3A_90] : memref<10000x16xf32, #tpu.memory_space<vmem_shared>> -> memref<10000x16xf32, #tpu.memory_space<vmem_shared>>
          tpu.enqueue_indirect_dma source(%arg13 : memref<128x16xf32, #tpu.memory_space<vmem>>) target(%dma_start3A_91 : memref<10000x16xf32, #tpu.memory_space<vmem_shared>>) offsets(%dma_start3A_88 : memref<128xi32, #tpu.memory_space<vmem>>) semaphore(%run_scoped3A_86 : memref<!tpu.dma_semaphore, #tpu.memory_space<semaphore_mem>>) {add = true}
          %dma_wait3A_92 = arith.constant 0 : i32
          %dma_wait3A_93 = tpu.memref_slice %arg8[%and3A_44, %run_scoped3A_85, %dma_wait3A_92] : memref<2x1x128xi32, #tpu.memory_space<vmem>> -> memref<1x1x128xi32, #tpu.memory_space<vmem>>
          %dma_wait3A_94 = tpu.memref_squeeze %dma_wait3A_93 : memref<1x1x128xi32, #tpu.memory_space<vmem>> -> memref<128xi32, #tpu.memory_space<vmem>>
          %dma_wait3A_95 = arith.constant 0 : i32
          %dma_wait3A_96 = arith.constant 0 : i32
          %dma_wait3A_97 = tpu.memref_slice %arg14[%dma_wait3A_95, %dma_wait3A_96] : memref<10000x16xf32, #tpu.memory_space<vmem_shared>> -> memref<10000x16xf32, #tpu.memory_space<vmem_shared>>
          tpu.wait_indirect_dma semaphore(%run_scoped3A_86 : memref<!tpu.dma_semaphore, #tpu.memory_space<semaphore_mem>>) src(%arg13 : memref<128x16xf32, #tpu.memory_space<vmem>>) dst(%dma_wait3A_97 : memref<10000x16xf32, #tpu.memory_space<vmem_shared>>)
          tpu.yield
        }) : () -> ()
      } else {
      }
    }
    %scan3A_38 = arith.constant 79 : i32
    %barrier3A_39 = arith.constant 0 : index
    tpu.barrier barrier_id(%barrier3A_39)
    %mul3A_40 = arith.constant 625 : i32
    %mul3A_41 = arith.muli %arg1, %mul3A_40 : i32
    "tpu.region"() ({
      %run_scoped3A = tpu.sem_alloc : memref<!tpu.dma_semaphore, #tpu.memory_space<semaphore_mem>>
      %dma_start3A = arith.constant 0 : i32
      %dma_start3A_42 = tpu.memref_slice %arg6[%arg0, %mul3A_41, %dma_start3A] : memref<2x10000x128xf32, #tpu.memory_space<hbm>> -> memref<1x625x128xf32, #tpu.memory_space<hbm>>
      %dma_start3A_43 = tpu.memref_squeeze %dma_start3A_42 : memref<1x625x128xf32, #tpu.memory_space<hbm>> -> memref<625x128xf32, #tpu.memory_space<hbm>>
      %dma_start3A_44 = arith.constant 0 : i32
      %dma_start3A_45 = tpu.memref_slice %arg10[%mul3A_41, %dma_start3A_44] : memref<10000x128xf32, #tpu.memory_space<vmem_shared>> -> memref<625x128xf32, #tpu.memory_space<vmem_shared>>
      tpu.enqueue_dma source(%dma_start3A_45 : memref<625x128xf32, #tpu.memory_space<vmem_shared>>) target(%dma_start3A_43 : memref<625x128xf32, #tpu.memory_space<hbm>>) target_semaphore(%run_scoped3A : memref<!tpu.dma_semaphore, #tpu.memory_space<semaphore_mem>>)
      %dma_wait3A = arith.constant 0 : i32
      %dma_wait3A_46 = tpu.memref_slice %arg6[%arg0, %mul3A_41, %dma_wait3A] : memref<2x10000x128xf32, #tpu.memory_space<hbm>> -> memref<1x625x128xf32, #tpu.memory_space<hbm>>
      %dma_wait3A_47 = tpu.memref_squeeze %dma_wait3A_46 : memref<1x625x128xf32, #tpu.memory_space<hbm>> -> memref<625x128xf32, #tpu.memory_space<hbm>>
      %dma_wait3A_48 = arith.constant 0 : i32
      %dma_wait3A_49 = tpu.memref_slice %arg10[%mul3A_41, %dma_wait3A_48] : memref<10000x128xf32, #tpu.memory_space<vmem_shared>> -> memref<625x128xf32, #tpu.memory_space<vmem_shared>>
      tpu.wait_dma2 semaphore(%run_scoped3A : memref<!tpu.dma_semaphore, #tpu.memory_space<semaphore_mem>>) src(%dma_wait3A_49 : memref<625x128xf32, #tpu.memory_space<vmem_shared>>) dst(%dma_wait3A_47 : memref<625x128xf32, #tpu.memory_space<hbm>>)
      tpu.yield
    }) : () -> ()
    "tpu.region"() ({
      %run_scoped3A = tpu.sem_alloc : memref<!tpu.dma_semaphore, #tpu.memory_space<semaphore_mem>>
      %dma_start3A = arith.constant 0 : i32
      %dma_start3A_42 = tpu.memref_slice %arg7[%arg0, %mul3A_41, %dma_start3A] : memref<2x10000x16xf32, #tpu.memory_space<hbm>> -> memref<1x625x16xf32, #tpu.memory_space<hbm>>
      %dma_start3A_43 = tpu.memref_squeeze %dma_start3A_42 : memref<1x625x16xf32, #tpu.memory_space<hbm>> -> memref<625x16xf32, #tpu.memory_space<hbm>>
      %dma_start3A_44 = arith.constant 0 : i32
      %dma_start3A_45 = tpu.memref_slice %arg14[%mul3A_41, %dma_start3A_44] : memref<10000x16xf32, #tpu.memory_space<vmem_shared>> -> memref<625x16xf32, #tpu.memory_space<vmem_shared>>
      tpu.enqueue_dma source(%dma_start3A_45 : memref<625x16xf32, #tpu.memory_space<vmem_shared>>) target(%dma_start3A_43 : memref<625x16xf32, #tpu.memory_space<hbm>>) target_semaphore(%run_scoped3A : memref<!tpu.dma_semaphore, #tpu.memory_space<semaphore_mem>>)
      %dma_wait3A = arith.constant 0 : i32
      %dma_wait3A_46 = tpu.memref_slice %arg7[%arg0, %mul3A_41, %dma_wait3A] : memref<2x10000x16xf32, #tpu.memory_space<hbm>> -> memref<1x625x16xf32, #tpu.memory_space<hbm>>
      %dma_wait3A_47 = tpu.memref_squeeze %dma_wait3A_46 : memref<1x625x16xf32, #tpu.memory_space<hbm>> -> memref<625x16xf32, #tpu.memory_space<hbm>>
      %dma_wait3A_48 = arith.constant 0 : i32
      %dma_wait3A_49 = tpu.memref_slice %arg14[%mul3A_41, %dma_wait3A_48] : memref<10000x16xf32, #tpu.memory_space<vmem_shared>> -> memref<625x16xf32, #tpu.memory_space<vmem_shared>>
      tpu.wait_dma2 semaphore(%run_scoped3A : memref<!tpu.dma_semaphore, #tpu.memory_space<semaphore_mem>>) src(%dma_wait3A_49 : memref<625x16xf32, #tpu.memory_space<vmem_shared>>) dst(%dma_wait3A_47 : memref<625x16xf32, #tpu.memory_space<hbm>>)
      tpu.yield
    }) : () -> ()
    return
  }
}

#map = affine_map<(d0, d1) -> (0, 0)>
module attributes {stable_mosaic.version = 14 : i64} {
  func.func @gather_k(%arg0: i32, %arg1: i32, %arg2: memref<10000x64xbf16, #tpu.memory_space<hbm>>, %arg3: memref<10000x64xbf16, #tpu.memory_space<hbm>>, %arg4: memref<2500x128xi32, #tpu.memory_space<hbm>>, %arg5: memref<2500x128xi32, #tpu.memory_space<hbm>>, %arg6: memref<160000x128xf32, #tpu.memory_space<hbm>>, %arg7: memref<2x1x128xi32, #tpu.memory_space<vmem>>, %arg8: memref<2x1x128xi32, #tpu.memory_space<vmem>>, %arg9: memref<2x128x64xbf16, #tpu.memory_space<vmem>>, %arg10: memref<2x128x64xbf16, #tpu.memory_space<vmem>>, %arg11: memref<2x64x128xf32, #tpu.memory_space<vmem>>, %arg12: memref<!tpu.dma_semaphore, #tpu.memory_space<semaphore_mem>>, %arg13: memref<!tpu.dma_semaphore, #tpu.memory_space<semaphore_mem>>, %arg14: memref<!tpu.dma_semaphore, #tpu.memory_space<semaphore_mem>>) attributes {dimension_semantics = [#tpu.dimension_semantics<core_parallel>, #tpu.dimension_semantics<subcore_parallel>], iteration_bounds = array<i64: 2, 16>, scalar_prefetch = 0 : i64, scratch_operands = 8 : i64, tpu.core_type = #tpu.core_type<sc_vector_subcore>, window_params = [{transform_indices = #map}, {transform_indices = #map}, {transform_indices = #map}, {transform_indices = #map}, {transform_indices = #map}]} {
    %mul3A = arith.constant 2 : i32
    %mul3A_0 = arith.muli %arg1, %mul3A : i32
    %add3A = arith.addi %mul3A_0, %arg0 : i32
    %mul3A_1 = arith.constant 79 : i32
    %mul3A_2 = arith.muli %add3A, %mul3A_1 : i32
    %sub3A = arith.constant 2500 : i32
    %sub3A_3 = arith.subi %sub3A, %mul3A_2 : i32
    %jit3A = arith.constant 0 : i32
    %jit3A_4 = arith.constant 79 : i32
    %max3A = arith.maxsi %jit3A, %sub3A_3 : i32
    %min3A = arith.minsi %jit3A_4, %max3A : i32
    %ge3A = arith.constant 1 : i32
    %ge3A_5 = arith.cmpi sge, %min3A, %ge3A : i32
    %convert_element_type3A = arith.extui %ge3A_5 : i1 to i32
    %cond3A = arith.constant 0 : i32
    %cond3A_6 = arith.cmpi ne, %convert_element_type3A, %cond3A : i32
    scf.if %cond3A_6 {
      %dma_start3A = arith.constant 0 : i32
      %dma_start3A_22 = arith.constant 0 : i32
      %dma_start3A_23 = arith.constant 0 : i32
      %dma_start3A_24 = tpu.memref_slice %arg7[%dma_start3A, %dma_start3A_22, %dma_start3A_23] : memref<2x1x128xi32, #tpu.memory_space<vmem>> -> memref<1x1x128xi32, #tpu.memory_space<vmem>>
      %dma_start3A_25 = tpu.memref_squeeze %dma_start3A_24 : memref<1x1x128xi32, #tpu.memory_space<vmem>> -> memref<1x128xi32, #tpu.memory_space<vmem>>
      %dma_start3A_26 = arith.constant 0 : i32
      %dma_start3A_27 = tpu.memref_slice %arg4[%mul3A_2, %dma_start3A_26] : memref<2500x128xi32, #tpu.memory_space<hbm>> -> memref<1x128xi32, #tpu.memory_space<hbm>>
      %dma_start3A_28 = arith.constant 0 : i32
      %dma_start3A_29 = arith.constant 0 : i32
      %dma_start3A_30 = tpu.memref_slice %arg7[%dma_start3A, %dma_start3A_28, %dma_start3A_29] : memref<2x1x128xi32, #tpu.memory_space<vmem>> -> memref<1x1x128xi32, #tpu.memory_space<vmem>>
      %dma_start3A_31 = tpu.memref_squeeze %dma_start3A_30 : memref<1x1x128xi32, #tpu.memory_space<vmem>> -> memref<1x128xi32, #tpu.memory_space<vmem>>
      %dma_start3A_32 = arith.constant 0 : i32
      %dma_start3A_33 = tpu.memref_slice %arg4[%mul3A_2, %dma_start3A_32] : memref<2500x128xi32, #tpu.memory_space<hbm>> -> memref<1x128xi32, #tpu.memory_space<hbm>>
      tpu.enqueue_dma source(%dma_start3A_33 : memref<1x128xi32, #tpu.memory_space<hbm>>) target(%dma_start3A_31 : memref<1x128xi32, #tpu.memory_space<vmem>>) target_semaphore(%arg12 : memref<!tpu.dma_semaphore, #tpu.memory_space<semaphore_mem>>)
      %dma_start3A_34 = arith.constant 0 : i32
      %dma_start3A_35 = arith.constant 0 : i32
      %dma_start3A_36 = arith.constant 0 : i32
      %dma_start3A_37 = tpu.memref_slice %arg8[%dma_start3A_34, %dma_start3A_35, %dma_start3A_36] : memref<2x1x128xi32, #tpu.memory_space<vmem>> -> memref<1x1x128xi32, #tpu.memory_space<vmem>>
      %dma_start3A_38 = tpu.memref_squeeze %dma_start3A_37 : memref<1x1x128xi32, #tpu.memory_space<vmem>> -> memref<1x128xi32, #tpu.memory_space<vmem>>
      %dma_start3A_39 = arith.constant 0 : i32
      %dma_start3A_40 = tpu.memref_slice %arg5[%mul3A_2, %dma_start3A_39] : memref<2500x128xi32, #tpu.memory_space<hbm>> -> memref<1x128xi32, #tpu.memory_space<hbm>>
      %dma_start3A_41 = arith.constant 0 : i32
      %dma_start3A_42 = arith.constant 0 : i32
      %dma_start3A_43 = tpu.memref_slice %arg8[%dma_start3A_34, %dma_start3A_41, %dma_start3A_42] : memref<2x1x128xi32, #tpu.memory_space<vmem>> -> memref<1x1x128xi32, #tpu.memory_space<vmem>>
      %dma_start3A_44 = tpu.memref_squeeze %dma_start3A_43 : memref<1x1x128xi32, #tpu.memory_space<vmem>> -> memref<1x128xi32, #tpu.memory_space<vmem>>
      %dma_start3A_45 = arith.constant 0 : i32
      %dma_start3A_46 = tpu.memref_slice %arg5[%mul3A_2, %dma_start3A_45] : memref<2500x128xi32, #tpu.memory_space<hbm>> -> memref<1x128xi32, #tpu.memory_space<hbm>>
      tpu.enqueue_dma source(%dma_start3A_46 : memref<1x128xi32, #tpu.memory_space<hbm>>) target(%dma_start3A_44 : memref<1x128xi32, #tpu.memory_space<vmem>>) target_semaphore(%arg12 : memref<!tpu.dma_semaphore, #tpu.memory_space<semaphore_mem>>)
      %dma_wait3A = arith.constant 0 : i32
      %dma_wait3A_47 = arith.constant 0 : i32
      %dma_wait3A_48 = arith.constant 0 : i32
      %dma_wait3A_49 = tpu.memref_slice %arg7[%dma_wait3A, %dma_wait3A_47, %dma_wait3A_48] : memref<2x1x128xi32, #tpu.memory_space<vmem>> -> memref<1x1x128xi32, #tpu.memory_space<vmem>>
      %dma_wait3A_50 = tpu.memref_squeeze %dma_wait3A_49 : memref<1x1x128xi32, #tpu.memory_space<vmem>> -> memref<1x128xi32, #tpu.memory_space<vmem>>
      %dma_wait3A_51 = arith.constant 0 : i32
      %dma_wait3A_52 = arith.constant 0 : i32
      %dma_wait3A_53 = tpu.memref_slice %arg4[%dma_wait3A_51, %dma_wait3A_52] : memref<2500x128xi32, #tpu.memory_space<hbm>> -> memref<1x128xi32, #tpu.memory_space<hbm>>
      %dma_wait3A_54 = arith.constant 0 : i32
      %dma_wait3A_55 = arith.constant 0 : i32
      %dma_wait3A_56 = tpu.memref_slice %arg7[%dma_wait3A, %dma_wait3A_54, %dma_wait3A_55] : memref<2x1x128xi32, #tpu.memory_space<vmem>> -> memref<1x1x128xi32, #tpu.memory_space<vmem>>
      %dma_wait3A_57 = tpu.memref_squeeze %dma_wait3A_56 : memref<1x1x128xi32, #tpu.memory_space<vmem>> -> memref<1x128xi32, #tpu.memory_space<vmem>>
      %dma_wait3A_58 = arith.constant 0 : i32
      %dma_wait3A_59 = arith.constant 0 : i32
      %dma_wait3A_60 = tpu.memref_slice %arg4[%dma_wait3A_58, %dma_wait3A_59] : memref<2500x128xi32, #tpu.memory_space<hbm>> -> memref<1x128xi32, #tpu.memory_space<hbm>>
      tpu.wait_dma2 semaphore(%arg12 : memref<!tpu.dma_semaphore, #tpu.memory_space<semaphore_mem>>) src(%dma_wait3A_60 : memref<1x128xi32, #tpu.memory_space<hbm>>) dst(%dma_wait3A_57 : memref<1x128xi32, #tpu.memory_space<vmem>>)
      %dma_wait3A_61 = arith.constant 0 : i32
      %dma_wait3A_62 = arith.constant 0 : i32
      %dma_wait3A_63 = arith.constant 0 : i32
      %dma_wait3A_64 = tpu.memref_slice %arg8[%dma_wait3A_61, %dma_wait3A_62, %dma_wait3A_63] : memref<2x1x128xi32, #tpu.memory_space<vmem>> -> memref<1x1x128xi32, #tpu.memory_space<vmem>>
      %dma_wait3A_65 = tpu.memref_squeeze %dma_wait3A_64 : memref<1x1x128xi32, #tpu.memory_space<vmem>> -> memref<1x128xi32, #tpu.memory_space<vmem>>
      %dma_wait3A_66 = arith.constant 0 : i32
      %dma_wait3A_67 = arith.constant 0 : i32
      %dma_wait3A_68 = tpu.memref_slice %arg5[%dma_wait3A_66, %dma_wait3A_67] : memref<2500x128xi32, #tpu.memory_space<hbm>> -> memref<1x128xi32, #tpu.memory_space<hbm>>
      %dma_wait3A_69 = arith.constant 0 : i32
      %dma_wait3A_70 = arith.constant 0 : i32
      %dma_wait3A_71 = tpu.memref_slice %arg8[%dma_wait3A_61, %dma_wait3A_69, %dma_wait3A_70] : memref<2x1x128xi32, #tpu.memory_space<vmem>> -> memref<1x1x128xi32, #tpu.memory_space<vmem>>
      %dma_wait3A_72 = tpu.memref_squeeze %dma_wait3A_71 : memref<1x1x128xi32, #tpu.memory_space<vmem>> -> memref<1x128xi32, #tpu.memory_space<vmem>>
      %dma_wait3A_73 = arith.constant 0 : i32
      %dma_wait3A_74 = arith.constant 0 : i32
      %dma_wait3A_75 = tpu.memref_slice %arg5[%dma_wait3A_73, %dma_wait3A_74] : memref<2500x128xi32, #tpu.memory_space<hbm>> -> memref<1x128xi32, #tpu.memory_space<hbm>>
      tpu.wait_dma2 semaphore(%arg12 : memref<!tpu.dma_semaphore, #tpu.memory_space<semaphore_mem>>) src(%dma_wait3A_75 : memref<1x128xi32, #tpu.memory_space<hbm>>) dst(%dma_wait3A_72 : memref<1x128xi32, #tpu.memory_space<vmem>>)
      %dma_start3A_76 = arith.constant 0 : i32
      %dma_start3A_77 = arith.constant 0 : i32
      %dma_start3A_78 = arith.constant 0 : i32
      %dma_start3A_79 = arith.constant 0 : i32
      %dma_start3A_80 = arith.constant 0 : i32
      %dma_start3A_81 = tpu.memref_slice %arg9[%dma_start3A_78, %dma_start3A_79, %dma_start3A_80] : memref<2x128x64xbf16, #tpu.memory_space<vmem>> -> memref<1x64x64xbf16, #tpu.memory_space<vmem>>
      %dma_start3A_82 = tpu.memref_squeeze %dma_start3A_81 : memref<1x64x64xbf16, #tpu.memory_space<vmem>> -> memref<64x64xbf16, #tpu.memory_space<vmem>>
      %dma_start3A_83 = arith.constant 0 : i32
      %dma_start3A_84 = tpu.memref_slice %arg7[%dma_start3A_76, %dma_start3A_77, %dma_start3A_83] : memref<2x1x128xi32, #tpu.memory_space<vmem>> -> memref<1x1x64xi32, #tpu.memory_space<vmem>>
      %dma_start3A_85 = tpu.memref_squeeze %dma_start3A_84 : memref<1x1x64xi32, #tpu.memory_space<vmem>> -> memref<64xi32, #tpu.memory_space<vmem>>
      %dma_start3A_86 = arith.constant 0 : i32
      %dma_start3A_87 = arith.constant 0 : i32
      %dma_start3A_88 = tpu.memref_slice %arg2[%dma_start3A_86, %dma_start3A_87] : memref<10000x64xbf16, #tpu.memory_space<hbm>> -> memref<10000x64xbf16, #tpu.memory_space<hbm>>
      tpu.enqueue_indirect_dma source(%dma_start3A_88 : memref<10000x64xbf16, #tpu.memory_space<hbm>>) target(%dma_start3A_82 : memref<64x64xbf16, #tpu.memory_space<vmem>>) offsets(%dma_start3A_85 : memref<64xi32, #tpu.memory_space<vmem>>) semaphore(%arg13 : memref<!tpu.dma_semaphore, #tpu.memory_space<semaphore_mem>>)
      %dma_start3A_89 = arith.constant 0 : i32
      %dma_start3A_90 = arith.constant 0 : i32
      %dma_start3A_91 = arith.constant 0 : i32
      %dma_start3A_92 = arith.constant 0 : i32
      %dma_start3A_93 = arith.constant 0 : i32
      %dma_start3A_94 = tpu.memref_slice %arg10[%dma_start3A_91, %dma_start3A_92, %dma_start3A_93] : memref<2x128x64xbf16, #tpu.memory_space<vmem>> -> memref<1x64x64xbf16, #tpu.memory_space<vmem>>
      %dma_start3A_95 = tpu.memref_squeeze %dma_start3A_94 : memref<1x64x64xbf16, #tpu.memory_space<vmem>> -> memref<64x64xbf16, #tpu.memory_space<vmem>>
      %dma_start3A_96 = arith.constant 0 : i32
      %dma_start3A_97 = tpu.memref_slice %arg8[%dma_start3A_89, %dma_start3A_90, %dma_start3A_96] : memref<2x1x128xi32, #tpu.memory_space<vmem>> -> memref<1x1x64xi32, #tpu.memory_space<vmem>>
      %dma_start3A_98 = tpu.memref_squeeze %dma_start3A_97 : memref<1x1x64xi32, #tpu.memory_space<vmem>> -> memref<64xi32, #tpu.memory_space<vmem>>
      %dma_start3A_99 = arith.constant 0 : i32
      %dma_start3A_100 = arith.constant 0 : i32
      %dma_start3A_101 = tpu.memref_slice %arg3[%dma_start3A_99, %dma_start3A_100] : memref<10000x64xbf16, #tpu.memory_space<hbm>> -> memref<10000x64xbf16, #tpu.memory_space<hbm>>
      tpu.enqueue_indirect_dma source(%dma_start3A_101 : memref<10000x64xbf16, #tpu.memory_space<hbm>>) target(%dma_start3A_95 : memref<64x64xbf16, #tpu.memory_space<vmem>>) offsets(%dma_start3A_98 : memref<64xi32, #tpu.memory_space<vmem>>) semaphore(%arg13 : memref<!tpu.dma_semaphore, #tpu.memory_space<semaphore_mem>>)
      %dma_start3A_102 = arith.constant 0 : i32
      %dma_start3A_103 = arith.constant 0 : i32
      %dma_start3A_104 = arith.constant 0 : i32
      %dma_start3A_105 = arith.constant 64 : i32
      %dma_start3A_106 = arith.constant 0 : i32
      %dma_start3A_107 = tpu.memref_slice %arg9[%dma_start3A_104, %dma_start3A_105, %dma_start3A_106] : memref<2x128x64xbf16, #tpu.memory_space<vmem>> -> memref<1x64x64xbf16, #tpu.memory_space<vmem>>
      %dma_start3A_108 = tpu.memref_squeeze %dma_start3A_107 : memref<1x64x64xbf16, #tpu.memory_space<vmem>> -> memref<64x64xbf16, #tpu.memory_space<vmem>>
      %dma_start3A_109 = arith.constant 64 : i32
      %dma_start3A_110 = tpu.memref_slice %arg7[%dma_start3A_102, %dma_start3A_103, %dma_start3A_109] : memref<2x1x128xi32, #tpu.memory_space<vmem>> -> memref<1x1x64xi32, #tpu.memory_space<vmem>>
      %dma_start3A_111 = tpu.memref_squeeze %dma_start3A_110 : memref<1x1x64xi32, #tpu.memory_space<vmem>> -> memref<64xi32, #tpu.memory_space<vmem>>
      %dma_start3A_112 = arith.constant 0 : i32
      %dma_start3A_113 = arith.constant 0 : i32
      %dma_start3A_114 = tpu.memref_slice %arg2[%dma_start3A_112, %dma_start3A_113] : memref<10000x64xbf16, #tpu.memory_space<hbm>> -> memref<10000x64xbf16, #tpu.memory_space<hbm>>
      tpu.enqueue_indirect_dma source(%dma_start3A_114 : memref<10000x64xbf16, #tpu.memory_space<hbm>>) target(%dma_start3A_108 : memref<64x64xbf16, #tpu.memory_space<vmem>>) offsets(%dma_start3A_111 : memref<64xi32, #tpu.memory_space<vmem>>) semaphore(%arg13 : memref<!tpu.dma_semaphore, #tpu.memory_space<semaphore_mem>>)
      %dma_start3A_115 = arith.constant 0 : i32
      %dma_start3A_116 = arith.constant 0 : i32
      %dma_start3A_117 = arith.constant 0 : i32
      %dma_start3A_118 = arith.constant 64 : i32
      %dma_start3A_119 = arith.constant 0 : i32
      %dma_start3A_120 = tpu.memref_slice %arg10[%dma_start3A_117, %dma_start3A_118, %dma_start3A_119] : memref<2x128x64xbf16, #tpu.memory_space<vmem>> -> memref<1x64x64xbf16, #tpu.memory_space<vmem>>
      %dma_start3A_121 = tpu.memref_squeeze %dma_start3A_120 : memref<1x64x64xbf16, #tpu.memory_space<vmem>> -> memref<64x64xbf16, #tpu.memory_space<vmem>>
      %dma_start3A_122 = arith.constant 64 : i32
      %dma_start3A_123 = tpu.memref_slice %arg8[%dma_start3A_115, %dma_start3A_116, %dma_start3A_122] : memref<2x1x128xi32, #tpu.memory_space<vmem>> -> memref<1x1x64xi32, #tpu.memory_space<vmem>>
      %dma_start3A_124 = tpu.memref_squeeze %dma_start3A_123 : memref<1x1x64xi32, #tpu.memory_space<vmem>> -> memref<64xi32, #tpu.memory_space<vmem>>
      %dma_start3A_125 = arith.constant 0 : i32
      %dma_start3A_126 = arith.constant 0 : i32
      %dma_start3A_127 = tpu.memref_slice %arg3[%dma_start3A_125, %dma_start3A_126] : memref<10000x64xbf16, #tpu.memory_space<hbm>> -> memref<10000x64xbf16, #tpu.memory_space<hbm>>
      tpu.enqueue_indirect_dma source(%dma_start3A_127 : memref<10000x64xbf16, #tpu.memory_space<hbm>>) target(%dma_start3A_121 : memref<64x64xbf16, #tpu.memory_space<vmem>>) offsets(%dma_start3A_124 : memref<64xi32, #tpu.memory_space<vmem>>) semaphore(%arg13 : memref<!tpu.dma_semaphore, #tpu.memory_space<semaphore_mem>>)
      %ge3A_128 = arith.constant 2 : i32
      %ge3A_129 = arith.cmpi sge, %min3A, %ge3A_128 : i32
      %convert_element_type3A_130 = arith.extui %ge3A_129 : i1 to i32
      %cond3A_131 = arith.constant 0 : i32
      %cond3A_132 = arith.cmpi ne, %convert_element_type3A_130, %cond3A_131 : i32
      scf.if %cond3A_132 {
        %add3A_133 = arith.constant 1 : i32
        %add3A_134 = arith.addi %mul3A_2, %add3A_133 : i32
        %dma_start3A_135 = arith.constant 1 : i32
        %dma_start3A_136 = arith.constant 0 : i32
        %dma_start3A_137 = arith.constant 0 : i32
        %dma_start3A_138 = tpu.memref_slice %arg7[%dma_start3A_135, %dma_start3A_136, %dma_start3A_137] : memref<2x1x128xi32, #tpu.memory_space<vmem>> -> memref<1x1x128xi32, #tpu.memory_space<vmem>>
        %dma_start3A_139 = tpu.memref_squeeze %dma_start3A_138 : memref<1x1x128xi32, #tpu.memory_space<vmem>> -> memref<1x128xi32, #tpu.memory_space<vmem>>
        %dma_start3A_140 = arith.constant 0 : i32
        %dma_start3A_141 = tpu.memref_slice %arg4[%add3A_134, %dma_start3A_140] : memref<2500x128xi32, #tpu.memory_space<hbm>> -> memref<1x128xi32, #tpu.memory_space<hbm>>
        %dma_start3A_142 = arith.constant 0 : i32
        %dma_start3A_143 = arith.constant 0 : i32
        %dma_start3A_144 = tpu.memref_slice %arg7[%dma_start3A_135, %dma_start3A_142, %dma_start3A_143] : memref<2x1x128xi32, #tpu.memory_space<vmem>> -> memref<1x1x128xi32, #tpu.memory_space<vmem>>
        %dma_start3A_145 = tpu.memref_squeeze %dma_start3A_144 : memref<1x1x128xi32, #tpu.memory_space<vmem>> -> memref<1x128xi32, #tpu.memory_space<vmem>>
        %dma_start3A_146 = arith.constant 0 : i32
        %dma_start3A_147 = tpu.memref_slice %arg4[%add3A_134, %dma_start3A_146] : memref<2500x128xi32, #tpu.memory_space<hbm>> -> memref<1x128xi32, #tpu.memory_space<hbm>>
        tpu.enqueue_dma source(%dma_start3A_147 : memref<1x128xi32, #tpu.memory_space<hbm>>) target(%dma_start3A_145 : memref<1x128xi32, #tpu.memory_space<vmem>>) target_semaphore(%arg12 : memref<!tpu.dma_semaphore, #tpu.memory_space<semaphore_mem>>)
        %dma_start3A_148 = arith.constant 1 : i32
        %dma_start3A_149 = arith.constant 0 : i32
        %dma_start3A_150 = arith.constant 0 : i32
        %dma_start3A_151 = tpu.memref_slice %arg8[%dma_start3A_148, %dma_start3A_149, %dma_start3A_150] : memref<2x1x128xi32, #tpu.memory_space<vmem>> -> memref<1x1x128xi32, #tpu.memory_space<vmem>>
        %dma_start3A_152 = tpu.memref_squeeze %dma_start3A_151 : memref<1x1x128xi32, #tpu.memory_space<vmem>> -> memref<1x128xi32, #tpu.memory_space<vmem>>
        %dma_start3A_153 = arith.constant 0 : i32
        %dma_start3A_154 = tpu.memref_slice %arg5[%add3A_134, %dma_start3A_153] : memref<2500x128xi32, #tpu.memory_space<hbm>> -> memref<1x128xi32, #tpu.memory_space<hbm>>
        %dma_start3A_155 = arith.constant 0 : i32
        %dma_start3A_156 = arith.constant 0 : i32
        %dma_start3A_157 = tpu.memref_slice %arg8[%dma_start3A_148, %dma_start3A_155, %dma_start3A_156] : memref<2x1x128xi32, #tpu.memory_space<vmem>> -> memref<1x1x128xi32, #tpu.memory_space<vmem>>
        %dma_start3A_158 = tpu.memref_squeeze %dma_start3A_157 : memref<1x1x128xi32, #tpu.memory_space<vmem>> -> memref<1x128xi32, #tpu.memory_space<vmem>>
        %dma_start3A_159 = arith.constant 0 : i32
        %dma_start3A_160 = tpu.memref_slice %arg5[%add3A_134, %dma_start3A_159] : memref<2500x128xi32, #tpu.memory_space<hbm>> -> memref<1x128xi32, #tpu.memory_space<hbm>>
        tpu.enqueue_dma source(%dma_start3A_160 : memref<1x128xi32, #tpu.memory_space<hbm>>) target(%dma_start3A_158 : memref<1x128xi32, #tpu.memory_space<vmem>>) target_semaphore(%arg12 : memref<!tpu.dma_semaphore, #tpu.memory_space<semaphore_mem>>)
      } else {
      }
    } else {
    }
    %scan3A = arith.constant 0 : i32
    %scan3A_7 = arith.constant 0 : i32
    %scan3A_8 = arith.constant 79 : i32
    %scan3A_9 = arith.addi %scan3A_7, %scan3A_8 : i32
    %scan3A_10 = arith.constant 1 : i32
    scf.for %scan3A_22 = %scan3A_7 to %scan3A_9 step %scan3A_10  : i32 {
      %add3A_23 = arith.addi %mul3A_2, %scan3A_22 : i32
      %and3A = arith.constant 1 : i32
      %and3A_24 = arith.andi %scan3A_22, %and3A : i32
      %lt3A = arith.constant 2500 : i32
      %lt3A_25 = arith.cmpi slt, %add3A_23, %lt3A : i32
      %convert_element_type3A_26 = arith.extui %lt3A_25 : i1 to i32
      %cond3A_27 = arith.constant 0 : i32
      %cond3A_28 = arith.cmpi ne, %convert_element_type3A_26, %cond3A_27 : i32
      scf.if %cond3A_28 {
        %dma_wait3A = arith.constant 0 : i32
        %dma_wait3A_29 = arith.constant 0 : i32
        %dma_wait3A_30 = tpu.memref_slice %arg9[%and3A_24, %dma_wait3A, %dma_wait3A_29] : memref<2x128x64xbf16, #tpu.memory_space<vmem>> -> memref<1x64x64xbf16, #tpu.memory_space<vmem>>
        %dma_wait3A_31 = tpu.memref_squeeze %dma_wait3A_30 : memref<1x64x64xbf16, #tpu.memory_space<vmem>> -> memref<64x64xbf16, #tpu.memory_space<vmem>>
        %dma_wait3A_32 = arith.constant 0 : i32
        %dma_wait3A_33 = arith.constant 0 : i32
        %dma_wait3A_34 = tpu.memref_slice %arg2[%dma_wait3A_32, %dma_wait3A_33] : memref<10000x64xbf16, #tpu.memory_space<hbm>> -> memref<64x64xbf16, #tpu.memory_space<hbm>>
        %dma_wait3A_35 = arith.constant 0 : i32
        %dma_wait3A_36 = arith.constant 0 : i32
        %dma_wait3A_37 = tpu.memref_slice %arg9[%and3A_24, %dma_wait3A_35, %dma_wait3A_36] : memref<2x128x64xbf16, #tpu.memory_space<vmem>> -> memref<1x64x64xbf16, #tpu.memory_space<vmem>>
        %dma_wait3A_38 = tpu.memref_squeeze %dma_wait3A_37 : memref<1x64x64xbf16, #tpu.memory_space<vmem>> -> memref<64x64xbf16, #tpu.memory_space<vmem>>
        %dma_wait3A_39 = arith.constant 0 : i32
        %dma_wait3A_40 = arith.constant 0 : i32
        %dma_wait3A_41 = tpu.memref_slice %arg2[%dma_wait3A_39, %dma_wait3A_40] : memref<10000x64xbf16, #tpu.memory_space<hbm>> -> memref<64x64xbf16, #tpu.memory_space<hbm>>
        tpu.wait_dma2 semaphore(%arg13 : memref<!tpu.dma_semaphore, #tpu.memory_space<semaphore_mem>>) src(%dma_wait3A_41 : memref<64x64xbf16, #tpu.memory_space<hbm>>) dst(%dma_wait3A_38 : memref<64x64xbf16, #tpu.memory_space<vmem>>)
        %dma_wait3A_42 = arith.constant 0 : i32
        %dma_wait3A_43 = arith.constant 0 : i32
        %dma_wait3A_44 = tpu.memref_slice %arg10[%and3A_24, %dma_wait3A_42, %dma_wait3A_43] : memref<2x128x64xbf16, #tpu.memory_space<vmem>> -> memref<1x64x64xbf16, #tpu.memory_space<vmem>>
        %dma_wait3A_45 = tpu.memref_squeeze %dma_wait3A_44 : memref<1x64x64xbf16, #tpu.memory_space<vmem>> -> memref<64x64xbf16, #tpu.memory_space<vmem>>
        %dma_wait3A_46 = arith.constant 0 : i32
        %dma_wait3A_47 = arith.constant 0 : i32
        %dma_wait3A_48 = tpu.memref_slice %arg3[%dma_wait3A_46, %dma_wait3A_47] : memref<10000x64xbf16, #tpu.memory_space<hbm>> -> memref<64x64xbf16, #tpu.memory_space<hbm>>
        %dma_wait3A_49 = arith.constant 0 : i32
        %dma_wait3A_50 = arith.constant 0 : i32
        %dma_wait3A_51 = tpu.memref_slice %arg10[%and3A_24, %dma_wait3A_49, %dma_wait3A_50] : memref<2x128x64xbf16, #tpu.memory_space<vmem>> -> memref<1x64x64xbf16, #tpu.memory_space<vmem>>
        %dma_wait3A_52 = tpu.memref_squeeze %dma_wait3A_51 : memref<1x64x64xbf16, #tpu.memory_space<vmem>> -> memref<64x64xbf16, #tpu.memory_space<vmem>>
        %dma_wait3A_53 = arith.constant 0 : i32
        %dma_wait3A_54 = arith.constant 0 : i32
        %dma_wait3A_55 = tpu.memref_slice %arg3[%dma_wait3A_53, %dma_wait3A_54] : memref<10000x64xbf16, #tpu.memory_space<hbm>> -> memref<64x64xbf16, #tpu.memory_space<hbm>>
        tpu.wait_dma2 semaphore(%arg13 : memref<!tpu.dma_semaphore, #tpu.memory_space<semaphore_mem>>) src(%dma_wait3A_55 : memref<64x64xbf16, #tpu.memory_space<hbm>>) dst(%dma_wait3A_52 : memref<64x64xbf16, #tpu.memory_space<vmem>>)
        %dma_wait3A_56 = arith.constant 0 : i32
        %dma_wait3A_57 = arith.constant 0 : i32
        %dma_wait3A_58 = tpu.memref_slice %arg9[%and3A_24, %dma_wait3A_56, %dma_wait3A_57] : memref<2x128x64xbf16, #tpu.memory_space<vmem>> -> memref<1x64x64xbf16, #tpu.memory_space<vmem>>
        %dma_wait3A_59 = tpu.memref_squeeze %dma_wait3A_58 : memref<1x64x64xbf16, #tpu.memory_space<vmem>> -> memref<64x64xbf16, #tpu.memory_space<vmem>>
        %dma_wait3A_60 = arith.constant 0 : i32
        %dma_wait3A_61 = arith.constant 0 : i32
        %dma_wait3A_62 = tpu.memref_slice %arg2[%dma_wait3A_60, %dma_wait3A_61] : memref<10000x64xbf16, #tpu.memory_space<hbm>> -> memref<64x64xbf16, #tpu.memory_space<hbm>>
        %dma_wait3A_63 = arith.constant 0 : i32
        %dma_wait3A_64 = arith.constant 0 : i32
        %dma_wait3A_65 = tpu.memref_slice %arg9[%and3A_24, %dma_wait3A_63, %dma_wait3A_64] : memref<2x128x64xbf16, #tpu.memory_space<vmem>> -> memref<1x64x64xbf16, #tpu.memory_space<vmem>>
        %dma_wait3A_66 = tpu.memref_squeeze %dma_wait3A_65 : memref<1x64x64xbf16, #tpu.memory_space<vmem>> -> memref<64x64xbf16, #tpu.memory_space<vmem>>
        %dma_wait3A_67 = arith.constant 0 : i32
        %dma_wait3A_68 = arith.constant 0 : i32
        %dma_wait3A_69 = tpu.memref_slice %arg2[%dma_wait3A_67, %dma_wait3A_68] : memref<10000x64xbf16, #tpu.memory_space<hbm>> -> memref<64x64xbf16, #tpu.memory_space<hbm>>
        tpu.wait_dma2 semaphore(%arg13 : memref<!tpu.dma_semaphore, #tpu.memory_space<semaphore_mem>>) src(%dma_wait3A_69 : memref<64x64xbf16, #tpu.memory_space<hbm>>) dst(%dma_wait3A_66 : memref<64x64xbf16, #tpu.memory_space<vmem>>)
        %dma_wait3A_70 = arith.constant 0 : i32
        %dma_wait3A_71 = arith.constant 0 : i32
        %dma_wait3A_72 = tpu.memref_slice %arg10[%and3A_24, %dma_wait3A_70, %dma_wait3A_71] : memref<2x128x64xbf16, #tpu.memory_space<vmem>> -> memref<1x64x64xbf16, #tpu.memory_space<vmem>>
        %dma_wait3A_73 = tpu.memref_squeeze %dma_wait3A_72 : memref<1x64x64xbf16, #tpu.memory_space<vmem>> -> memref<64x64xbf16, #tpu.memory_space<vmem>>
        %dma_wait3A_74 = arith.constant 0 : i32
        %dma_wait3A_75 = arith.constant 0 : i32
        %dma_wait3A_76 = tpu.memref_slice %arg3[%dma_wait3A_74, %dma_wait3A_75] : memref<10000x64xbf16, #tpu.memory_space<hbm>> -> memref<64x64xbf16, #tpu.memory_space<hbm>>
        %dma_wait3A_77 = arith.constant 0 : i32
        %dma_wait3A_78 = arith.constant 0 : i32
        %dma_wait3A_79 = tpu.memref_slice %arg10[%and3A_24, %dma_wait3A_77, %dma_wait3A_78] : memref<2x128x64xbf16, #tpu.memory_space<vmem>> -> memref<1x64x64xbf16, #tpu.memory_space<vmem>>
        %dma_wait3A_80 = tpu.memref_squeeze %dma_wait3A_79 : memref<1x64x64xbf16, #tpu.memory_space<vmem>> -> memref<64x64xbf16, #tpu.memory_space<vmem>>
        %dma_wait3A_81 = arith.constant 0 : i32
        %dma_wait3A_82 = arith.constant 0 : i32
        %dma_wait3A_83 = tpu.memref_slice %arg3[%dma_wait3A_81, %dma_wait3A_82] : memref<10000x64xbf16, #tpu.memory_space<hbm>> -> memref<64x64xbf16, #tpu.memory_space<hbm>>
        tpu.wait_dma2 semaphore(%arg13 : memref<!tpu.dma_semaphore, #tpu.memory_space<semaphore_mem>>) src(%dma_wait3A_83 : memref<64x64xbf16, #tpu.memory_space<hbm>>) dst(%dma_wait3A_80 : memref<64x64xbf16, #tpu.memory_space<vmem>>)
        %le3A = arith.constant 76 : i32
        %le3A_84 = arith.cmpi sle, %scan3A_22, %le3A : i32
        %add3A_85 = arith.constant 2 : i32
        %add3A_86 = arith.addi %add3A_23, %add3A_85 : i32
        %lt3A_87 = arith.constant 2500 : i32
        %lt3A_88 = arith.cmpi slt, %add3A_86, %lt3A_87 : i32
        %and3A_89 = arith.andi %le3A_84, %lt3A_88 : i1
        %convert_element_type3A_90 = arith.extui %and3A_89 : i1 to i32
        %cond3A_91 = arith.constant 0 : i32
        %cond3A_92 = arith.cmpi ne, %convert_element_type3A_90, %cond3A_91 : i32
        scf.if %cond3A_92 {
          %add3A_123 = arith.constant 2 : i32
          %add3A_124 = arith.addi %add3A_23, %add3A_123 : i32
          %dma_start3A_125 = arith.constant 0 : i32
          %dma_start3A_126 = arith.constant 0 : i32
          %dma_start3A_127 = tpu.memref_slice %arg7[%and3A_24, %dma_start3A_125, %dma_start3A_126] : memref<2x1x128xi32, #tpu.memory_space<vmem>> -> memref<1x1x128xi32, #tpu.memory_space<vmem>>
          %dma_start3A_128 = tpu.memref_squeeze %dma_start3A_127 : memref<1x1x128xi32, #tpu.memory_space<vmem>> -> memref<1x128xi32, #tpu.memory_space<vmem>>
          %dma_start3A_129 = arith.constant 0 : i32
          %dma_start3A_130 = tpu.memref_slice %arg4[%add3A_124, %dma_start3A_129] : memref<2500x128xi32, #tpu.memory_space<hbm>> -> memref<1x128xi32, #tpu.memory_space<hbm>>
          %dma_start3A_131 = arith.constant 0 : i32
          %dma_start3A_132 = arith.constant 0 : i32
          %dma_start3A_133 = tpu.memref_slice %arg7[%and3A_24, %dma_start3A_131, %dma_start3A_132] : memref<2x1x128xi32, #tpu.memory_space<vmem>> -> memref<1x1x128xi32, #tpu.memory_space<vmem>>
          %dma_start3A_134 = tpu.memref_squeeze %dma_start3A_133 : memref<1x1x128xi32, #tpu.memory_space<vmem>> -> memref<1x128xi32, #tpu.memory_space<vmem>>
          %dma_start3A_135 = arith.constant 0 : i32
          %dma_start3A_136 = tpu.memref_slice %arg4[%add3A_124, %dma_start3A_135] : memref<2500x128xi32, #tpu.memory_space<hbm>> -> memref<1x128xi32, #tpu.memory_space<hbm>>
          tpu.enqueue_dma source(%dma_start3A_136 : memref<1x128xi32, #tpu.memory_space<hbm>>) target(%dma_start3A_134 : memref<1x128xi32, #tpu.memory_space<vmem>>) target_semaphore(%arg12 : memref<!tpu.dma_semaphore, #tpu.memory_space<semaphore_mem>>)
          %dma_start3A_137 = arith.constant 0 : i32
          %dma_start3A_138 = arith.constant 0 : i32
          %dma_start3A_139 = tpu.memref_slice %arg8[%and3A_24, %dma_start3A_137, %dma_start3A_138] : memref<2x1x128xi32, #tpu.memory_space<vmem>> -> memref<1x1x128xi32, #tpu.memory_space<vmem>>
          %dma_start3A_140 = tpu.memref_squeeze %dma_start3A_139 : memref<1x1x128xi32, #tpu.memory_space<vmem>> -> memref<1x128xi32, #tpu.memory_space<vmem>>
          %dma_start3A_141 = arith.constant 0 : i32
          %dma_start3A_142 = tpu.memref_slice %arg5[%add3A_124, %dma_start3A_141] : memref<2500x128xi32, #tpu.memory_space<hbm>> -> memref<1x128xi32, #tpu.memory_space<hbm>>
          %dma_start3A_143 = arith.constant 0 : i32
          %dma_start3A_144 = arith.constant 0 : i32
          %dma_start3A_145 = tpu.memref_slice %arg8[%and3A_24, %dma_start3A_143, %dma_start3A_144] : memref<2x1x128xi32, #tpu.memory_space<vmem>> -> memref<1x1x128xi32, #tpu.memory_space<vmem>>
          %dma_start3A_146 = tpu.memref_squeeze %dma_start3A_145 : memref<1x1x128xi32, #tpu.memory_space<vmem>> -> memref<1x128xi32, #tpu.memory_space<vmem>>
          %dma_start3A_147 = arith.constant 0 : i32
          %dma_start3A_148 = tpu.memref_slice %arg5[%add3A_124, %dma_start3A_147] : memref<2500x128xi32, #tpu.memory_space<hbm>> -> memref<1x128xi32, #tpu.memory_space<hbm>>
          tpu.enqueue_dma source(%dma_start3A_148 : memref<1x128xi32, #tpu.memory_space<hbm>>) target(%dma_start3A_146 : memref<1x128xi32, #tpu.memory_space<vmem>>) target_semaphore(%arg12 : memref<!tpu.dma_semaphore, #tpu.memory_space<semaphore_mem>>)
        } else {
        }
        %le3A_93 = arith.constant 77 : i32
        %le3A_94 = arith.cmpi sle, %scan3A_22, %le3A_93 : i32
        %add3A_95 = arith.constant 1 : i32
        %add3A_96 = arith.addi %add3A_23, %add3A_95 : i32
        %lt3A_97 = arith.constant 2500 : i32
        %lt3A_98 = arith.cmpi slt, %add3A_96, %lt3A_97 : i32
        %and3A_99 = arith.andi %le3A_94, %lt3A_98 : i1
        %convert_element_type3A_100 = arith.extui %and3A_99 : i1 to i32
        %cond3A_101 = arith.constant 0 : i32
        %cond3A_102 = arith.cmpi ne, %convert_element_type3A_100, %cond3A_101 : i32
        scf.if %cond3A_102 {
          %ge3A_123 = arith.constant 1 : i32
          %ge3A_124 = arith.cmpi sge, %scan3A_22, %ge3A_123 : i32
          %convert_element_type3A_125 = arith.extui %ge3A_124 : i1 to i32
          %cond3A_126 = arith.constant 0 : i32
          %cond3A_127 = arith.cmpi ne, %convert_element_type3A_125, %cond3A_126 : i32
          scf.if %cond3A_127 {
            %sub3A_204 = arith.constant 1 : i32
            %sub3A_205 = arith.subi %sub3A_204, %and3A_24 : i32
            %dma_wait3A_206 = arith.constant 0 : i32
            %dma_wait3A_207 = arith.constant 0 : i32
            %dma_wait3A_208 = tpu.memref_slice %arg11[%sub3A_205, %dma_wait3A_206, %dma_wait3A_207] : memref<2x64x128xf32, #tpu.memory_space<vmem>> -> memref<1x64x128xf32, #tpu.memory_space<vmem>>
            %dma_wait3A_209 = tpu.memref_squeeze %dma_wait3A_208 : memref<1x64x128xf32, #tpu.memory_space<vmem>> -> memref<64x128xf32, #tpu.memory_space<vmem>>
            %dma_wait3A_210 = arith.constant 0 : i32
            %dma_wait3A_211 = arith.constant 0 : i32
            %dma_wait3A_212 = tpu.memref_slice %arg6[%dma_wait3A_210, %dma_wait3A_211] : memref<160000x128xf32, #tpu.memory_space<hbm>> -> memref<64x128xf32, #tpu.memory_space<hbm>>
            %dma_wait3A_213 = arith.constant 0 : i32
            %dma_wait3A_214 = arith.constant 0 : i32
            %dma_wait3A_215 = tpu.memref_slice %arg6[%dma_wait3A_213, %dma_wait3A_214] : memref<160000x128xf32, #tpu.memory_space<hbm>> -> memref<64x128xf32, #tpu.memory_space<hbm>>
            %dma_wait3A_216 = arith.constant 0 : i32
            %dma_wait3A_217 = arith.constant 0 : i32
            %dma_wait3A_218 = tpu.memref_slice %arg11[%sub3A_205, %dma_wait3A_216, %dma_wait3A_217] : memref<2x64x128xf32, #tpu.memory_space<vmem>> -> memref<1x64x128xf32, #tpu.memory_space<vmem>>
            %dma_wait3A_219 = tpu.memref_squeeze %dma_wait3A_218 : memref<1x64x128xf32, #tpu.memory_space<vmem>> -> memref<64x128xf32, #tpu.memory_space<vmem>>
            tpu.wait_dma2 semaphore(%arg14 : memref<!tpu.dma_semaphore, #tpu.memory_space<semaphore_mem>>) src(%dma_wait3A_219 : memref<64x128xf32, #tpu.memory_space<vmem>>) dst(%dma_wait3A_215 : memref<64x128xf32, #tpu.memory_space<hbm>>)
          } else {
          }
          %sub3A_128 = arith.constant 1 : i32
          %sub3A_129 = arith.subi %sub3A_128, %and3A_24 : i32
          %dma_wait3A_130 = arith.constant 0 : i32
          %dma_wait3A_131 = arith.constant 0 : i32
          %dma_wait3A_132 = tpu.memref_slice %arg7[%sub3A_129, %dma_wait3A_130, %dma_wait3A_131] : memref<2x1x128xi32, #tpu.memory_space<vmem>> -> memref<1x1x128xi32, #tpu.memory_space<vmem>>
          %dma_wait3A_133 = tpu.memref_squeeze %dma_wait3A_132 : memref<1x1x128xi32, #tpu.memory_space<vmem>> -> memref<1x128xi32, #tpu.memory_space<vmem>>
          %dma_wait3A_134 = arith.constant 0 : i32
          %dma_wait3A_135 = arith.constant 0 : i32
          %dma_wait3A_136 = tpu.memref_slice %arg4[%dma_wait3A_134, %dma_wait3A_135] : memref<2500x128xi32, #tpu.memory_space<hbm>> -> memref<1x128xi32, #tpu.memory_space<hbm>>
          %dma_wait3A_137 = arith.constant 0 : i32
          %dma_wait3A_138 = arith.constant 0 : i32
          %dma_wait3A_139 = tpu.memref_slice %arg7[%sub3A_129, %dma_wait3A_137, %dma_wait3A_138] : memref<2x1x128xi32, #tpu.memory_space<vmem>> -> memref<1x1x128xi32, #tpu.memory_space<vmem>>
          %dma_wait3A_140 = tpu.memref_squeeze %dma_wait3A_139 : memref<1x1x128xi32, #tpu.memory_space<vmem>> -> memref<1x128xi32, #tpu.memory_space<vmem>>
          %dma_wait3A_141 = arith.constant 0 : i32
          %dma_wait3A_142 = arith.constant 0 : i32
          %dma_wait3A_143 = tpu.memref_slice %arg4[%dma_wait3A_141, %dma_wait3A_142] : memref<2500x128xi32, #tpu.memory_space<hbm>> -> memref<1x128xi32, #tpu.memory_space<hbm>>
          tpu.wait_dma2 semaphore(%arg12 : memref<!tpu.dma_semaphore, #tpu.memory_space<semaphore_mem>>) src(%dma_wait3A_143 : memref<1x128xi32, #tpu.memory_space<hbm>>) dst(%dma_wait3A_140 : memref<1x128xi32, #tpu.memory_space<vmem>>)
          %dma_wait3A_144 = arith.constant 0 : i32
          %dma_wait3A_145 = arith.constant 0 : i32
          %dma_wait3A_146 = tpu.memref_slice %arg8[%sub3A_129, %dma_wait3A_144, %dma_wait3A_145] : memref<2x1x128xi32, #tpu.memory_space<vmem>> -> memref<1x1x128xi32, #tpu.memory_space<vmem>>
          %dma_wait3A_147 = tpu.memref_squeeze %dma_wait3A_146 : memref<1x1x128xi32, #tpu.memory_space<vmem>> -> memref<1x128xi32, #tpu.memory_space<vmem>>
          %dma_wait3A_148 = arith.constant 0 : i32
          %dma_wait3A_149 = arith.constant 0 : i32
          %dma_wait3A_150 = tpu.memref_slice %arg5[%dma_wait3A_148, %dma_wait3A_149] : memref<2500x128xi32, #tpu.memory_space<hbm>> -> memref<1x128xi32, #tpu.memory_space<hbm>>
          %dma_wait3A_151 = arith.constant 0 : i32
          %dma_wait3A_152 = arith.constant 0 : i32
          %dma_wait3A_153 = tpu.memref_slice %arg8[%sub3A_129, %dma_wait3A_151, %dma_wait3A_152] : memref<2x1x128xi32, #tpu.memory_space<vmem>> -> memref<1x1x128xi32, #tpu.memory_space<vmem>>
          %dma_wait3A_154 = tpu.memref_squeeze %dma_wait3A_153 : memref<1x1x128xi32, #tpu.memory_space<vmem>> -> memref<1x128xi32, #tpu.memory_space<vmem>>
          %dma_wait3A_155 = arith.constant 0 : i32
          %dma_wait3A_156 = arith.constant 0 : i32
          %dma_wait3A_157 = tpu.memref_slice %arg5[%dma_wait3A_155, %dma_wait3A_156] : memref<2500x128xi32, #tpu.memory_space<hbm>> -> memref<1x128xi32, #tpu.memory_space<hbm>>
          tpu.wait_dma2 semaphore(%arg12 : memref<!tpu.dma_semaphore, #tpu.memory_space<semaphore_mem>>) src(%dma_wait3A_157 : memref<1x128xi32, #tpu.memory_space<hbm>>) dst(%dma_wait3A_154 : memref<1x128xi32, #tpu.memory_space<vmem>>)
          %sub3A_158 = arith.constant 1 : i32
          %sub3A_159 = arith.subi %sub3A_158, %and3A_24 : i32
          %dma_start3A_160 = arith.constant 0 : i32
          %dma_start3A_161 = arith.constant 0 : i32
          %dma_start3A_162 = arith.constant 0 : i32
          %dma_start3A_163 = tpu.memref_slice %arg9[%sub3A_159, %dma_start3A_161, %dma_start3A_162] : memref<2x128x64xbf16, #tpu.memory_space<vmem>> -> memref<1x64x64xbf16, #tpu.memory_space<vmem>>
          %dma_start3A_164 = tpu.memref_squeeze %dma_start3A_163 : memref<1x64x64xbf16, #tpu.memory_space<vmem>> -> memref<64x64xbf16, #tpu.memory_space<vmem>>
          %dma_start3A_165 = arith.constant 0 : i32
          %dma_start3A_166 = tpu.memref_slice %arg7[%sub3A_159, %dma_start3A_160, %dma_start3A_165] : memref<2x1x128xi32, #tpu.memory_space<vmem>> -> memref<1x1x64xi32, #tpu.memory_space<vmem>>
          %dma_start3A_167 = tpu.memref_squeeze %dma_start3A_166 : memref<1x1x64xi32, #tpu.memory_space<vmem>> -> memref<64xi32, #tpu.memory_space<vmem>>
          %dma_start3A_168 = arith.constant 0 : i32
          %dma_start3A_169 = arith.constant 0 : i32
          %dma_start3A_170 = tpu.memref_slice %arg2[%dma_start3A_168, %dma_start3A_169] : memref<10000x64xbf16, #tpu.memory_space<hbm>> -> memref<10000x64xbf16, #tpu.memory_space<hbm>>
          tpu.enqueue_indirect_dma source(%dma_start3A_170 : memref<10000x64xbf16, #tpu.memory_space<hbm>>) target(%dma_start3A_164 : memref<64x64xbf16, #tpu.memory_space<vmem>>) offsets(%dma_start3A_167 : memref<64xi32, #tpu.memory_space<vmem>>) semaphore(%arg13 : memref<!tpu.dma_semaphore, #tpu.memory_space<semaphore_mem>>)
          %dma_start3A_171 = arith.constant 0 : i32
          %dma_start3A_172 = arith.constant 0 : i32
          %dma_start3A_173 = arith.constant 0 : i32
          %dma_start3A_174 = tpu.memref_slice %arg10[%sub3A_159, %dma_start3A_172, %dma_start3A_173] : memref<2x128x64xbf16, #tpu.memory_space<vmem>> -> memref<1x64x64xbf16, #tpu.memory_space<vmem>>
          %dma_start3A_175 = tpu.memref_squeeze %dma_start3A_174 : memref<1x64x64xbf16, #tpu.memory_space<vmem>> -> memref<64x64xbf16, #tpu.memory_space<vmem>>
          %dma_start3A_176 = arith.constant 0 : i32
          %dma_start3A_177 = tpu.memref_slice %arg8[%sub3A_159, %dma_start3A_171, %dma_start3A_176] : memref<2x1x128xi32, #tpu.memory_space<vmem>> -> memref<1x1x64xi32, #tpu.memory_space<vmem>>
          %dma_start3A_178 = tpu.memref_squeeze %dma_start3A_177 : memref<1x1x64xi32, #tpu.memory_space<vmem>> -> memref<64xi32, #tpu.memory_space<vmem>>
          %dma_start3A_179 = arith.constant 0 : i32
          %dma_start3A_180 = arith.constant 0 : i32
          %dma_start3A_181 = tpu.memref_slice %arg3[%dma_start3A_179, %dma_start3A_180] : memref<10000x64xbf16, #tpu.memory_space<hbm>> -> memref<10000x64xbf16, #tpu.memory_space<hbm>>
          tpu.enqueue_indirect_dma source(%dma_start3A_181 : memref<10000x64xbf16, #tpu.memory_space<hbm>>) target(%dma_start3A_175 : memref<64x64xbf16, #tpu.memory_space<vmem>>) offsets(%dma_start3A_178 : memref<64xi32, #tpu.memory_space<vmem>>) semaphore(%arg13 : memref<!tpu.dma_semaphore, #tpu.memory_space<semaphore_mem>>)
          %dma_start3A_182 = arith.constant 0 : i32
          %dma_start3A_183 = arith.constant 64 : i32
          %dma_start3A_184 = arith.constant 0 : i32
          %dma_start3A_185 = tpu.memref_slice %arg9[%sub3A_159, %dma_start3A_183, %dma_start3A_184] : memref<2x128x64xbf16, #tpu.memory_space<vmem>> -> memref<1x64x64xbf16, #tpu.memory_space<vmem>>
          %dma_start3A_186 = tpu.memref_squeeze %dma_start3A_185 : memref<1x64x64xbf16, #tpu.memory_space<vmem>> -> memref<64x64xbf16, #tpu.memory_space<vmem>>
          %dma_start3A_187 = arith.constant 64 : i32
          %dma_start3A_188 = tpu.memref_slice %arg7[%sub3A_159, %dma_start3A_182, %dma_start3A_187] : memref<2x1x128xi32, #tpu.memory_space<vmem>> -> memref<1x1x64xi32, #tpu.memory_space<vmem>>
          %dma_start3A_189 = tpu.memref_squeeze %dma_start3A_188 : memref<1x1x64xi32, #tpu.memory_space<vmem>> -> memref<64xi32, #tpu.memory_space<vmem>>
          %dma_start3A_190 = arith.constant 0 : i32
          %dma_start3A_191 = arith.constant 0 : i32
          %dma_start3A_192 = tpu.memref_slice %arg2[%dma_start3A_190, %dma_start3A_191] : memref<10000x64xbf16, #tpu.memory_space<hbm>> -> memref<10000x64xbf16, #tpu.memory_space<hbm>>
          tpu.enqueue_indirect_dma source(%dma_start3A_192 : memref<10000x64xbf16, #tpu.memory_space<hbm>>) target(%dma_start3A_186 : memref<64x64xbf16, #tpu.memory_space<vmem>>) offsets(%dma_start3A_189 : memref<64xi32, #tpu.memory_space<vmem>>) semaphore(%arg13 : memref<!tpu.dma_semaphore, #tpu.memory_space<semaphore_mem>>)
          %dma_start3A_193 = arith.constant 0 : i32
          %dma_start3A_194 = arith.constant 64 : i32
          %dma_start3A_195 = arith.constant 0 : i32
          %dma_start3A_196 = tpu.memref_slice %arg10[%sub3A_159, %dma_start3A_194, %dma_start3A_195] : memref<2x128x64xbf16, #tpu.memory_space<vmem>> -> memref<1x64x64xbf16, #tpu.memory_space<vmem>>
          %dma_start3A_197 = tpu.memref_squeeze %dma_start3A_196 : memref<1x64x64xbf16, #tpu.memory_space<vmem>> -> memref<64x64xbf16, #tpu.memory_space<vmem>>
          %dma_start3A_198 = arith.constant 64 : i32
          %dma_start3A_199 = tpu.memref_slice %arg8[%sub3A_159, %dma_start3A_193, %dma_start3A_198] : memref<2x1x128xi32, #tpu.memory_space<vmem>> -> memref<1x1x64xi32, #tpu.memory_space<vmem>>
          %dma_start3A_200 = tpu.memref_squeeze %dma_start3A_199 : memref<1x1x64xi32, #tpu.memory_space<vmem>> -> memref<64xi32, #tpu.memory_space<vmem>>
          %dma_start3A_201 = arith.constant 0 : i32
          %dma_start3A_202 = arith.constant 0 : i32
          %dma_start3A_203 = tpu.memref_slice %arg3[%dma_start3A_201, %dma_start3A_202] : memref<10000x64xbf16, #tpu.memory_space<hbm>> -> memref<10000x64xbf16, #tpu.memory_space<hbm>>
          tpu.enqueue_indirect_dma source(%dma_start3A_203 : memref<10000x64xbf16, #tpu.memory_space<hbm>>) target(%dma_start3A_197 : memref<64x64xbf16, #tpu.memory_space<vmem>>) offsets(%dma_start3A_200 : memref<64xi32, #tpu.memory_space<vmem>>) semaphore(%arg13 : memref<!tpu.dma_semaphore, #tpu.memory_space<semaphore_mem>>)
        } else {
        }
        %scan3A_103 = arith.constant 0 : i32
        %scan3A_104 = arith.constant -65536 : i32
        %scan3A_105 = arith.constant 0 : i32
        %scan3A_106 = arith.constant 128 : i32
        %scan3A_107 = arith.addi %scan3A_105, %scan3A_106 : i32
        %scan3A_108 = arith.constant 1 : i32
        scf.for %scan3A_123 = %scan3A_105 to %scan3A_107 step %scan3A_108  : i32 {
          %shift_right_logical3A = arith.constant 1 : i32
          %shift_right_logical3A_124 = arith.shrui %scan3A_123, %shift_right_logical3A : i32
          %and3A_125 = arith.constant 1 : i32
          %and3A_126 = arith.andi %scan3A_123, %and3A_125 : i32
          %mul3A_127 = arith.constant 64 : i32
          %mul3A_128 = arith.muli %and3A_126, %mul3A_127 : i32
          %get3A = arith.index_cast %and3A_24 : i32 to index
          %get3A_129 = arith.index_cast %scan3A_123 : i32 to index
          %get3A_130 = arith.constant 0 : index
          %get3A_131 = tpu.vector_load %arg9[%get3A, %get3A_129, %get3A_130] {strides = array<i32>} : memref<2x128x64xbf16, #tpu.memory_space<vmem>>, vector<32xbf16>,
          %get3A_132 = arith.index_cast %and3A_24 : i32 to index
          %get3A_133 = arith.index_cast %scan3A_123 : i32 to index
          %get3A_134 = arith.constant 0 : index
          %get3A_135 = tpu.vector_load %arg10[%get3A_132, %get3A_133, %get3A_134] {strides = array<i32>} : memref<2x128x64xbf16, #tpu.memory_space<vmem>>, vector<32xbf16>,
          %add3A_136 = arith.addf %get3A_131, %get3A_135 : vector<32xbf16>
          %max3A_137 = arith.constant 0.000000e+00 : bf16
          %max3A_138 = vector.broadcast %max3A_137 : bf16 to vector<32xbf16>
          %max3A_139 = arith.maximumf %add3A_136, %max3A_138 : vector<32xbf16>
          %bitcast3A = vector.bitcast %max3A_139 : vector<32xbf16> to vector<16xi32>
          %shift_left3A = arith.constant 16 : i32
          %shift_left3A_140 = vector.broadcast %shift_left3A : i32 to vector<16xi32>
          %shift_left3A_141 = arith.shli %bitcast3A, %shift_left3A_140 : vector<16xi32>
          %bitcast3A_142 = vector.bitcast %shift_left3A_141 : vector<16xi32> to vector<16xf32>
          %and3A_143 = vector.broadcast %scan3A_104 : i32 to vector<16xi32>
          %and3A_144 = arith.andi %bitcast3A, %and3A_143 : vector<16xi32>
          %bitcast3A_145 = vector.bitcast %and3A_144 : vector<16xi32> to vector<16xf32>
          %add3A_146 = arith.constant 0 : i32
          %add3A_147 = arith.addi %mul3A_128, %add3A_146 : i32
          %swap3A = arith.index_cast %and3A_24 : i32 to index
          %swap3A_148 = arith.index_cast %shift_right_logical3A_124 : i32 to index
          %swap3A_149 = arith.index_cast %add3A_147 : i32 to index
          %swap3A_150 = tpu.vector_load %arg11[%swap3A, %swap3A_148, %swap3A_149] {strides = array<i32>} : memref<2x64x128xf32, #tpu.memory_space<vmem>>, vector<16xf32>,
          tpu.vector_store %arg11[%swap3A, %swap3A_148, %swap3A_149], %bitcast3A_142 {strides = array<i32>} : memref<2x64x128xf32, #tpu.memory_space<vmem>>, vector<16xf32>,
          %add3A_151 = arith.constant 0 : i32
          %add3A_152 = arith.addi %mul3A_128, %add3A_151 : i32
          %add3A_153 = arith.constant 16 : i32
          %add3A_154 = arith.addi %add3A_152, %add3A_153 : i32
          %swap3A_155 = arith.index_cast %and3A_24 : i32 to index
          %swap3A_156 = arith.index_cast %shift_right_logical3A_124 : i32 to index
          %swap3A_157 = arith.index_cast %add3A_154 : i32 to index
          %swap3A_158 = tpu.vector_load %arg11[%swap3A_155, %swap3A_156, %swap3A_157] {strides = array<i32>} : memref<2x64x128xf32, #tpu.memory_space<vmem>>, vector<16xf32>,
          tpu.vector_store %arg11[%swap3A_155, %swap3A_156, %swap3A_157], %bitcast3A_145 {strides = array<i32>} : memref<2x64x128xf32, #tpu.memory_space<vmem>>, vector<16xf32>,
          %get3A_159 = arith.index_cast %and3A_24 : i32 to index
          %get3A_160 = arith.index_cast %scan3A_123 : i32 to index
          %get3A_161 = arith.constant 32 : index
          %get3A_162 = tpu.vector_load %arg9[%get3A_159, %get3A_160, %get3A_161] {strides = array<i32>} : memref<2x128x64xbf16, #tpu.memory_space<vmem>>, vector<32xbf16>,
          %get3A_163 = arith.index_cast %and3A_24 : i32 to index
          %get3A_164 = arith.index_cast %scan3A_123 : i32 to index
          %get3A_165 = arith.constant 32 : index
          %get3A_166 = tpu.vector_load %arg10[%get3A_163, %get3A_164, %get3A_165] {strides = array<i32>} : memref<2x128x64xbf16, #tpu.memory_space<vmem>>, vector<32xbf16>,
          %add3A_167 = arith.addf %get3A_162, %get3A_166 : vector<32xbf16>
          %max3A_168 = arith.constant 0.000000e+00 : bf16
          %max3A_169 = vector.broadcast %max3A_168 : bf16 to vector<32xbf16>
          %max3A_170 = arith.maximumf %add3A_167, %max3A_169 : vector<32xbf16>
          %bitcast3A_171 = vector.bitcast %max3A_170 : vector<32xbf16> to vector<16xi32>
          %shift_left3A_172 = arith.constant 16 : i32
          %shift_left3A_173 = vector.broadcast %shift_left3A_172 : i32 to vector<16xi32>
          %shift_left3A_174 = arith.shli %bitcast3A_171, %shift_left3A_173 : vector<16xi32>
          %bitcast3A_175 = vector.bitcast %shift_left3A_174 : vector<16xi32> to vector<16xf32>
          %and3A_176 = vector.broadcast %scan3A_104 : i32 to vector<16xi32>
          %and3A_177 = arith.andi %bitcast3A_171, %and3A_176 : vector<16xi32>
          %bitcast3A_178 = vector.bitcast %and3A_177 : vector<16xi32> to vector<16xf32>
          %add3A_179 = arith.constant 32 : i32
          %add3A_180 = arith.addi %mul3A_128, %add3A_179 : i32
          %swap3A_181 = arith.index_cast %and3A_24 : i32 to index
          %swap3A_182 = arith.index_cast %shift_right_logical3A_124 : i32 to index
          %swap3A_183 = arith.index_cast %add3A_180 : i32 to index
          %swap3A_184 = tpu.vector_load %arg11[%swap3A_181, %swap3A_182, %swap3A_183] {strides = array<i32>} : memref<2x64x128xf32, #tpu.memory_space<vmem>>, vector<16xf32>,
          tpu.vector_store %arg11[%swap3A_181, %swap3A_182, %swap3A_183], %bitcast3A_175 {strides = array<i32>} : memref<2x64x128xf32, #tpu.memory_space<vmem>>, vector<16xf32>,
          %add3A_185 = arith.constant 32 : i32
          %add3A_186 = arith.addi %mul3A_128, %add3A_185 : i32
          %add3A_187 = arith.constant 16 : i32
          %add3A_188 = arith.addi %add3A_186, %add3A_187 : i32
          %swap3A_189 = arith.index_cast %and3A_24 : i32 to index
          %swap3A_190 = arith.index_cast %shift_right_logical3A_124 : i32 to index
          %swap3A_191 = arith.index_cast %add3A_188 : i32 to index
          %swap3A_192 = tpu.vector_load %arg11[%swap3A_189, %swap3A_190, %swap3A_191] {strides = array<i32>} : memref<2x64x128xf32, #tpu.memory_space<vmem>>, vector<16xf32>,
          tpu.vector_store %arg11[%swap3A_189, %swap3A_190, %swap3A_191], %bitcast3A_178 {strides = array<i32>} : memref<2x64x128xf32, #tpu.memory_space<vmem>>, vector<16xf32>,
        }
        %scan3A_109 = arith.constant 128 : i32
        %mul3A_110 = arith.constant 64 : i32
        %mul3A_111 = arith.muli %add3A_23, %mul3A_110 : i32
        %dma_start3A = arith.constant 0 : i32
        %dma_start3A_112 = arith.constant 0 : i32
        %dma_start3A_113 = tpu.memref_slice %arg11[%and3A_24, %dma_start3A, %dma_start3A_112] : memref<2x64x128xf32, #tpu.memory_space<vmem>> -> memref<1x64x128xf32, #tpu.memory_space<vmem>>
        %dma_start3A_114 = tpu.memref_squeeze %dma_start3A_113 : memref<1x64x128xf32, #tpu.memory_space<vmem>> -> memref<64x128xf32, #tpu.memory_space<vmem>>
        %dma_start3A_115 = arith.constant 0 : i32
        %dma_start3A_116 = tpu.memref_slice %arg6[%mul3A_111, %dma_start3A_115] : memref<160000x128xf32, #tpu.memory_space<hbm>> -> memref<64x128xf32, #tpu.memory_space<hbm>>
        %dma_start3A_117 = arith.constant 0 : i32
        %dma_start3A_118 = tpu.memref_slice %arg6[%mul3A_111, %dma_start3A_117] : memref<160000x128xf32, #tpu.memory_space<hbm>> -> memref<64x128xf32, #tpu.memory_space<hbm>>
        %dma_start3A_119 = arith.constant 0 : i32
        %dma_start3A_120 = arith.constant 0 : i32
        %dma_start3A_121 = tpu.memref_slice %arg11[%and3A_24, %dma_start3A_119, %dma_start3A_120] : memref<2x64x128xf32, #tpu.memory_space<vmem>> -> memref<1x64x128xf32, #tpu.memory_space<vmem>>
        %dma_start3A_122 = tpu.memref_squeeze %dma_start3A_121 : memref<1x64x128xf32, #tpu.memory_space<vmem>> -> memref<64x128xf32, #tpu.memory_space<vmem>>
        tpu.enqueue_dma source(%dma_start3A_122 : memref<64x128xf32, #tpu.memory_space<vmem>>) target(%dma_start3A_118 : memref<64x128xf32, #tpu.memory_space<hbm>>) target_semaphore(%arg14 : memref<!tpu.dma_semaphore, #tpu.memory_space<semaphore_mem>>)
      } else {
      }
    }
    %scan3A_11 = arith.constant 79 : i32
    %ge3A_12 = arith.constant 2 : i32
    %ge3A_13 = arith.cmpi sge, %min3A, %ge3A_12 : i32
    %convert_element_type3A_14 = arith.extui %ge3A_13 : i1 to i32
    %cond3A_15 = arith.constant 0 : i32
    %cond3A_16 = arith.cmpi ne, %convert_element_type3A_14, %cond3A_15 : i32
    scf.if %cond3A_16 {
      %dma_wait3A = arith.constant 0 : i32
      %dma_wait3A_22 = arith.constant 0 : i32
      %dma_wait3A_23 = arith.constant 0 : i32
      %dma_wait3A_24 = tpu.memref_slice %arg11[%dma_wait3A, %dma_wait3A_22, %dma_wait3A_23] : memref<2x64x128xf32, #tpu.memory_space<vmem>> -> memref<1x64x128xf32, #tpu.memory_space<vmem>>
      %dma_wait3A_25 = tpu.memref_squeeze %dma_wait3A_24 : memref<1x64x128xf32, #tpu.memory_space<vmem>> -> memref<64x128xf32, #tpu.memory_space<vmem>>
      %dma_wait3A_26 = arith.constant 0 : i32
      %dma_wait3A_27 = arith.constant 0 : i32
      %dma_wait3A_28 = tpu.memref_slice %arg6[%dma_wait3A_26, %dma_wait3A_27] : memref<160000x128xf32, #tpu.memory_space<hbm>> -> memref<64x128xf32, #tpu.memory_space<hbm>>
      %dma_wait3A_29 = arith.constant 0 : i32
      %dma_wait3A_30 = arith.constant 0 : i32
      %dma_wait3A_31 = tpu.memref_slice %arg6[%dma_wait3A_29, %dma_wait3A_30] : memref<160000x128xf32, #tpu.memory_space<hbm>> -> memref<64x128xf32, #tpu.memory_space<hbm>>
      %dma_wait3A_32 = arith.constant 0 : i32
      %dma_wait3A_33 = arith.constant 0 : i32
      %dma_wait3A_34 = tpu.memref_slice %arg11[%dma_wait3A, %dma_wait3A_32, %dma_wait3A_33] : memref<2x64x128xf32, #tpu.memory_space<vmem>> -> memref<1x64x128xf32, #tpu.memory_space<vmem>>
      %dma_wait3A_35 = tpu.memref_squeeze %dma_wait3A_34 : memref<1x64x128xf32, #tpu.memory_space<vmem>> -> memref<64x128xf32, #tpu.memory_space<vmem>>
      tpu.wait_dma2 semaphore(%arg14 : memref<!tpu.dma_semaphore, #tpu.memory_space<semaphore_mem>>) src(%dma_wait3A_35 : memref<64x128xf32, #tpu.memory_space<vmem>>) dst(%dma_wait3A_31 : memref<64x128xf32, #tpu.memory_space<hbm>>)
    } else {
    }
    %ge3A_17 = arith.constant 1 : i32
    %ge3A_18 = arith.cmpi sge, %min3A, %ge3A_17 : i32
    %convert_element_type3A_19 = arith.extui %ge3A_18 : i1 to i32
    %cond3A_20 = arith.constant 0 : i32
    %cond3A_21 = arith.cmpi ne, %convert_element_type3A_19, %cond3A_20 : i32
    scf.if %cond3A_21 {
      %dma_wait3A = arith.constant 0 : i32
      %dma_wait3A_22 = arith.constant 0 : i32
      %dma_wait3A_23 = arith.constant 0 : i32
      %dma_wait3A_24 = tpu.memref_slice %arg11[%dma_wait3A, %dma_wait3A_22, %dma_wait3A_23] : memref<2x64x128xf32, #tpu.memory_space<vmem>> -> memref<1x64x128xf32, #tpu.memory_space<vmem>>
      %dma_wait3A_25 = tpu.memref_squeeze %dma_wait3A_24 : memref<1x64x128xf32, #tpu.memory_space<vmem>> -> memref<64x128xf32, #tpu.memory_space<vmem>>
      %dma_wait3A_26 = arith.constant 0 : i32
      %dma_wait3A_27 = arith.constant 0 : i32
      %dma_wait3A_28 = tpu.memref_slice %arg6[%dma_wait3A_26, %dma_wait3A_27] : memref<160000x128xf32, #tpu.memory_space<hbm>> -> memref<64x128xf32, #tpu.memory_space<hbm>>
      %dma_wait3A_29 = arith.constant 0 : i32
      %dma_wait3A_30 = arith.constant 0 : i32
      %dma_wait3A_31 = tpu.memref_slice %arg6[%dma_wait3A_29, %dma_wait3A_30] : memref<160000x128xf32, #tpu.memory_space<hbm>> -> memref<64x128xf32, #tpu.memory_space<hbm>>
      %dma_wait3A_32 = arith.constant 0 : i32
      %dma_wait3A_33 = arith.constant 0 : i32
      %dma_wait3A_34 = tpu.memref_slice %arg11[%dma_wait3A, %dma_wait3A_32, %dma_wait3A_33] : memref<2x64x128xf32, #tpu.memory_space<vmem>> -> memref<1x64x128xf32, #tpu.memory_space<vmem>>
      %dma_wait3A_35 = tpu.memref_squeeze %dma_wait3A_34 : memref<1x64x128xf32, #tpu.memory_space<vmem>> -> memref<64x128xf32, #tpu.memory_space<vmem>>
      tpu.wait_dma2 semaphore(%arg14 : memref<!tpu.dma_semaphore, #tpu.memory_space<semaphore_mem>>) src(%dma_wait3A_35 : memref<64x128xf32, #tpu.memory_space<vmem>>) dst(%dma_wait3A_31 : memref<64x128xf32, #tpu.memory_space<hbm>>)
    } else {
    }
    return
  }
}

#map = affine_map<(d0, d1) -> (0, 0)>
module attributes {stable_mosaic.version = 14 : i64} {
  func.func @gather_k(%arg0: i32, %arg1: i32, %arg2: memref<10000x64xbf16, #tpu.memory_space<hbm>>, %arg3: memref<10000x64xbf16, #tpu.memory_space<hbm>>, %arg4: memref<2500x128xi32, #tpu.memory_space<hbm>>, %arg5: memref<2500x128xi32, #tpu.memory_space<hbm>>, %arg6: memref<160000x128xf32, #tpu.memory_space<hbm>>, %arg7: memref<2x1x128xi32, #tpu.memory_space<vmem>>, %arg8: memref<2x1x128xi32, #tpu.memory_space<vmem>>, %arg9: memref<2x128x64xbf16, #tpu.memory_space<vmem>>, %arg10: memref<2x128x64xbf16, #tpu.memory_space<vmem>>, %arg11: memref<2x64x128xf32, #tpu.memory_space<vmem>>, %arg12: memref<!tpu.dma_semaphore, #tpu.memory_space<semaphore_mem>>, %arg13: memref<!tpu.dma_semaphore, #tpu.memory_space<semaphore_mem>>, %arg14: memref<!tpu.dma_semaphore, #tpu.memory_space<semaphore_mem>>) attributes {dimension_semantics = [#tpu.dimension_semantics<core_parallel>, #tpu.dimension_semantics<subcore_parallel>], iteration_bounds = array<i64: 2, 16>, scalar_prefetch = 0 : i64, scratch_operands = 8 : i64, tpu.core_type = #tpu.core_type<sc_vector_subcore>, window_params = [{transform_indices = #map}, {transform_indices = #map}, {transform_indices = #map}, {transform_indices = #map}, {transform_indices = #map}]} {
    %mul3A = arith.constant 2 : i32
    %mul3A_0 = arith.muli %arg1, %mul3A : i32
    %add3A = arith.addi %mul3A_0, %arg0 : i32
    %mul3A_1 = arith.constant 79 : i32
    %mul3A_2 = arith.muli %add3A, %mul3A_1 : i32
    %sub3A = arith.constant 2500 : i32
    %sub3A_3 = arith.subi %sub3A, %mul3A_2 : i32
    %jit3A = arith.constant 0 : i32
    %jit3A_4 = arith.constant 79 : i32
    %max3A = arith.maxsi %jit3A, %sub3A_3 : i32
    %min3A = arith.minsi %jit3A_4, %max3A : i32
    %ge3A = arith.constant 1 : i32
    %ge3A_5 = arith.cmpi sge, %min3A, %ge3A : i32
    %convert_element_type3A = arith.extui %ge3A_5 : i1 to i32
    %cond3A = arith.constant 0 : i32
    %cond3A_6 = arith.cmpi ne, %convert_element_type3A, %cond3A : i32
    scf.if %cond3A_6 {
      %dma_start3A = arith.constant 0 : i32
      %dma_start3A_22 = arith.constant 0 : i32
      %dma_start3A_23 = arith.constant 0 : i32
      %dma_start3A_24 = tpu.memref_slice %arg7[%dma_start3A, %dma_start3A_22, %dma_start3A_23] : memref<2x1x128xi32, #tpu.memory_space<vmem>> -> memref<1x1x128xi32, #tpu.memory_space<vmem>>
      %dma_start3A_25 = tpu.memref_squeeze %dma_start3A_24 : memref<1x1x128xi32, #tpu.memory_space<vmem>> -> memref<1x128xi32, #tpu.memory_space<vmem>>
      %dma_start3A_26 = arith.constant 0 : i32
      %dma_start3A_27 = tpu.memref_slice %arg4[%mul3A_2, %dma_start3A_26] : memref<2500x128xi32, #tpu.memory_space<hbm>> -> memref<1x128xi32, #tpu.memory_space<hbm>>
      %dma_start3A_28 = arith.constant 0 : i32
      %dma_start3A_29 = arith.constant 0 : i32
      %dma_start3A_30 = tpu.memref_slice %arg7[%dma_start3A, %dma_start3A_28, %dma_start3A_29] : memref<2x1x128xi32, #tpu.memory_space<vmem>> -> memref<1x1x128xi32, #tpu.memory_space<vmem>>
      %dma_start3A_31 = tpu.memref_squeeze %dma_start3A_30 : memref<1x1x128xi32, #tpu.memory_space<vmem>> -> memref<1x128xi32, #tpu.memory_space<vmem>>
      %dma_start3A_32 = arith.constant 0 : i32
      %dma_start3A_33 = tpu.memref_slice %arg4[%mul3A_2, %dma_start3A_32] : memref<2500x128xi32, #tpu.memory_space<hbm>> -> memref<1x128xi32, #tpu.memory_space<hbm>>
      tpu.enqueue_dma source(%dma_start3A_33 : memref<1x128xi32, #tpu.memory_space<hbm>>) target(%dma_start3A_31 : memref<1x128xi32, #tpu.memory_space<vmem>>) target_semaphore(%arg12 : memref<!tpu.dma_semaphore, #tpu.memory_space<semaphore_mem>>)
      %dma_start3A_34 = arith.constant 0 : i32
      %dma_start3A_35 = arith.constant 0 : i32
      %dma_start3A_36 = arith.constant 0 : i32
      %dma_start3A_37 = tpu.memref_slice %arg8[%dma_start3A_34, %dma_start3A_35, %dma_start3A_36] : memref<2x1x128xi32, #tpu.memory_space<vmem>> -> memref<1x1x128xi32, #tpu.memory_space<vmem>>
      %dma_start3A_38 = tpu.memref_squeeze %dma_start3A_37 : memref<1x1x128xi32, #tpu.memory_space<vmem>> -> memref<1x128xi32, #tpu.memory_space<vmem>>
      %dma_start3A_39 = arith.constant 0 : i32
      %dma_start3A_40 = tpu.memref_slice %arg5[%mul3A_2, %dma_start3A_39] : memref<2500x128xi32, #tpu.memory_space<hbm>> -> memref<1x128xi32, #tpu.memory_space<hbm>>
      %dma_start3A_41 = arith.constant 0 : i32
      %dma_start3A_42 = arith.constant 0 : i32
      %dma_start3A_43 = tpu.memref_slice %arg8[%dma_start3A_34, %dma_start3A_41, %dma_start3A_42] : memref<2x1x128xi32, #tpu.memory_space<vmem>> -> memref<1x1x128xi32, #tpu.memory_space<vmem>>
      %dma_start3A_44 = tpu.memref_squeeze %dma_start3A_43 : memref<1x1x128xi32, #tpu.memory_space<vmem>> -> memref<1x128xi32, #tpu.memory_space<vmem>>
      %dma_start3A_45 = arith.constant 0 : i32
      %dma_start3A_46 = tpu.memref_slice %arg5[%mul3A_2, %dma_start3A_45] : memref<2500x128xi32, #tpu.memory_space<hbm>> -> memref<1x128xi32, #tpu.memory_space<hbm>>
      tpu.enqueue_dma source(%dma_start3A_46 : memref<1x128xi32, #tpu.memory_space<hbm>>) target(%dma_start3A_44 : memref<1x128xi32, #tpu.memory_space<vmem>>) target_semaphore(%arg12 : memref<!tpu.dma_semaphore, #tpu.memory_space<semaphore_mem>>)
      %dma_wait3A = arith.constant 0 : i32
      %dma_wait3A_47 = arith.constant 0 : i32
      %dma_wait3A_48 = arith.constant 0 : i32
      %dma_wait3A_49 = tpu.memref_slice %arg7[%dma_wait3A, %dma_wait3A_47, %dma_wait3A_48] : memref<2x1x128xi32, #tpu.memory_space<vmem>> -> memref<1x1x128xi32, #tpu.memory_space<vmem>>
      %dma_wait3A_50 = tpu.memref_squeeze %dma_wait3A_49 : memref<1x1x128xi32, #tpu.memory_space<vmem>> -> memref<1x128xi32, #tpu.memory_space<vmem>>
      %dma_wait3A_51 = arith.constant 0 : i32
      %dma_wait3A_52 = arith.constant 0 : i32
      %dma_wait3A_53 = tpu.memref_slice %arg4[%dma_wait3A_51, %dma_wait3A_52] : memref<2500x128xi32, #tpu.memory_space<hbm>> -> memref<1x128xi32, #tpu.memory_space<hbm>>
      %dma_wait3A_54 = arith.constant 0 : i32
      %dma_wait3A_55 = arith.constant 0 : i32
      %dma_wait3A_56 = tpu.memref_slice %arg7[%dma_wait3A, %dma_wait3A_54, %dma_wait3A_55] : memref<2x1x128xi32, #tpu.memory_space<vmem>> -> memref<1x1x128xi32, #tpu.memory_space<vmem>>
      %dma_wait3A_57 = tpu.memref_squeeze %dma_wait3A_56 : memref<1x1x128xi32, #tpu.memory_space<vmem>> -> memref<1x128xi32, #tpu.memory_space<vmem>>
      %dma_wait3A_58 = arith.constant 0 : i32
      %dma_wait3A_59 = arith.constant 0 : i32
      %dma_wait3A_60 = tpu.memref_slice %arg4[%dma_wait3A_58, %dma_wait3A_59] : memref<2500x128xi32, #tpu.memory_space<hbm>> -> memref<1x128xi32, #tpu.memory_space<hbm>>
      tpu.wait_dma2 semaphore(%arg12 : memref<!tpu.dma_semaphore, #tpu.memory_space<semaphore_mem>>) src(%dma_wait3A_60 : memref<1x128xi32, #tpu.memory_space<hbm>>) dst(%dma_wait3A_57 : memref<1x128xi32, #tpu.memory_space<vmem>>)
      %dma_wait3A_61 = arith.constant 0 : i32
      %dma_wait3A_62 = arith.constant 0 : i32
      %dma_wait3A_63 = arith.constant 0 : i32
      %dma_wait3A_64 = tpu.memref_slice %arg8[%dma_wait3A_61, %dma_wait3A_62, %dma_wait3A_63] : memref<2x1x128xi32, #tpu.memory_space<vmem>> -> memref<1x1x128xi32, #tpu.memory_space<vmem>>
      %dma_wait3A_65 = tpu.memref_squeeze %dma_wait3A_64 : memref<1x1x128xi32, #tpu.memory_space<vmem>> -> memref<1x128xi32, #tpu.memory_space<vmem>>
      %dma_wait3A_66 = arith.constant 0 : i32
      %dma_wait3A_67 = arith.constant 0 : i32
      %dma_wait3A_68 = tpu.memref_slice %arg5[%dma_wait3A_66, %dma_wait3A_67] : memref<2500x128xi32, #tpu.memory_space<hbm>> -> memref<1x128xi32, #tpu.memory_space<hbm>>
      %dma_wait3A_69 = arith.constant 0 : i32
      %dma_wait3A_70 = arith.constant 0 : i32
      %dma_wait3A_71 = tpu.memref_slice %arg8[%dma_wait3A_61, %dma_wait3A_69, %dma_wait3A_70] : memref<2x1x128xi32, #tpu.memory_space<vmem>> -> memref<1x1x128xi32, #tpu.memory_space<vmem>>
      %dma_wait3A_72 = tpu.memref_squeeze %dma_wait3A_71 : memref<1x1x128xi32, #tpu.memory_space<vmem>> -> memref<1x128xi32, #tpu.memory_space<vmem>>
      %dma_wait3A_73 = arith.constant 0 : i32
      %dma_wait3A_74 = arith.constant 0 : i32
      %dma_wait3A_75 = tpu.memref_slice %arg5[%dma_wait3A_73, %dma_wait3A_74] : memref<2500x128xi32, #tpu.memory_space<hbm>> -> memref<1x128xi32, #tpu.memory_space<hbm>>
      tpu.wait_dma2 semaphore(%arg12 : memref<!tpu.dma_semaphore, #tpu.memory_space<semaphore_mem>>) src(%dma_wait3A_75 : memref<1x128xi32, #tpu.memory_space<hbm>>) dst(%dma_wait3A_72 : memref<1x128xi32, #tpu.memory_space<vmem>>)
      %dma_start3A_76 = arith.constant 0 : i32
      %dma_start3A_77 = arith.constant 0 : i32
      %dma_start3A_78 = arith.constant 0 : i32
      %dma_start3A_79 = arith.constant 0 : i32
      %dma_start3A_80 = arith.constant 0 : i32
      %dma_start3A_81 = tpu.memref_slice %arg9[%dma_start3A_78, %dma_start3A_79, %dma_start3A_80] : memref<2x128x64xbf16, #tpu.memory_space<vmem>> -> memref<1x64x64xbf16, #tpu.memory_space<vmem>>
      %dma_start3A_82 = tpu.memref_squeeze %dma_start3A_81 : memref<1x64x64xbf16, #tpu.memory_space<vmem>> -> memref<64x64xbf16, #tpu.memory_space<vmem>>
      %dma_start3A_83 = arith.constant 0 : i32
      %dma_start3A_84 = tpu.memref_slice %arg7[%dma_start3A_76, %dma_start3A_77, %dma_start3A_83] : memref<2x1x128xi32, #tpu.memory_space<vmem>> -> memref<1x1x64xi32, #tpu.memory_space<vmem>>
      %dma_start3A_85 = tpu.memref_squeeze %dma_start3A_84 : memref<1x1x64xi32, #tpu.memory_space<vmem>> -> memref<64xi32, #tpu.memory_space<vmem>>
      %dma_start3A_86 = arith.constant 0 : i32
      %dma_start3A_87 = arith.constant 0 : i32
      %dma_start3A_88 = tpu.memref_slice %arg2[%dma_start3A_86, %dma_start3A_87] : memref<10000x64xbf16, #tpu.memory_space<hbm>> -> memref<10000x64xbf16, #tpu.memory_space<hbm>>
      tpu.enqueue_indirect_dma source(%dma_start3A_88 : memref<10000x64xbf16, #tpu.memory_space<hbm>>) target(%dma_start3A_82 : memref<64x64xbf16, #tpu.memory_space<vmem>>) offsets(%dma_start3A_85 : memref<64xi32, #tpu.memory_space<vmem>>) semaphore(%arg13 : memref<!tpu.dma_semaphore, #tpu.memory_space<semaphore_mem>>)
      %dma_start3A_89 = arith.constant 0 : i32
      %dma_start3A_90 = arith.constant 0 : i32
      %dma_start3A_91 = arith.constant 0 : i32
      %dma_start3A_92 = arith.constant 0 : i32
      %dma_start3A_93 = arith.constant 0 : i32
      %dma_start3A_94 = tpu.memref_slice %arg10[%dma_start3A_91, %dma_start3A_92, %dma_start3A_93] : memref<2x128x64xbf16, #tpu.memory_space<vmem>> -> memref<1x64x64xbf16, #tpu.memory_space<vmem>>
      %dma_start3A_95 = tpu.memref_squeeze %dma_start3A_94 : memref<1x64x64xbf16, #tpu.memory_space<vmem>> -> memref<64x64xbf16, #tpu.memory_space<vmem>>
      %dma_start3A_96 = arith.constant 0 : i32
      %dma_start3A_97 = tpu.memref_slice %arg8[%dma_start3A_89, %dma_start3A_90, %dma_start3A_96] : memref<2x1x128xi32, #tpu.memory_space<vmem>> -> memref<1x1x64xi32, #tpu.memory_space<vmem>>
      %dma_start3A_98 = tpu.memref_squeeze %dma_start3A_97 : memref<1x1x64xi32, #tpu.memory_space<vmem>> -> memref<64xi32, #tpu.memory_space<vmem>>
      %dma_start3A_99 = arith.constant 0 : i32
      %dma_start3A_100 = arith.constant 0 : i32
      %dma_start3A_101 = tpu.memref_slice %arg3[%dma_start3A_99, %dma_start3A_100] : memref<10000x64xbf16, #tpu.memory_space<hbm>> -> memref<10000x64xbf16, #tpu.memory_space<hbm>>
      tpu.enqueue_indirect_dma source(%dma_start3A_101 : memref<10000x64xbf16, #tpu.memory_space<hbm>>) target(%dma_start3A_95 : memref<64x64xbf16, #tpu.memory_space<vmem>>) offsets(%dma_start3A_98 : memref<64xi32, #tpu.memory_space<vmem>>) semaphore(%arg13 : memref<!tpu.dma_semaphore, #tpu.memory_space<semaphore_mem>>)
      %dma_start3A_102 = arith.constant 0 : i32
      %dma_start3A_103 = arith.constant 0 : i32
      %dma_start3A_104 = arith.constant 0 : i32
      %dma_start3A_105 = arith.constant 64 : i32
      %dma_start3A_106 = arith.constant 0 : i32
      %dma_start3A_107 = tpu.memref_slice %arg9[%dma_start3A_104, %dma_start3A_105, %dma_start3A_106] : memref<2x128x64xbf16, #tpu.memory_space<vmem>> -> memref<1x64x64xbf16, #tpu.memory_space<vmem>>
      %dma_start3A_108 = tpu.memref_squeeze %dma_start3A_107 : memref<1x64x64xbf16, #tpu.memory_space<vmem>> -> memref<64x64xbf16, #tpu.memory_space<vmem>>
      %dma_start3A_109 = arith.constant 64 : i32
      %dma_start3A_110 = tpu.memref_slice %arg7[%dma_start3A_102, %dma_start3A_103, %dma_start3A_109] : memref<2x1x128xi32, #tpu.memory_space<vmem>> -> memref<1x1x64xi32, #tpu.memory_space<vmem>>
      %dma_start3A_111 = tpu.memref_squeeze %dma_start3A_110 : memref<1x1x64xi32, #tpu.memory_space<vmem>> -> memref<64xi32, #tpu.memory_space<vmem>>
      %dma_start3A_112 = arith.constant 0 : i32
      %dma_start3A_113 = arith.constant 0 : i32
      %dma_start3A_114 = tpu.memref_slice %arg2[%dma_start3A_112, %dma_start3A_113] : memref<10000x64xbf16, #tpu.memory_space<hbm>> -> memref<10000x64xbf16, #tpu.memory_space<hbm>>
      tpu.enqueue_indirect_dma source(%dma_start3A_114 : memref<10000x64xbf16, #tpu.memory_space<hbm>>) target(%dma_start3A_108 : memref<64x64xbf16, #tpu.memory_space<vmem>>) offsets(%dma_start3A_111 : memref<64xi32, #tpu.memory_space<vmem>>) semaphore(%arg13 : memref<!tpu.dma_semaphore, #tpu.memory_space<semaphore_mem>>)
      %dma_start3A_115 = arith.constant 0 : i32
      %dma_start3A_116 = arith.constant 0 : i32
      %dma_start3A_117 = arith.constant 0 : i32
      %dma_start3A_118 = arith.constant 64 : i32
      %dma_start3A_119 = arith.constant 0 : i32
      %dma_start3A_120 = tpu.memref_slice %arg10[%dma_start3A_117, %dma_start3A_118, %dma_start3A_119] : memref<2x128x64xbf16, #tpu.memory_space<vmem>> -> memref<1x64x64xbf16, #tpu.memory_space<vmem>>
      %dma_start3A_121 = tpu.memref_squeeze %dma_start3A_120 : memref<1x64x64xbf16, #tpu.memory_space<vmem>> -> memref<64x64xbf16, #tpu.memory_space<vmem>>
      %dma_start3A_122 = arith.constant 64 : i32
      %dma_start3A_123 = tpu.memref_slice %arg8[%dma_start3A_115, %dma_start3A_116, %dma_start3A_122] : memref<2x1x128xi32, #tpu.memory_space<vmem>> -> memref<1x1x64xi32, #tpu.memory_space<vmem>>
      %dma_start3A_124 = tpu.memref_squeeze %dma_start3A_123 : memref<1x1x64xi32, #tpu.memory_space<vmem>> -> memref<64xi32, #tpu.memory_space<vmem>>
      %dma_start3A_125 = arith.constant 0 : i32
      %dma_start3A_126 = arith.constant 0 : i32
      %dma_start3A_127 = tpu.memref_slice %arg3[%dma_start3A_125, %dma_start3A_126] : memref<10000x64xbf16, #tpu.memory_space<hbm>> -> memref<10000x64xbf16, #tpu.memory_space<hbm>>
      tpu.enqueue_indirect_dma source(%dma_start3A_127 : memref<10000x64xbf16, #tpu.memory_space<hbm>>) target(%dma_start3A_121 : memref<64x64xbf16, #tpu.memory_space<vmem>>) offsets(%dma_start3A_124 : memref<64xi32, #tpu.memory_space<vmem>>) semaphore(%arg13 : memref<!tpu.dma_semaphore, #tpu.memory_space<semaphore_mem>>)
      %ge3A_128 = arith.constant 2 : i32
      %ge3A_129 = arith.cmpi sge, %min3A, %ge3A_128 : i32
      %convert_element_type3A_130 = arith.extui %ge3A_129 : i1 to i32
      %cond3A_131 = arith.constant 0 : i32
      %cond3A_132 = arith.cmpi ne, %convert_element_type3A_130, %cond3A_131 : i32
      scf.if %cond3A_132 {
        %add3A_133 = arith.constant 1 : i32
        %add3A_134 = arith.addi %mul3A_2, %add3A_133 : i32
        %dma_start3A_135 = arith.constant 1 : i32
        %dma_start3A_136 = arith.constant 0 : i32
        %dma_start3A_137 = arith.constant 0 : i32
        %dma_start3A_138 = tpu.memref_slice %arg7[%dma_start3A_135, %dma_start3A_136, %dma_start3A_137] : memref<2x1x128xi32, #tpu.memory_space<vmem>> -> memref<1x1x128xi32, #tpu.memory_space<vmem>>
        %dma_start3A_139 = tpu.memref_squeeze %dma_start3A_138 : memref<1x1x128xi32, #tpu.memory_space<vmem>> -> memref<1x128xi32, #tpu.memory_space<vmem>>
        %dma_start3A_140 = arith.constant 0 : i32
        %dma_start3A_141 = tpu.memref_slice %arg4[%add3A_134, %dma_start3A_140] : memref<2500x128xi32, #tpu.memory_space<hbm>> -> memref<1x128xi32, #tpu.memory_space<hbm>>
        %dma_start3A_142 = arith.constant 0 : i32
        %dma_start3A_143 = arith.constant 0 : i32
        %dma_start3A_144 = tpu.memref_slice %arg7[%dma_start3A_135, %dma_start3A_142, %dma_start3A_143] : memref<2x1x128xi32, #tpu.memory_space<vmem>> -> memref<1x1x128xi32, #tpu.memory_space<vmem>>
        %dma_start3A_145 = tpu.memref_squeeze %dma_start3A_144 : memref<1x1x128xi32, #tpu.memory_space<vmem>> -> memref<1x128xi32, #tpu.memory_space<vmem>>
        %dma_start3A_146 = arith.constant 0 : i32
        %dma_start3A_147 = tpu.memref_slice %arg4[%add3A_134, %dma_start3A_146] : memref<2500x128xi32, #tpu.memory_space<hbm>> -> memref<1x128xi32, #tpu.memory_space<hbm>>
        tpu.enqueue_dma source(%dma_start3A_147 : memref<1x128xi32, #tpu.memory_space<hbm>>) target(%dma_start3A_145 : memref<1x128xi32, #tpu.memory_space<vmem>>) target_semaphore(%arg12 : memref<!tpu.dma_semaphore, #tpu.memory_space<semaphore_mem>>)
        %dma_start3A_148 = arith.constant 1 : i32
        %dma_start3A_149 = arith.constant 0 : i32
        %dma_start3A_150 = arith.constant 0 : i32
        %dma_start3A_151 = tpu.memref_slice %arg8[%dma_start3A_148, %dma_start3A_149, %dma_start3A_150] : memref<2x1x128xi32, #tpu.memory_space<vmem>> -> memref<1x1x128xi32, #tpu.memory_space<vmem>>
        %dma_start3A_152 = tpu.memref_squeeze %dma_start3A_151 : memref<1x1x128xi32, #tpu.memory_space<vmem>> -> memref<1x128xi32, #tpu.memory_space<vmem>>
        %dma_start3A_153 = arith.constant 0 : i32
        %dma_start3A_154 = tpu.memref_slice %arg5[%add3A_134, %dma_start3A_153] : memref<2500x128xi32, #tpu.memory_space<hbm>> -> memref<1x128xi32, #tpu.memory_space<hbm>>
        %dma_start3A_155 = arith.constant 0 : i32
        %dma_start3A_156 = arith.constant 0 : i32
        %dma_start3A_157 = tpu.memref_slice %arg8[%dma_start3A_148, %dma_start3A_155, %dma_start3A_156] : memref<2x1x128xi32, #tpu.memory_space<vmem>> -> memref<1x1x128xi32, #tpu.memory_space<vmem>>
        %dma_start3A_158 = tpu.memref_squeeze %dma_start3A_157 : memref<1x1x128xi32, #tpu.memory_space<vmem>> -> memref<1x128xi32, #tpu.memory_space<vmem>>
        %dma_start3A_159 = arith.constant 0 : i32
        %dma_start3A_160 = tpu.memref_slice %arg5[%add3A_134, %dma_start3A_159] : memref<2500x128xi32, #tpu.memory_space<hbm>> -> memref<1x128xi32, #tpu.memory_space<hbm>>
        tpu.enqueue_dma source(%dma_start3A_160 : memref<1x128xi32, #tpu.memory_space<hbm>>) target(%dma_start3A_158 : memref<1x128xi32, #tpu.memory_space<vmem>>) target_semaphore(%arg12 : memref<!tpu.dma_semaphore, #tpu.memory_space<semaphore_mem>>)
      } else {
      }
    } else {
    }
    %scan3A = arith.constant 0 : i32
    %scan3A_7 = arith.constant 0 : i32
    %scan3A_8 = arith.constant 79 : i32
    %scan3A_9 = arith.addi %scan3A_7, %scan3A_8 : i32
    %scan3A_10 = arith.constant 1 : i32
    scf.for %scan3A_22 = %scan3A_7 to %scan3A_9 step %scan3A_10  : i32 {
      %add3A_23 = arith.addi %mul3A_2, %scan3A_22 : i32
      %and3A = arith.constant 1 : i32
      %and3A_24 = arith.andi %scan3A_22, %and3A : i32
      %lt3A = arith.constant 2500 : i32
      %lt3A_25 = arith.cmpi slt, %add3A_23, %lt3A : i32
      %convert_element_type3A_26 = arith.extui %lt3A_25 : i1 to i32
      %cond3A_27 = arith.constant 0 : i32
      %cond3A_28 = arith.cmpi ne, %convert_element_type3A_26, %cond3A_27 : i32
      scf.if %cond3A_28 {
        %dma_wait3A = arith.constant 0 : i32
        %dma_wait3A_29 = arith.constant 0 : i32
        %dma_wait3A_30 = tpu.memref_slice %arg9[%and3A_24, %dma_wait3A, %dma_wait3A_29] : memref<2x128x64xbf16, #tpu.memory_space<vmem>> -> memref<1x64x64xbf16, #tpu.memory_space<vmem>>
        %dma_wait3A_31 = tpu.memref_squeeze %dma_wait3A_30 : memref<1x64x64xbf16, #tpu.memory_space<vmem>> -> memref<64x64xbf16, #tpu.memory_space<vmem>>
        %dma_wait3A_32 = arith.constant 0 : i32
        %dma_wait3A_33 = arith.constant 0 : i32
        %dma_wait3A_34 = tpu.memref_slice %arg2[%dma_wait3A_32, %dma_wait3A_33] : memref<10000x64xbf16, #tpu.memory_space<hbm>> -> memref<64x64xbf16, #tpu.memory_space<hbm>>
        %dma_wait3A_35 = arith.constant 0 : i32
        %dma_wait3A_36 = arith.constant 0 : i32
        %dma_wait3A_37 = tpu.memref_slice %arg9[%and3A_24, %dma_wait3A_35, %dma_wait3A_36] : memref<2x128x64xbf16, #tpu.memory_space<vmem>> -> memref<1x64x64xbf16, #tpu.memory_space<vmem>>
        %dma_wait3A_38 = tpu.memref_squeeze %dma_wait3A_37 : memref<1x64x64xbf16, #tpu.memory_space<vmem>> -> memref<64x64xbf16, #tpu.memory_space<vmem>>
        %dma_wait3A_39 = arith.constant 0 : i32
        %dma_wait3A_40 = arith.constant 0 : i32
        %dma_wait3A_41 = tpu.memref_slice %arg2[%dma_wait3A_39, %dma_wait3A_40] : memref<10000x64xbf16, #tpu.memory_space<hbm>> -> memref<64x64xbf16, #tpu.memory_space<hbm>>
        tpu.wait_dma2 semaphore(%arg13 : memref<!tpu.dma_semaphore, #tpu.memory_space<semaphore_mem>>) src(%dma_wait3A_41 : memref<64x64xbf16, #tpu.memory_space<hbm>>) dst(%dma_wait3A_38 : memref<64x64xbf16, #tpu.memory_space<vmem>>)
        %dma_wait3A_42 = arith.constant 0 : i32
        %dma_wait3A_43 = arith.constant 0 : i32
        %dma_wait3A_44 = tpu.memref_slice %arg10[%and3A_24, %dma_wait3A_42, %dma_wait3A_43] : memref<2x128x64xbf16, #tpu.memory_space<vmem>> -> memref<1x64x64xbf16, #tpu.memory_space<vmem>>
        %dma_wait3A_45 = tpu.memref_squeeze %dma_wait3A_44 : memref<1x64x64xbf16, #tpu.memory_space<vmem>> -> memref<64x64xbf16, #tpu.memory_space<vmem>>
        %dma_wait3A_46 = arith.constant 0 : i32
        %dma_wait3A_47 = arith.constant 0 : i32
        %dma_wait3A_48 = tpu.memref_slice %arg3[%dma_wait3A_46, %dma_wait3A_47] : memref<10000x64xbf16, #tpu.memory_space<hbm>> -> memref<64x64xbf16, #tpu.memory_space<hbm>>
        %dma_wait3A_49 = arith.constant 0 : i32
        %dma_wait3A_50 = arith.constant 0 : i32
        %dma_wait3A_51 = tpu.memref_slice %arg10[%and3A_24, %dma_wait3A_49, %dma_wait3A_50] : memref<2x128x64xbf16, #tpu.memory_space<vmem>> -> memref<1x64x64xbf16, #tpu.memory_space<vmem>>
        %dma_wait3A_52 = tpu.memref_squeeze %dma_wait3A_51 : memref<1x64x64xbf16, #tpu.memory_space<vmem>> -> memref<64x64xbf16, #tpu.memory_space<vmem>>
        %dma_wait3A_53 = arith.constant 0 : i32
        %dma_wait3A_54 = arith.constant 0 : i32
        %dma_wait3A_55 = tpu.memref_slice %arg3[%dma_wait3A_53, %dma_wait3A_54] : memref<10000x64xbf16, #tpu.memory_space<hbm>> -> memref<64x64xbf16, #tpu.memory_space<hbm>>
        tpu.wait_dma2 semaphore(%arg13 : memref<!tpu.dma_semaphore, #tpu.memory_space<semaphore_mem>>) src(%dma_wait3A_55 : memref<64x64xbf16, #tpu.memory_space<hbm>>) dst(%dma_wait3A_52 : memref<64x64xbf16, #tpu.memory_space<vmem>>)
        %dma_wait3A_56 = arith.constant 0 : i32
        %dma_wait3A_57 = arith.constant 0 : i32
        %dma_wait3A_58 = tpu.memref_slice %arg9[%and3A_24, %dma_wait3A_56, %dma_wait3A_57] : memref<2x128x64xbf16, #tpu.memory_space<vmem>> -> memref<1x64x64xbf16, #tpu.memory_space<vmem>>
        %dma_wait3A_59 = tpu.memref_squeeze %dma_wait3A_58 : memref<1x64x64xbf16, #tpu.memory_space<vmem>> -> memref<64x64xbf16, #tpu.memory_space<vmem>>
        %dma_wait3A_60 = arith.constant 0 : i32
        %dma_wait3A_61 = arith.constant 0 : i32
        %dma_wait3A_62 = tpu.memref_slice %arg2[%dma_wait3A_60, %dma_wait3A_61] : memref<10000x64xbf16, #tpu.memory_space<hbm>> -> memref<64x64xbf16, #tpu.memory_space<hbm>>
        %dma_wait3A_63 = arith.constant 0 : i32
        %dma_wait3A_64 = arith.constant 0 : i32
        %dma_wait3A_65 = tpu.memref_slice %arg9[%and3A_24, %dma_wait3A_63, %dma_wait3A_64] : memref<2x128x64xbf16, #tpu.memory_space<vmem>> -> memref<1x64x64xbf16, #tpu.memory_space<vmem>>
        %dma_wait3A_66 = tpu.memref_squeeze %dma_wait3A_65 : memref<1x64x64xbf16, #tpu.memory_space<vmem>> -> memref<64x64xbf16, #tpu.memory_space<vmem>>
        %dma_wait3A_67 = arith.constant 0 : i32
        %dma_wait3A_68 = arith.constant 0 : i32
        %dma_wait3A_69 = tpu.memref_slice %arg2[%dma_wait3A_67, %dma_wait3A_68] : memref<10000x64xbf16, #tpu.memory_space<hbm>> -> memref<64x64xbf16, #tpu.memory_space<hbm>>
        tpu.wait_dma2 semaphore(%arg13 : memref<!tpu.dma_semaphore, #tpu.memory_space<semaphore_mem>>) src(%dma_wait3A_69 : memref<64x64xbf16, #tpu.memory_space<hbm>>) dst(%dma_wait3A_66 : memref<64x64xbf16, #tpu.memory_space<vmem>>)
        %dma_wait3A_70 = arith.constant 0 : i32
        %dma_wait3A_71 = arith.constant 0 : i32
        %dma_wait3A_72 = tpu.memref_slice %arg10[%and3A_24, %dma_wait3A_70, %dma_wait3A_71] : memref<2x128x64xbf16, #tpu.memory_space<vmem>> -> memref<1x64x64xbf16, #tpu.memory_space<vmem>>
        %dma_wait3A_73 = tpu.memref_squeeze %dma_wait3A_72 : memref<1x64x64xbf16, #tpu.memory_space<vmem>> -> memref<64x64xbf16, #tpu.memory_space<vmem>>
        %dma_wait3A_74 = arith.constant 0 : i32
        %dma_wait3A_75 = arith.constant 0 : i32
        %dma_wait3A_76 = tpu.memref_slice %arg3[%dma_wait3A_74, %dma_wait3A_75] : memref<10000x64xbf16, #tpu.memory_space<hbm>> -> memref<64x64xbf16, #tpu.memory_space<hbm>>
        %dma_wait3A_77 = arith.constant 0 : i32
        %dma_wait3A_78 = arith.constant 0 : i32
        %dma_wait3A_79 = tpu.memref_slice %arg10[%and3A_24, %dma_wait3A_77, %dma_wait3A_78] : memref<2x128x64xbf16, #tpu.memory_space<vmem>> -> memref<1x64x64xbf16, #tpu.memory_space<vmem>>
        %dma_wait3A_80 = tpu.memref_squeeze %dma_wait3A_79 : memref<1x64x64xbf16, #tpu.memory_space<vmem>> -> memref<64x64xbf16, #tpu.memory_space<vmem>>
        %dma_wait3A_81 = arith.constant 0 : i32
        %dma_wait3A_82 = arith.constant 0 : i32
        %dma_wait3A_83 = tpu.memref_slice %arg3[%dma_wait3A_81, %dma_wait3A_82] : memref<10000x64xbf16, #tpu.memory_space<hbm>> -> memref<64x64xbf16, #tpu.memory_space<hbm>>
        tpu.wait_dma2 semaphore(%arg13 : memref<!tpu.dma_semaphore, #tpu.memory_space<semaphore_mem>>) src(%dma_wait3A_83 : memref<64x64xbf16, #tpu.memory_space<hbm>>) dst(%dma_wait3A_80 : memref<64x64xbf16, #tpu.memory_space<vmem>>)
        %le3A = arith.constant 76 : i32
        %le3A_84 = arith.cmpi sle, %scan3A_22, %le3A : i32
        %add3A_85 = arith.constant 2 : i32
        %add3A_86 = arith.addi %add3A_23, %add3A_85 : i32
        %lt3A_87 = arith.constant 2500 : i32
        %lt3A_88 = arith.cmpi slt, %add3A_86, %lt3A_87 : i32
        %and3A_89 = arith.andi %le3A_84, %lt3A_88 : i1
        %convert_element_type3A_90 = arith.extui %and3A_89 : i1 to i32
        %cond3A_91 = arith.constant 0 : i32
        %cond3A_92 = arith.cmpi ne, %convert_element_type3A_90, %cond3A_91 : i32
        scf.if %cond3A_92 {
          %add3A_123 = arith.constant 2 : i32
          %add3A_124 = arith.addi %add3A_23, %add3A_123 : i32
          %dma_start3A_125 = arith.constant 0 : i32
          %dma_start3A_126 = arith.constant 0 : i32
          %dma_start3A_127 = tpu.memref_slice %arg7[%and3A_24, %dma_start3A_125, %dma_start3A_126] : memref<2x1x128xi32, #tpu.memory_space<vmem>> -> memref<1x1x128xi32, #tpu.memory_space<vmem>>
          %dma_start3A_128 = tpu.memref_squeeze %dma_start3A_127 : memref<1x1x128xi32, #tpu.memory_space<vmem>> -> memref<1x128xi32, #tpu.memory_space<vmem>>
          %dma_start3A_129 = arith.constant 0 : i32
          %dma_start3A_130 = tpu.memref_slice %arg4[%add3A_124, %dma_start3A_129] : memref<2500x128xi32, #tpu.memory_space<hbm>> -> memref<1x128xi32, #tpu.memory_space<hbm>>
          %dma_start3A_131 = arith.constant 0 : i32
          %dma_start3A_132 = arith.constant 0 : i32
          %dma_start3A_133 = tpu.memref_slice %arg7[%and3A_24, %dma_start3A_131, %dma_start3A_132] : memref<2x1x128xi32, #tpu.memory_space<vmem>> -> memref<1x1x128xi32, #tpu.memory_space<vmem>>
          %dma_start3A_134 = tpu.memref_squeeze %dma_start3A_133 : memref<1x1x128xi32, #tpu.memory_space<vmem>> -> memref<1x128xi32, #tpu.memory_space<vmem>>
          %dma_start3A_135 = arith.constant 0 : i32
          %dma_start3A_136 = tpu.memref_slice %arg4[%add3A_124, %dma_start3A_135] : memref<2500x128xi32, #tpu.memory_space<hbm>> -> memref<1x128xi32, #tpu.memory_space<hbm>>
          tpu.enqueue_dma source(%dma_start3A_136 : memref<1x128xi32, #tpu.memory_space<hbm>>) target(%dma_start3A_134 : memref<1x128xi32, #tpu.memory_space<vmem>>) target_semaphore(%arg12 : memref<!tpu.dma_semaphore, #tpu.memory_space<semaphore_mem>>)
          %dma_start3A_137 = arith.constant 0 : i32
          %dma_start3A_138 = arith.constant 0 : i32
          %dma_start3A_139 = tpu.memref_slice %arg8[%and3A_24, %dma_start3A_137, %dma_start3A_138] : memref<2x1x128xi32, #tpu.memory_space<vmem>> -> memref<1x1x128xi32, #tpu.memory_space<vmem>>
          %dma_start3A_140 = tpu.memref_squeeze %dma_start3A_139 : memref<1x1x128xi32, #tpu.memory_space<vmem>> -> memref<1x128xi32, #tpu.memory_space<vmem>>
          %dma_start3A_141 = arith.constant 0 : i32
          %dma_start3A_142 = tpu.memref_slice %arg5[%add3A_124, %dma_start3A_141] : memref<2500x128xi32, #tpu.memory_space<hbm>> -> memref<1x128xi32, #tpu.memory_space<hbm>>
          %dma_start3A_143 = arith.constant 0 : i32
          %dma_start3A_144 = arith.constant 0 : i32
          %dma_start3A_145 = tpu.memref_slice %arg8[%and3A_24, %dma_start3A_143, %dma_start3A_144] : memref<2x1x128xi32, #tpu.memory_space<vmem>> -> memref<1x1x128xi32, #tpu.memory_space<vmem>>
          %dma_start3A_146 = tpu.memref_squeeze %dma_start3A_145 : memref<1x1x128xi32, #tpu.memory_space<vmem>> -> memref<1x128xi32, #tpu.memory_space<vmem>>
          %dma_start3A_147 = arith.constant 0 : i32
          %dma_start3A_148 = tpu.memref_slice %arg5[%add3A_124, %dma_start3A_147] : memref<2500x128xi32, #tpu.memory_space<hbm>> -> memref<1x128xi32, #tpu.memory_space<hbm>>
          tpu.enqueue_dma source(%dma_start3A_148 : memref<1x128xi32, #tpu.memory_space<hbm>>) target(%dma_start3A_146 : memref<1x128xi32, #tpu.memory_space<vmem>>) target_semaphore(%arg12 : memref<!tpu.dma_semaphore, #tpu.memory_space<semaphore_mem>>)
        } else {
        }
        %le3A_93 = arith.constant 77 : i32
        %le3A_94 = arith.cmpi sle, %scan3A_22, %le3A_93 : i32
        %add3A_95 = arith.constant 1 : i32
        %add3A_96 = arith.addi %add3A_23, %add3A_95 : i32
        %lt3A_97 = arith.constant 2500 : i32
        %lt3A_98 = arith.cmpi slt, %add3A_96, %lt3A_97 : i32
        %and3A_99 = arith.andi %le3A_94, %lt3A_98 : i1
        %convert_element_type3A_100 = arith.extui %and3A_99 : i1 to i32
        %cond3A_101 = arith.constant 0 : i32
        %cond3A_102 = arith.cmpi ne, %convert_element_type3A_100, %cond3A_101 : i32
        scf.if %cond3A_102 {
          %ge3A_123 = arith.constant 1 : i32
          %ge3A_124 = arith.cmpi sge, %scan3A_22, %ge3A_123 : i32
          %convert_element_type3A_125 = arith.extui %ge3A_124 : i1 to i32
          %cond3A_126 = arith.constant 0 : i32
          %cond3A_127 = arith.cmpi ne, %convert_element_type3A_125, %cond3A_126 : i32
          scf.if %cond3A_127 {
            %sub3A_204 = arith.constant 1 : i32
            %sub3A_205 = arith.subi %sub3A_204, %and3A_24 : i32
            %dma_wait3A_206 = arith.constant 0 : i32
            %dma_wait3A_207 = arith.constant 0 : i32
            %dma_wait3A_208 = tpu.memref_slice %arg11[%sub3A_205, %dma_wait3A_206, %dma_wait3A_207] : memref<2x64x128xf32, #tpu.memory_space<vmem>> -> memref<1x64x128xf32, #tpu.memory_space<vmem>>
            %dma_wait3A_209 = tpu.memref_squeeze %dma_wait3A_208 : memref<1x64x128xf32, #tpu.memory_space<vmem>> -> memref<64x128xf32, #tpu.memory_space<vmem>>
            %dma_wait3A_210 = arith.constant 0 : i32
            %dma_wait3A_211 = arith.constant 0 : i32
            %dma_wait3A_212 = tpu.memref_slice %arg6[%dma_wait3A_210, %dma_wait3A_211] : memref<160000x128xf32, #tpu.memory_space<hbm>> -> memref<64x128xf32, #tpu.memory_space<hbm>>
            %dma_wait3A_213 = arith.constant 0 : i32
            %dma_wait3A_214 = arith.constant 0 : i32
            %dma_wait3A_215 = tpu.memref_slice %arg6[%dma_wait3A_213, %dma_wait3A_214] : memref<160000x128xf32, #tpu.memory_space<hbm>> -> memref<64x128xf32, #tpu.memory_space<hbm>>
            %dma_wait3A_216 = arith.constant 0 : i32
            %dma_wait3A_217 = arith.constant 0 : i32
            %dma_wait3A_218 = tpu.memref_slice %arg11[%sub3A_205, %dma_wait3A_216, %dma_wait3A_217] : memref<2x64x128xf32, #tpu.memory_space<vmem>> -> memref<1x64x128xf32, #tpu.memory_space<vmem>>
            %dma_wait3A_219 = tpu.memref_squeeze %dma_wait3A_218 : memref<1x64x128xf32, #tpu.memory_space<vmem>> -> memref<64x128xf32, #tpu.memory_space<vmem>>
            tpu.wait_dma2 semaphore(%arg14 : memref<!tpu.dma_semaphore, #tpu.memory_space<semaphore_mem>>) src(%dma_wait3A_219 : memref<64x128xf32, #tpu.memory_space<vmem>>) dst(%dma_wait3A_215 : memref<64x128xf32, #tpu.memory_space<hbm>>)
          } else {
          }
          %sub3A_128 = arith.constant 1 : i32
          %sub3A_129 = arith.subi %sub3A_128, %and3A_24 : i32
          %dma_wait3A_130 = arith.constant 0 : i32
          %dma_wait3A_131 = arith.constant 0 : i32
          %dma_wait3A_132 = tpu.memref_slice %arg7[%sub3A_129, %dma_wait3A_130, %dma_wait3A_131] : memref<2x1x128xi32, #tpu.memory_space<vmem>> -> memref<1x1x128xi32, #tpu.memory_space<vmem>>
          %dma_wait3A_133 = tpu.memref_squeeze %dma_wait3A_132 : memref<1x1x128xi32, #tpu.memory_space<vmem>> -> memref<1x128xi32, #tpu.memory_space<vmem>>
          %dma_wait3A_134 = arith.constant 0 : i32
          %dma_wait3A_135 = arith.constant 0 : i32
          %dma_wait3A_136 = tpu.memref_slice %arg4[%dma_wait3A_134, %dma_wait3A_135] : memref<2500x128xi32, #tpu.memory_space<hbm>> -> memref<1x128xi32, #tpu.memory_space<hbm>>
          %dma_wait3A_137 = arith.constant 0 : i32
          %dma_wait3A_138 = arith.constant 0 : i32
          %dma_wait3A_139 = tpu.memref_slice %arg7[%sub3A_129, %dma_wait3A_137, %dma_wait3A_138] : memref<2x1x128xi32, #tpu.memory_space<vmem>> -> memref<1x1x128xi32, #tpu.memory_space<vmem>>
          %dma_wait3A_140 = tpu.memref_squeeze %dma_wait3A_139 : memref<1x1x128xi32, #tpu.memory_space<vmem>> -> memref<1x128xi32, #tpu.memory_space<vmem>>
          %dma_wait3A_141 = arith.constant 0 : i32
          %dma_wait3A_142 = arith.constant 0 : i32
          %dma_wait3A_143 = tpu.memref_slice %arg4[%dma_wait3A_141, %dma_wait3A_142] : memref<2500x128xi32, #tpu.memory_space<hbm>> -> memref<1x128xi32, #tpu.memory_space<hbm>>
          tpu.wait_dma2 semaphore(%arg12 : memref<!tpu.dma_semaphore, #tpu.memory_space<semaphore_mem>>) src(%dma_wait3A_143 : memref<1x128xi32, #tpu.memory_space<hbm>>) dst(%dma_wait3A_140 : memref<1x128xi32, #tpu.memory_space<vmem>>)
          %dma_wait3A_144 = arith.constant 0 : i32
          %dma_wait3A_145 = arith.constant 0 : i32
          %dma_wait3A_146 = tpu.memref_slice %arg8[%sub3A_129, %dma_wait3A_144, %dma_wait3A_145] : memref<2x1x128xi32, #tpu.memory_space<vmem>> -> memref<1x1x128xi32, #tpu.memory_space<vmem>>
          %dma_wait3A_147 = tpu.memref_squeeze %dma_wait3A_146 : memref<1x1x128xi32, #tpu.memory_space<vmem>> -> memref<1x128xi32, #tpu.memory_space<vmem>>
          %dma_wait3A_148 = arith.constant 0 : i32
          %dma_wait3A_149 = arith.constant 0 : i32
          %dma_wait3A_150 = tpu.memref_slice %arg5[%dma_wait3A_148, %dma_wait3A_149] : memref<2500x128xi32, #tpu.memory_space<hbm>> -> memref<1x128xi32, #tpu.memory_space<hbm>>
          %dma_wait3A_151 = arith.constant 0 : i32
          %dma_wait3A_152 = arith.constant 0 : i32
          %dma_wait3A_153 = tpu.memref_slice %arg8[%sub3A_129, %dma_wait3A_151, %dma_wait3A_152] : memref<2x1x128xi32, #tpu.memory_space<vmem>> -> memref<1x1x128xi32, #tpu.memory_space<vmem>>
          %dma_wait3A_154 = tpu.memref_squeeze %dma_wait3A_153 : memref<1x1x128xi32, #tpu.memory_space<vmem>> -> memref<1x128xi32, #tpu.memory_space<vmem>>
          %dma_wait3A_155 = arith.constant 0 : i32
          %dma_wait3A_156 = arith.constant 0 : i32
          %dma_wait3A_157 = tpu.memref_slice %arg5[%dma_wait3A_155, %dma_wait3A_156] : memref<2500x128xi32, #tpu.memory_space<hbm>> -> memref<1x128xi32, #tpu.memory_space<hbm>>
          tpu.wait_dma2 semaphore(%arg12 : memref<!tpu.dma_semaphore, #tpu.memory_space<semaphore_mem>>) src(%dma_wait3A_157 : memref<1x128xi32, #tpu.memory_space<hbm>>) dst(%dma_wait3A_154 : memref<1x128xi32, #tpu.memory_space<vmem>>)
          %sub3A_158 = arith.constant 1 : i32
          %sub3A_159 = arith.subi %sub3A_158, %and3A_24 : i32
          %dma_start3A_160 = arith.constant 0 : i32
          %dma_start3A_161 = arith.constant 0 : i32
          %dma_start3A_162 = arith.constant 0 : i32
          %dma_start3A_163 = tpu.memref_slice %arg9[%sub3A_159, %dma_start3A_161, %dma_start3A_162] : memref<2x128x64xbf16, #tpu.memory_space<vmem>> -> memref<1x64x64xbf16, #tpu.memory_space<vmem>>
          %dma_start3A_164 = tpu.memref_squeeze %dma_start3A_163 : memref<1x64x64xbf16, #tpu.memory_space<vmem>> -> memref<64x64xbf16, #tpu.memory_space<vmem>>
          %dma_start3A_165 = arith.constant 0 : i32
          %dma_start3A_166 = tpu.memref_slice %arg7[%sub3A_159, %dma_start3A_160, %dma_start3A_165] : memref<2x1x128xi32, #tpu.memory_space<vmem>> -> memref<1x1x64xi32, #tpu.memory_space<vmem>>
          %dma_start3A_167 = tpu.memref_squeeze %dma_start3A_166 : memref<1x1x64xi32, #tpu.memory_space<vmem>> -> memref<64xi32, #tpu.memory_space<vmem>>
          %dma_start3A_168 = arith.constant 0 : i32
          %dma_start3A_169 = arith.constant 0 : i32
          %dma_start3A_170 = tpu.memref_slice %arg2[%dma_start3A_168, %dma_start3A_169] : memref<10000x64xbf16, #tpu.memory_space<hbm>> -> memref<10000x64xbf16, #tpu.memory_space<hbm>>
          tpu.enqueue_indirect_dma source(%dma_start3A_170 : memref<10000x64xbf16, #tpu.memory_space<hbm>>) target(%dma_start3A_164 : memref<64x64xbf16, #tpu.memory_space<vmem>>) offsets(%dma_start3A_167 : memref<64xi32, #tpu.memory_space<vmem>>) semaphore(%arg13 : memref<!tpu.dma_semaphore, #tpu.memory_space<semaphore_mem>>)
          %dma_start3A_171 = arith.constant 0 : i32
          %dma_start3A_172 = arith.constant 0 : i32
          %dma_start3A_173 = arith.constant 0 : i32
          %dma_start3A_174 = tpu.memref_slice %arg10[%sub3A_159, %dma_start3A_172, %dma_start3A_173] : memref<2x128x64xbf16, #tpu.memory_space<vmem>> -> memref<1x64x64xbf16, #tpu.memory_space<vmem>>
          %dma_start3A_175 = tpu.memref_squeeze %dma_start3A_174 : memref<1x64x64xbf16, #tpu.memory_space<vmem>> -> memref<64x64xbf16, #tpu.memory_space<vmem>>
          %dma_start3A_176 = arith.constant 0 : i32
          %dma_start3A_177 = tpu.memref_slice %arg8[%sub3A_159, %dma_start3A_171, %dma_start3A_176] : memref<2x1x128xi32, #tpu.memory_space<vmem>> -> memref<1x1x64xi32, #tpu.memory_space<vmem>>
          %dma_start3A_178 = tpu.memref_squeeze %dma_start3A_177 : memref<1x1x64xi32, #tpu.memory_space<vmem>> -> memref<64xi32, #tpu.memory_space<vmem>>
          %dma_start3A_179 = arith.constant 0 : i32
          %dma_start3A_180 = arith.constant 0 : i32
          %dma_start3A_181 = tpu.memref_slice %arg3[%dma_start3A_179, %dma_start3A_180] : memref<10000x64xbf16, #tpu.memory_space<hbm>> -> memref<10000x64xbf16, #tpu.memory_space<hbm>>
          tpu.enqueue_indirect_dma source(%dma_start3A_181 : memref<10000x64xbf16, #tpu.memory_space<hbm>>) target(%dma_start3A_175 : memref<64x64xbf16, #tpu.memory_space<vmem>>) offsets(%dma_start3A_178 : memref<64xi32, #tpu.memory_space<vmem>>) semaphore(%arg13 : memref<!tpu.dma_semaphore, #tpu.memory_space<semaphore_mem>>)
          %dma_start3A_182 = arith.constant 0 : i32
          %dma_start3A_183 = arith.constant 64 : i32
          %dma_start3A_184 = arith.constant 0 : i32
          %dma_start3A_185 = tpu.memref_slice %arg9[%sub3A_159, %dma_start3A_183, %dma_start3A_184] : memref<2x128x64xbf16, #tpu.memory_space<vmem>> -> memref<1x64x64xbf16, #tpu.memory_space<vmem>>
          %dma_start3A_186 = tpu.memref_squeeze %dma_start3A_185 : memref<1x64x64xbf16, #tpu.memory_space<vmem>> -> memref<64x64xbf16, #tpu.memory_space<vmem>>
          %dma_start3A_187 = arith.constant 64 : i32
          %dma_start3A_188 = tpu.memref_slice %arg7[%sub3A_159, %dma_start3A_182, %dma_start3A_187] : memref<2x1x128xi32, #tpu.memory_space<vmem>> -> memref<1x1x64xi32, #tpu.memory_space<vmem>>
          %dma_start3A_189 = tpu.memref_squeeze %dma_start3A_188 : memref<1x1x64xi32, #tpu.memory_space<vmem>> -> memref<64xi32, #tpu.memory_space<vmem>>
          %dma_start3A_190 = arith.constant 0 : i32
          %dma_start3A_191 = arith.constant 0 : i32
          %dma_start3A_192 = tpu.memref_slice %arg2[%dma_start3A_190, %dma_start3A_191] : memref<10000x64xbf16, #tpu.memory_space<hbm>> -> memref<10000x64xbf16, #tpu.memory_space<hbm>>
          tpu.enqueue_indirect_dma source(%dma_start3A_192 : memref<10000x64xbf16, #tpu.memory_space<hbm>>) target(%dma_start3A_186 : memref<64x64xbf16, #tpu.memory_space<vmem>>) offsets(%dma_start3A_189 : memref<64xi32, #tpu.memory_space<vmem>>) semaphore(%arg13 : memref<!tpu.dma_semaphore, #tpu.memory_space<semaphore_mem>>)
          %dma_start3A_193 = arith.constant 0 : i32
          %dma_start3A_194 = arith.constant 64 : i32
          %dma_start3A_195 = arith.constant 0 : i32
          %dma_start3A_196 = tpu.memref_slice %arg10[%sub3A_159, %dma_start3A_194, %dma_start3A_195] : memref<2x128x64xbf16, #tpu.memory_space<vmem>> -> memref<1x64x64xbf16, #tpu.memory_space<vmem>>
          %dma_start3A_197 = tpu.memref_squeeze %dma_start3A_196 : memref<1x64x64xbf16, #tpu.memory_space<vmem>> -> memref<64x64xbf16, #tpu.memory_space<vmem>>
          %dma_start3A_198 = arith.constant 64 : i32
          %dma_start3A_199 = tpu.memref_slice %arg8[%sub3A_159, %dma_start3A_193, %dma_start3A_198] : memref<2x1x128xi32, #tpu.memory_space<vmem>> -> memref<1x1x64xi32, #tpu.memory_space<vmem>>
          %dma_start3A_200 = tpu.memref_squeeze %dma_start3A_199 : memref<1x1x64xi32, #tpu.memory_space<vmem>> -> memref<64xi32, #tpu.memory_space<vmem>>
          %dma_start3A_201 = arith.constant 0 : i32
          %dma_start3A_202 = arith.constant 0 : i32
          %dma_start3A_203 = tpu.memref_slice %arg3[%dma_start3A_201, %dma_start3A_202] : memref<10000x64xbf16, #tpu.memory_space<hbm>> -> memref<10000x64xbf16, #tpu.memory_space<hbm>>
          tpu.enqueue_indirect_dma source(%dma_start3A_203 : memref<10000x64xbf16, #tpu.memory_space<hbm>>) target(%dma_start3A_197 : memref<64x64xbf16, #tpu.memory_space<vmem>>) offsets(%dma_start3A_200 : memref<64xi32, #tpu.memory_space<vmem>>) semaphore(%arg13 : memref<!tpu.dma_semaphore, #tpu.memory_space<semaphore_mem>>)
        } else {
        }
        %scan3A_103 = arith.constant 0 : i32
        %scan3A_104 = arith.constant -65536 : i32
        %scan3A_105 = arith.constant 0 : i32
        %scan3A_106 = arith.constant 128 : i32
        %scan3A_107 = arith.addi %scan3A_105, %scan3A_106 : i32
        %scan3A_108 = arith.constant 1 : i32
        scf.for %scan3A_123 = %scan3A_105 to %scan3A_107 step %scan3A_108  : i32 {
          %shift_right_logical3A = arith.constant 1 : i32
          %shift_right_logical3A_124 = arith.shrui %scan3A_123, %shift_right_logical3A : i32
          %and3A_125 = arith.constant 1 : i32
          %and3A_126 = arith.andi %scan3A_123, %and3A_125 : i32
          %mul3A_127 = arith.constant 64 : i32
          %mul3A_128 = arith.muli %and3A_126, %mul3A_127 : i32
          %get3A = arith.index_cast %and3A_24 : i32 to index
          %get3A_129 = arith.index_cast %scan3A_123 : i32 to index
          %get3A_130 = arith.constant 0 : index
          %get3A_131 = tpu.vector_load %arg9[%get3A, %get3A_129, %get3A_130] {strides = array<i32>} : memref<2x128x64xbf16, #tpu.memory_space<vmem>>, vector<32xbf16>,
          %get3A_132 = arith.index_cast %and3A_24 : i32 to index
          %get3A_133 = arith.index_cast %scan3A_123 : i32 to index
          %get3A_134 = arith.constant 0 : index
          %get3A_135 = tpu.vector_load %arg10[%get3A_132, %get3A_133, %get3A_134] {strides = array<i32>} : memref<2x128x64xbf16, #tpu.memory_space<vmem>>, vector<32xbf16>,
          %add3A_136 = arith.addf %get3A_131, %get3A_135 : vector<32xbf16>
          %max3A_137 = arith.constant 0.000000e+00 : bf16
          %max3A_138 = vector.broadcast %max3A_137 : bf16 to vector<32xbf16>
          %max3A_139 = arith.maximumf %add3A_136, %max3A_138 : vector<32xbf16>
          %bitcast3A = vector.bitcast %max3A_139 : vector<32xbf16> to vector<16xi32>
          %shift_left3A = arith.constant 16 : i32
          %shift_left3A_140 = vector.broadcast %shift_left3A : i32 to vector<16xi32>
          %shift_left3A_141 = arith.shli %bitcast3A, %shift_left3A_140 : vector<16xi32>
          %bitcast3A_142 = vector.bitcast %shift_left3A_141 : vector<16xi32> to vector<16xf32>
          %and3A_143 = vector.broadcast %scan3A_104 : i32 to vector<16xi32>
          %and3A_144 = arith.andi %bitcast3A, %and3A_143 : vector<16xi32>
          %bitcast3A_145 = vector.bitcast %and3A_144 : vector<16xi32> to vector<16xf32>
          %add3A_146 = arith.constant 0 : i32
          %add3A_147 = arith.addi %mul3A_128, %add3A_146 : i32
          %swap3A = arith.index_cast %and3A_24 : i32 to index
          %swap3A_148 = arith.index_cast %shift_right_logical3A_124 : i32 to index
          %swap3A_149 = arith.index_cast %add3A_147 : i32 to index
          %swap3A_150 = tpu.vector_load %arg11[%swap3A, %swap3A_148, %swap3A_149] {strides = array<i32>} : memref<2x64x128xf32, #tpu.memory_space<vmem>>, vector<16xf32>,
          tpu.vector_store %arg11[%swap3A, %swap3A_148, %swap3A_149], %bitcast3A_142 {strides = array<i32>} : memref<2x64x128xf32, #tpu.memory_space<vmem>>, vector<16xf32>,
          %add3A_151 = arith.constant 0 : i32
          %add3A_152 = arith.addi %mul3A_128, %add3A_151 : i32
          %add3A_153 = arith.constant 16 : i32
          %add3A_154 = arith.addi %add3A_152, %add3A_153 : i32
          %swap3A_155 = arith.index_cast %and3A_24 : i32 to index
          %swap3A_156 = arith.index_cast %shift_right_logical3A_124 : i32 to index
          %swap3A_157 = arith.index_cast %add3A_154 : i32 to index
          %swap3A_158 = tpu.vector_load %arg11[%swap3A_155, %swap3A_156, %swap3A_157] {strides = array<i32>} : memref<2x64x128xf32, #tpu.memory_space<vmem>>, vector<16xf32>,
          tpu.vector_store %arg11[%swap3A_155, %swap3A_156, %swap3A_157], %bitcast3A_145 {strides = array<i32>} : memref<2x64x128xf32, #tpu.memory_space<vmem>>, vector<16xf32>,
          %get3A_159 = arith.index_cast %and3A_24 : i32 to index
          %get3A_160 = arith.index_cast %scan3A_123 : i32 to index
          %get3A_161 = arith.constant 32 : index
          %get3A_162 = tpu.vector_load %arg9[%get3A_159, %get3A_160, %get3A_161] {strides = array<i32>} : memref<2x128x64xbf16, #tpu.memory_space<vmem>>, vector<32xbf16>,
          %get3A_163 = arith.index_cast %and3A_24 : i32 to index
          %get3A_164 = arith.index_cast %scan3A_123 : i32 to index
          %get3A_165 = arith.constant 32 : index
          %get3A_166 = tpu.vector_load %arg10[%get3A_163, %get3A_164, %get3A_165] {strides = array<i32>} : memref<2x128x64xbf16, #tpu.memory_space<vmem>>, vector<32xbf16>,
          %add3A_167 = arith.addf %get3A_162, %get3A_166 : vector<32xbf16>
          %max3A_168 = arith.constant 0.000000e+00 : bf16
          %max3A_169 = vector.broadcast %max3A_168 : bf16 to vector<32xbf16>
          %max3A_170 = arith.maximumf %add3A_167, %max3A_169 : vector<32xbf16>
          %bitcast3A_171 = vector.bitcast %max3A_170 : vector<32xbf16> to vector<16xi32>
          %shift_left3A_172 = arith.constant 16 : i32
          %shift_left3A_173 = vector.broadcast %shift_left3A_172 : i32 to vector<16xi32>
          %shift_left3A_174 = arith.shli %bitcast3A_171, %shift_left3A_173 : vector<16xi32>
          %bitcast3A_175 = vector.bitcast %shift_left3A_174 : vector<16xi32> to vector<16xf32>
          %and3A_176 = vector.broadcast %scan3A_104 : i32 to vector<16xi32>
          %and3A_177 = arith.andi %bitcast3A_171, %and3A_176 : vector<16xi32>
          %bitcast3A_178 = vector.bitcast %and3A_177 : vector<16xi32> to vector<16xf32>
          %add3A_179 = arith.constant 32 : i32
          %add3A_180 = arith.addi %mul3A_128, %add3A_179 : i32
          %swap3A_181 = arith.index_cast %and3A_24 : i32 to index
          %swap3A_182 = arith.index_cast %shift_right_logical3A_124 : i32 to index
          %swap3A_183 = arith.index_cast %add3A_180 : i32 to index
          %swap3A_184 = tpu.vector_load %arg11[%swap3A_181, %swap3A_182, %swap3A_183] {strides = array<i32>} : memref<2x64x128xf32, #tpu.memory_space<vmem>>, vector<16xf32>,
          tpu.vector_store %arg11[%swap3A_181, %swap3A_182, %swap3A_183], %bitcast3A_175 {strides = array<i32>} : memref<2x64x128xf32, #tpu.memory_space<vmem>>, vector<16xf32>,
          %add3A_185 = arith.constant 32 : i32
          %add3A_186 = arith.addi %mul3A_128, %add3A_185 : i32
          %add3A_187 = arith.constant 16 : i32
          %add3A_188 = arith.addi %add3A_186, %add3A_187 : i32
          %swap3A_189 = arith.index_cast %and3A_24 : i32 to index
          %swap3A_190 = arith.index_cast %shift_right_logical3A_124 : i32 to index
          %swap3A_191 = arith.index_cast %add3A_188 : i32 to index
          %swap3A_192 = tpu.vector_load %arg11[%swap3A_189, %swap3A_190, %swap3A_191] {strides = array<i32>} : memref<2x64x128xf32, #tpu.memory_space<vmem>>, vector<16xf32>,
          tpu.vector_store %arg11[%swap3A_189, %swap3A_190, %swap3A_191], %bitcast3A_178 {strides = array<i32>} : memref<2x64x128xf32, #tpu.memory_space<vmem>>, vector<16xf32>,
        }
        %scan3A_109 = arith.constant 128 : i32
        %mul3A_110 = arith.constant 64 : i32
        %mul3A_111 = arith.muli %add3A_23, %mul3A_110 : i32
        %dma_start3A = arith.constant 0 : i32
        %dma_start3A_112 = arith.constant 0 : i32
        %dma_start3A_113 = tpu.memref_slice %arg11[%and3A_24, %dma_start3A, %dma_start3A_112] : memref<2x64x128xf32, #tpu.memory_space<vmem>> -> memref<1x64x128xf32, #tpu.memory_space<vmem>>
        %dma_start3A_114 = tpu.memref_squeeze %dma_start3A_113 : memref<1x64x128xf32, #tpu.memory_space<vmem>> -> memref<64x128xf32, #tpu.memory_space<vmem>>
        %dma_start3A_115 = arith.constant 0 : i32
        %dma_start3A_116 = tpu.memref_slice %arg6[%mul3A_111, %dma_start3A_115] : memref<160000x128xf32, #tpu.memory_space<hbm>> -> memref<64x128xf32, #tpu.memory_space<hbm>>
        %dma_start3A_117 = arith.constant 0 : i32
        %dma_start3A_118 = tpu.memref_slice %arg6[%mul3A_111, %dma_start3A_117] : memref<160000x128xf32, #tpu.memory_space<hbm>> -> memref<64x128xf32, #tpu.memory_space<hbm>>
        %dma_start3A_119 = arith.constant 0 : i32
        %dma_start3A_120 = arith.constant 0 : i32
        %dma_start3A_121 = tpu.memref_slice %arg11[%and3A_24, %dma_start3A_119, %dma_start3A_120] : memref<2x64x128xf32, #tpu.memory_space<vmem>> -> memref<1x64x128xf32, #tpu.memory_space<vmem>>
        %dma_start3A_122 = tpu.memref_squeeze %dma_start3A_121 : memref<1x64x128xf32, #tpu.memory_space<vmem>> -> memref<64x128xf32, #tpu.memory_space<vmem>>
        tpu.enqueue_dma source(%dma_start3A_122 : memref<64x128xf32, #tpu.memory_space<vmem>>) target(%dma_start3A_118 : memref<64x128xf32, #tpu.memory_space<hbm>>) target_semaphore(%arg14 : memref<!tpu.dma_semaphore, #tpu.memory_space<semaphore_mem>>)
      } else {
      }
    }
    %scan3A_11 = arith.constant 79 : i32
    %ge3A_12 = arith.constant 2 : i32
    %ge3A_13 = arith.cmpi sge, %min3A, %ge3A_12 : i32
    %convert_element_type3A_14 = arith.extui %ge3A_13 : i1 to i32
    %cond3A_15 = arith.constant 0 : i32
    %cond3A_16 = arith.cmpi ne, %convert_element_type3A_14, %cond3A_15 : i32
    scf.if %cond3A_16 {
      %dma_wait3A = arith.constant 0 : i32
      %dma_wait3A_22 = arith.constant 0 : i32
      %dma_wait3A_23 = arith.constant 0 : i32
      %dma_wait3A_24 = tpu.memref_slice %arg11[%dma_wait3A, %dma_wait3A_22, %dma_wait3A_23] : memref<2x64x128xf32, #tpu.memory_space<vmem>> -> memref<1x64x128xf32, #tpu.memory_space<vmem>>
      %dma_wait3A_25 = tpu.memref_squeeze %dma_wait3A_24 : memref<1x64x128xf32, #tpu.memory_space<vmem>> -> memref<64x128xf32, #tpu.memory_space<vmem>>
      %dma_wait3A_26 = arith.constant 0 : i32
      %dma_wait3A_27 = arith.constant 0 : i32
      %dma_wait3A_28 = tpu.memref_slice %arg6[%dma_wait3A_26, %dma_wait3A_27] : memref<160000x128xf32, #tpu.memory_space<hbm>> -> memref<64x128xf32, #tpu.memory_space<hbm>>
      %dma_wait3A_29 = arith.constant 0 : i32
      %dma_wait3A_30 = arith.constant 0 : i32
      %dma_wait3A_31 = tpu.memref_slice %arg6[%dma_wait3A_29, %dma_wait3A_30] : memref<160000x128xf32, #tpu.memory_space<hbm>> -> memref<64x128xf32, #tpu.memory_space<hbm>>
      %dma_wait3A_32 = arith.constant 0 : i32
      %dma_wait3A_33 = arith.constant 0 : i32
      %dma_wait3A_34 = tpu.memref_slice %arg11[%dma_wait3A, %dma_wait3A_32, %dma_wait3A_33] : memref<2x64x128xf32, #tpu.memory_space<vmem>> -> memref<1x64x128xf32, #tpu.memory_space<vmem>>
      %dma_wait3A_35 = tpu.memref_squeeze %dma_wait3A_34 : memref<1x64x128xf32, #tpu.memory_space<vmem>> -> memref<64x128xf32, #tpu.memory_space<vmem>>
      tpu.wait_dma2 semaphore(%arg14 : memref<!tpu.dma_semaphore, #tpu.memory_space<semaphore_mem>>) src(%dma_wait3A_35 : memref<64x128xf32, #tpu.memory_space<vmem>>) dst(%dma_wait3A_31 : memref<64x128xf32, #tpu.memory_space<hbm>>)
    } else {
    }
    %ge3A_17 = arith.constant 1 : i32
    %ge3A_18 = arith.cmpi sge, %min3A, %ge3A_17 : i32
    %convert_element_type3A_19 = arith.extui %ge3A_18 : i1 to i32
    %cond3A_20 = arith.constant 0 : i32
    %cond3A_21 = arith.cmpi ne, %convert_element_type3A_19, %cond3A_20 : i32
    scf.if %cond3A_21 {
      %dma_wait3A = arith.constant 0 : i32
      %dma_wait3A_22 = arith.constant 0 : i32
      %dma_wait3A_23 = arith.constant 0 : i32
      %dma_wait3A_24 = tpu.memref_slice %arg11[%dma_wait3A, %dma_wait3A_22, %dma_wait3A_23] : memref<2x64x128xf32, #tpu.memory_space<vmem>> -> memref<1x64x128xf32, #tpu.memory_space<vmem>>
      %dma_wait3A_25 = tpu.memref_squeeze %dma_wait3A_24 : memref<1x64x128xf32, #tpu.memory_space<vmem>> -> memref<64x128xf32, #tpu.memory_space<vmem>>
      %dma_wait3A_26 = arith.constant 0 : i32
      %dma_wait3A_27 = arith.constant 0 : i32
      %dma_wait3A_28 = tpu.memref_slice %arg6[%dma_wait3A_26, %dma_wait3A_27] : memref<160000x128xf32, #tpu.memory_space<hbm>> -> memref<64x128xf32, #tpu.memory_space<hbm>>
      %dma_wait3A_29 = arith.constant 0 : i32
      %dma_wait3A_30 = arith.constant 0 : i32
      %dma_wait3A_31 = tpu.memref_slice %arg6[%dma_wait3A_29, %dma_wait3A_30] : memref<160000x128xf32, #tpu.memory_space<hbm>> -> memref<64x128xf32, #tpu.memory_space<hbm>>
      %dma_wait3A_32 = arith.constant 0 : i32
      %dma_wait3A_33 = arith.constant 0 : i32
      %dma_wait3A_34 = tpu.memref_slice %arg11[%dma_wait3A, %dma_wait3A_32, %dma_wait3A_33] : memref<2x64x128xf32, #tpu.memory_space<vmem>> -> memref<1x64x128xf32, #tpu.memory_space<vmem>>
      %dma_wait3A_35 = tpu.memref_squeeze %dma_wait3A_34 : memref<1x64x128xf32, #tpu.memory_space<vmem>> -> memref<64x128xf32, #tpu.memory_space<vmem>>
      tpu.wait_dma2 semaphore(%arg14 : memref<!tpu.dma_semaphore, #tpu.memory_space<semaphore_mem>>) src(%dma_wait3A_35 : memref<64x128xf32, #tpu.memory_space<vmem>>) dst(%dma_wait3A_31 : memref<64x128xf32, #tpu.memory_space<hbm>>)
    } else {
    }
    return
  }
}

#map = affine_map<(d0, d1) -> (0, 0)>
#map1 = affine_map<(d0, d1) -> (0, 0, 0)>
module attributes {stable_mosaic.version = 14 : i64} {
  func.func @scatter_k(%arg0: i32, %arg1: i32, %arg2: memref<320000x128xf32, #tpu.memory_space<hbm>>, %arg3: memref<2500x128xi32, #tpu.memory_space<hbm>>, %arg4: memref<125x128xf32, #tpu.memory_space<hbm>>, %arg5: memref<125x16xf32, #tpu.memory_space<hbm>>, %arg6: memref<2x10000x128xf32, #tpu.memory_space<hbm>>, %arg7: memref<2x1x128xi32, #tpu.memory_space<vmem>>, %arg8: memref<2x128x128xf32, #tpu.memory_space<vmem>>, %arg9: memref<10000x128xf32, #tpu.memory_space<vmem_shared>>, %arg10: memref<!tpu.dma_semaphore, #tpu.memory_space<semaphore_mem>>, %arg11: memref<!tpu.dma_semaphore, #tpu.memory_space<semaphore_mem>>) attributes {dimension_semantics = [#tpu.dimension_semantics<core_parallel>, #tpu.dimension_semantics<subcore_parallel>], iteration_bounds = array<i64: 2, 16>, scalar_prefetch = 0 : i64, scratch_operands = 5 : i64, tpu.core_type = #tpu.core_type<sc_vector_subcore>, window_params = [{transform_indices = #map}, {transform_indices = #map}, {transform_indices = #map}, {transform_indices = #map}, {transform_indices = #map1}]} {
    %mul3A = arith.constant 625 : i32
    %mul3A_0 = arith.muli %arg1, %mul3A : i32
    %add3A = arith.constant 0 : i32
    %add3A_1 = arith.addi %mul3A_0, %add3A : i32
    "tpu.region"() ({
      %run_scoped3A = tpu.sem_alloc : memref<!tpu.dma_semaphore, #tpu.memory_space<semaphore_mem>>
      %dma_start3A = arith.constant 0 : i32
      %dma_start3A_36 = tpu.memref_slice %arg9[%add3A_1, %dma_start3A] : memref<10000x128xf32, #tpu.memory_space<vmem_shared>> -> memref<125x128xf32, #tpu.memory_space<vmem_shared>>
      tpu.enqueue_dma source(%arg4 : memref<125x128xf32, #tpu.memory_space<hbm>>) target(%dma_start3A_36 : memref<125x128xf32, #tpu.memory_space<vmem_shared>>) target_semaphore(%run_scoped3A : memref<!tpu.dma_semaphore, #tpu.memory_space<semaphore_mem>>)
      %dma_wait3A = arith.constant 0 : i32
      %dma_wait3A_37 = tpu.memref_slice %arg9[%add3A_1, %dma_wait3A] : memref<10000x128xf32, #tpu.memory_space<vmem_shared>> -> memref<125x128xf32, #tpu.memory_space<vmem_shared>>
      tpu.wait_dma2 semaphore(%run_scoped3A : memref<!tpu.dma_semaphore, #tpu.memory_space<semaphore_mem>>) src(%arg4 : memref<125x128xf32, #tpu.memory_space<hbm>>) dst(%dma_wait3A_37 : memref<125x128xf32, #tpu.memory_space<vmem_shared>>)
      tpu.yield
    }) : () -> ()
    %mul3A_2 = arith.constant 625 : i32
    %mul3A_3 = arith.muli %arg1, %mul3A_2 : i32
    %add3A_4 = arith.constant 125 : i32
    %add3A_5 = arith.addi %mul3A_3, %add3A_4 : i32
    "tpu.region"() ({
      %run_scoped3A = tpu.sem_alloc : memref<!tpu.dma_semaphore, #tpu.memory_space<semaphore_mem>>
      %dma_start3A = arith.constant 0 : i32
      %dma_start3A_36 = tpu.memref_slice %arg9[%add3A_5, %dma_start3A] : memref<10000x128xf32, #tpu.memory_space<vmem_shared>> -> memref<125x128xf32, #tpu.memory_space<vmem_shared>>
      tpu.enqueue_dma source(%arg4 : memref<125x128xf32, #tpu.memory_space<hbm>>) target(%dma_start3A_36 : memref<125x128xf32, #tpu.memory_space<vmem_shared>>) target_semaphore(%run_scoped3A : memref<!tpu.dma_semaphore, #tpu.memory_space<semaphore_mem>>)
      %dma_wait3A = arith.constant 0 : i32
      %dma_wait3A_37 = tpu.memref_slice %arg9[%add3A_5, %dma_wait3A] : memref<10000x128xf32, #tpu.memory_space<vmem_shared>> -> memref<125x128xf32, #tpu.memory_space<vmem_shared>>
      tpu.wait_dma2 semaphore(%run_scoped3A : memref<!tpu.dma_semaphore, #tpu.memory_space<semaphore_mem>>) src(%arg4 : memref<125x128xf32, #tpu.memory_space<hbm>>) dst(%dma_wait3A_37 : memref<125x128xf32, #tpu.memory_space<vmem_shared>>)
      tpu.yield
    }) : () -> ()
    %mul3A_6 = arith.constant 625 : i32
    %mul3A_7 = arith.muli %arg1, %mul3A_6 : i32
    %add3A_8 = arith.constant 250 : i32
    %add3A_9 = arith.addi %mul3A_7, %add3A_8 : i32
    "tpu.region"() ({
      %run_scoped3A = tpu.sem_alloc : memref<!tpu.dma_semaphore, #tpu.memory_space<semaphore_mem>>
      %dma_start3A = arith.constant 0 : i32
      %dma_start3A_36 = tpu.memref_slice %arg9[%add3A_9, %dma_start3A] : memref<10000x128xf32, #tpu.memory_space<vmem_shared>> -> memref<125x128xf32, #tpu.memory_space<vmem_shared>>
      tpu.enqueue_dma source(%arg4 : memref<125x128xf32, #tpu.memory_space<hbm>>) target(%dma_start3A_36 : memref<125x128xf32, #tpu.memory_space<vmem_shared>>) target_semaphore(%run_scoped3A : memref<!tpu.dma_semaphore, #tpu.memory_space<semaphore_mem>>)
      %dma_wait3A = arith.constant 0 : i32
      %dma_wait3A_37 = tpu.memref_slice %arg9[%add3A_9, %dma_wait3A] : memref<10000x128xf32, #tpu.memory_space<vmem_shared>> -> memref<125x128xf32, #tpu.memory_space<vmem_shared>>
      tpu.wait_dma2 semaphore(%run_scoped3A : memref<!tpu.dma_semaphore, #tpu.memory_space<semaphore_mem>>) src(%arg4 : memref<125x128xf32, #tpu.memory_space<hbm>>) dst(%dma_wait3A_37 : memref<125x128xf32, #tpu.memory_space<vmem_shared>>)
      tpu.yield
    }) : () -> ()
    %mul3A_10 = arith.constant 625 : i32
    %mul3A_11 = arith.muli %arg1, %mul3A_10 : i32
    %add3A_12 = arith.constant 375 : i32
    %add3A_13 = arith.addi %mul3A_11, %add3A_12 : i32
    "tpu.region"() ({
      %run_scoped3A = tpu.sem_alloc : memref<!tpu.dma_semaphore, #tpu.memory_space<semaphore_mem>>
      %dma_start3A = arith.constant 0 : i32
      %dma_start3A_36 = tpu.memref_slice %arg9[%add3A_13, %dma_start3A] : memref<10000x128xf32, #tpu.memory_space<vmem_shared>> -> memref<125x128xf32, #tpu.memory_space<vmem_shared>>
      tpu.enqueue_dma source(%arg4 : memref<125x128xf32, #tpu.memory_space<hbm>>) target(%dma_start3A_36 : memref<125x128xf32, #tpu.memory_space<vmem_shared>>) target_semaphore(%run_scoped3A : memref<!tpu.dma_semaphore, #tpu.memory_space<semaphore_mem>>)
      %dma_wait3A = arith.constant 0 : i32
      %dma_wait3A_37 = tpu.memref_slice %arg9[%add3A_13, %dma_wait3A] : memref<10000x128xf32, #tpu.memory_space<vmem_shared>> -> memref<125x128xf32, #tpu.memory_space<vmem_shared>>
      tpu.wait_dma2 semaphore(%run_scoped3A : memref<!tpu.dma_semaphore, #tpu.memory_space<semaphore_mem>>) src(%arg4 : memref<125x128xf32, #tpu.memory_space<hbm>>) dst(%dma_wait3A_37 : memref<125x128xf32, #tpu.memory_space<vmem_shared>>)
      tpu.yield
    }) : () -> ()
    %mul3A_14 = arith.constant 625 : i32
    %mul3A_15 = arith.muli %arg1, %mul3A_14 : i32
    %add3A_16 = arith.constant 500 : i32
    %add3A_17 = arith.addi %mul3A_15, %add3A_16 : i32
    "tpu.region"() ({
      %run_scoped3A = tpu.sem_alloc : memref<!tpu.dma_semaphore, #tpu.memory_space<semaphore_mem>>
      %dma_start3A = arith.constant 0 : i32
      %dma_start3A_36 = tpu.memref_slice %arg9[%add3A_17, %dma_start3A] : memref<10000x128xf32, #tpu.memory_space<vmem_shared>> -> memref<125x128xf32, #tpu.memory_space<vmem_shared>>
      tpu.enqueue_dma source(%arg4 : memref<125x128xf32, #tpu.memory_space<hbm>>) target(%dma_start3A_36 : memref<125x128xf32, #tpu.memory_space<vmem_shared>>) target_semaphore(%run_scoped3A : memref<!tpu.dma_semaphore, #tpu.memory_space<semaphore_mem>>)
      %dma_wait3A = arith.constant 0 : i32
      %dma_wait3A_37 = tpu.memref_slice %arg9[%add3A_17, %dma_wait3A] : memref<10000x128xf32, #tpu.memory_space<vmem_shared>> -> memref<125x128xf32, #tpu.memory_space<vmem_shared>>
      tpu.wait_dma2 semaphore(%run_scoped3A : memref<!tpu.dma_semaphore, #tpu.memory_space<semaphore_mem>>) src(%arg4 : memref<125x128xf32, #tpu.memory_space<hbm>>) dst(%dma_wait3A_37 : memref<125x128xf32, #tpu.memory_space<vmem_shared>>)
      tpu.yield
    }) : () -> ()
    %barrier3A = arith.constant 0 : index
    tpu.barrier barrier_id(%barrier3A)
    %mul3A_18 = arith.constant 1250 : i32
    %mul3A_19 = arith.muli %arg0, %mul3A_18 : i32
    %mul3A_20 = arith.constant 79 : i32
    %mul3A_21 = arith.muli %arg1, %mul3A_20 : i32
    %add3A_22 = arith.addi %mul3A_19, %mul3A_21 : i32
    %add3A_23 = arith.constant 1 : i32
    %add3A_24 = arith.addi %arg0, %add3A_23 : i32
    %mul3A_25 = arith.constant 1250 : i32
    %mul3A_26 = arith.muli %add3A_24, %mul3A_25 : i32
    %lt3A = arith.cmpi slt, %add3A_22, %mul3A_26 : i32
    %convert_element_type3A = arith.extui %lt3A : i1 to i32
    %cond3A = arith.constant 0 : i32
    %cond3A_27 = arith.cmpi ne, %convert_element_type3A, %cond3A : i32
    scf.if %cond3A_27 {
      %dma_start3A = arith.constant 0 : i32
      %dma_start3A_36 = arith.constant 0 : i32
      %dma_start3A_37 = arith.constant 0 : i32
      %dma_start3A_38 = tpu.memref_slice %arg7[%dma_start3A, %dma_start3A_36, %dma_start3A_37] : memref<2x1x128xi32, #tpu.memory_space<vmem>> -> memref<1x1x128xi32, #tpu.memory_space<vmem>>
      %dma_start3A_39 = tpu.memref_squeeze %dma_start3A_38 : memref<1x1x128xi32, #tpu.memory_space<vmem>> -> memref<1x128xi32, #tpu.memory_space<vmem>>
      %dma_start3A_40 = arith.constant 0 : i32
      %dma_start3A_41 = tpu.memref_slice %arg3[%add3A_22, %dma_start3A_40] : memref<2500x128xi32, #tpu.memory_space<hbm>> -> memref<1x128xi32, #tpu.memory_space<hbm>>
      %dma_start3A_42 = arith.constant 0 : i32
      %dma_start3A_43 = arith.constant 0 : i32
      %dma_start3A_44 = tpu.memref_slice %arg7[%dma_start3A, %dma_start3A_42, %dma_start3A_43] : memref<2x1x128xi32, #tpu.memory_space<vmem>> -> memref<1x1x128xi32, #tpu.memory_space<vmem>>
      %dma_start3A_45 = tpu.memref_squeeze %dma_start3A_44 : memref<1x1x128xi32, #tpu.memory_space<vmem>> -> memref<1x128xi32, #tpu.memory_space<vmem>>
      %dma_start3A_46 = arith.constant 0 : i32
      %dma_start3A_47 = tpu.memref_slice %arg3[%add3A_22, %dma_start3A_46] : memref<2500x128xi32, #tpu.memory_space<hbm>> -> memref<1x128xi32, #tpu.memory_space<hbm>>
      tpu.enqueue_dma source(%dma_start3A_47 : memref<1x128xi32, #tpu.memory_space<hbm>>) target(%dma_start3A_45 : memref<1x128xi32, #tpu.memory_space<vmem>>) target_semaphore(%arg10 : memref<!tpu.dma_semaphore, #tpu.memory_space<semaphore_mem>>)
      %mul3A_48 = arith.constant 128 : i32
      %mul3A_49 = arith.muli %add3A_22, %mul3A_48 : i32
      %dma_start3A_50 = arith.constant 0 : i32
      %dma_start3A_51 = arith.constant 0 : i32
      %dma_start3A_52 = arith.constant 0 : i32
      %dma_start3A_53 = tpu.memref_slice %arg8[%dma_start3A_50, %dma_start3A_51, %dma_start3A_52] : memref<2x128x128xf32, #tpu.memory_space<vmem>> -> memref<1x128x128xf32, #tpu.memory_space<vmem>>
      %dma_start3A_54 = tpu.memref_squeeze %dma_start3A_53 : memref<1x128x128xf32, #tpu.memory_space<vmem>> -> memref<128x128xf32, #tpu.memory_space<vmem>>
      %dma_start3A_55 = arith.constant 0 : i32
      %dma_start3A_56 = tpu.memref_slice %arg2[%mul3A_49, %dma_start3A_55] : memref<320000x128xf32, #tpu.memory_space<hbm>> -> memref<128x128xf32, #tpu.memory_space<hbm>>
      %dma_start3A_57 = arith.constant 0 : i32
      %dma_start3A_58 = arith.constant 0 : i32
      %dma_start3A_59 = tpu.memref_slice %arg8[%dma_start3A_50, %dma_start3A_57, %dma_start3A_58] : memref<2x128x128xf32, #tpu.memory_space<vmem>> -> memref<1x128x128xf32, #tpu.memory_space<vmem>>
      %dma_start3A_60 = tpu.memref_squeeze %dma_start3A_59 : memref<1x128x128xf32, #tpu.memory_space<vmem>> -> memref<128x128xf32, #tpu.memory_space<vmem>>
      %dma_start3A_61 = arith.constant 0 : i32
      %dma_start3A_62 = tpu.memref_slice %arg2[%mul3A_49, %dma_start3A_61] : memref<320000x128xf32, #tpu.memory_space<hbm>> -> memref<128x128xf32, #tpu.memory_space<hbm>>
      tpu.enqueue_dma source(%dma_start3A_62 : memref<128x128xf32, #tpu.memory_space<hbm>>) target(%dma_start3A_60 : memref<128x128xf32, #tpu.memory_space<vmem>>) target_semaphore(%arg11 : memref<!tpu.dma_semaphore, #tpu.memory_space<semaphore_mem>>)
    } else {
    }
    %scan3A = arith.constant 0 : i32
    %scan3A_28 = arith.constant 0 : i32
    %scan3A_29 = arith.constant 79 : i32
    %scan3A_30 = arith.addi %scan3A_28, %scan3A_29 : i32
    %scan3A_31 = arith.constant 1 : i32
    scf.for %scan3A_36 = %scan3A_28 to %scan3A_30 step %scan3A_31  : i32 {
      %add3A_37 = arith.addi %add3A_22, %scan3A_36 : i32
      %and3A = arith.constant 1 : i32
      %and3A_38 = arith.andi %scan3A_36, %and3A : i32
      %lt3A_39 = arith.cmpi slt, %add3A_37, %mul3A_26 : i32
      %convert_element_type3A_40 = arith.extui %lt3A_39 : i1 to i32
      %cond3A_41 = arith.constant 0 : i32
      %cond3A_42 = arith.cmpi ne, %convert_element_type3A_40, %cond3A_41 : i32
      scf.if %cond3A_42 {
        %dma_wait3A = arith.constant 0 : i32
        %dma_wait3A_43 = arith.constant 0 : i32
        %dma_wait3A_44 = tpu.memref_slice %arg7[%and3A_38, %dma_wait3A, %dma_wait3A_43] : memref<2x1x128xi32, #tpu.memory_space<vmem>> -> memref<1x1x128xi32, #tpu.memory_space<vmem>>
        %dma_wait3A_45 = tpu.memref_squeeze %dma_wait3A_44 : memref<1x1x128xi32, #tpu.memory_space<vmem>> -> memref<1x128xi32, #tpu.memory_space<vmem>>
        %dma_wait3A_46 = arith.constant 0 : i32
        %dma_wait3A_47 = arith.constant 0 : i32
        %dma_wait3A_48 = tpu.memref_slice %arg3[%dma_wait3A_46, %dma_wait3A_47] : memref<2500x128xi32, #tpu.memory_space<hbm>> -> memref<1x128xi32, #tpu.memory_space<hbm>>
        %dma_wait3A_49 = arith.constant 0 : i32
        %dma_wait3A_50 = arith.constant 0 : i32
        %dma_wait3A_51 = tpu.memref_slice %arg7[%and3A_38, %dma_wait3A_49, %dma_wait3A_50] : memref<2x1x128xi32, #tpu.memory_space<vmem>> -> memref<1x1x128xi32, #tpu.memory_space<vmem>>
        %dma_wait3A_52 = tpu.memref_squeeze %dma_wait3A_51 : memref<1x1x128xi32, #tpu.memory_space<vmem>> -> memref<1x128xi32, #tpu.memory_space<vmem>>
        %dma_wait3A_53 = arith.constant 0 : i32
        %dma_wait3A_54 = arith.constant 0 : i32
        %dma_wait3A_55 = tpu.memref_slice %arg3[%dma_wait3A_53, %dma_wait3A_54] : memref<2500x128xi32, #tpu.memory_space<hbm>> -> memref<1x128xi32, #tpu.memory_space<hbm>>
        tpu.wait_dma2 semaphore(%arg10 : memref<!tpu.dma_semaphore, #tpu.memory_space<semaphore_mem>>) src(%dma_wait3A_55 : memref<1x128xi32, #tpu.memory_space<hbm>>) dst(%dma_wait3A_52 : memref<1x128xi32, #tpu.memory_space<vmem>>)
        %dma_wait3A_56 = arith.constant 0 : i32
        %dma_wait3A_57 = arith.constant 0 : i32
        %dma_wait3A_58 = tpu.memref_slice %arg8[%and3A_38, %dma_wait3A_56, %dma_wait3A_57] : memref<2x128x128xf32, #tpu.memory_space<vmem>> -> memref<1x128x128xf32, #tpu.memory_space<vmem>>
        %dma_wait3A_59 = tpu.memref_squeeze %dma_wait3A_58 : memref<1x128x128xf32, #tpu.memory_space<vmem>> -> memref<128x128xf32, #tpu.memory_space<vmem>>
        %dma_wait3A_60 = arith.constant 0 : i32
        %dma_wait3A_61 = arith.constant 0 : i32
        %dma_wait3A_62 = tpu.memref_slice %arg2[%dma_wait3A_60, %dma_wait3A_61] : memref<320000x128xf32, #tpu.memory_space<hbm>> -> memref<128x128xf32, #tpu.memory_space<hbm>>
        %dma_wait3A_63 = arith.constant 0 : i32
        %dma_wait3A_64 = arith.constant 0 : i32
        %dma_wait3A_65 = tpu.memref_slice %arg8[%and3A_38, %dma_wait3A_63, %dma_wait3A_64] : memref<2x128x128xf32, #tpu.memory_space<vmem>> -> memref<1x128x128xf32, #tpu.memory_space<vmem>>
        %dma_wait3A_66 = tpu.memref_squeeze %dma_wait3A_65 : memref<1x128x128xf32, #tpu.memory_space<vmem>> -> memref<128x128xf32, #tpu.memory_space<vmem>>
        %dma_wait3A_67 = arith.constant 0 : i32
        %dma_wait3A_68 = arith.constant 0 : i32
        %dma_wait3A_69 = tpu.memref_slice %arg2[%dma_wait3A_67, %dma_wait3A_68] : memref<320000x128xf32, #tpu.memory_space<hbm>> -> memref<128x128xf32, #tpu.memory_space<hbm>>
        tpu.wait_dma2 semaphore(%arg11 : memref<!tpu.dma_semaphore, #tpu.memory_space<semaphore_mem>>) src(%dma_wait3A_69 : memref<128x128xf32, #tpu.memory_space<hbm>>) dst(%dma_wait3A_66 : memref<128x128xf32, #tpu.memory_space<vmem>>)
        %lt3A_70 = arith.constant 78 : i32
        %lt3A_71 = arith.cmpi slt, %scan3A_36, %lt3A_70 : i32
        %add3A_72 = arith.constant 1 : i32
        %add3A_73 = arith.addi %add3A_37, %add3A_72 : i32
        %lt3A_74 = arith.cmpi slt, %add3A_73, %mul3A_26 : i32
        %and3A_75 = arith.andi %lt3A_71, %lt3A_74 : i1
        %convert_element_type3A_76 = arith.extui %and3A_75 : i1 to i32
        %cond3A_77 = arith.constant 0 : i32
        %cond3A_78 = arith.cmpi ne, %convert_element_type3A_76, %cond3A_77 : i32
        scf.if %cond3A_78 {
          %add3A_79 = arith.constant 1 : i32
          %add3A_80 = arith.addi %add3A_37, %add3A_79 : i32
          %sub3A = arith.constant 1 : i32
          %sub3A_81 = arith.subi %sub3A, %and3A_38 : i32
          %dma_start3A = arith.constant 0 : i32
          %dma_start3A_82 = arith.constant 0 : i32
          %dma_start3A_83 = tpu.memref_slice %arg7[%sub3A_81, %dma_start3A, %dma_start3A_82] : memref<2x1x128xi32, #tpu.memory_space<vmem>> -> memref<1x1x128xi32, #tpu.memory_space<vmem>>
          %dma_start3A_84 = tpu.memref_squeeze %dma_start3A_83 : memref<1x1x128xi32, #tpu.memory_space<vmem>> -> memref<1x128xi32, #tpu.memory_space<vmem>>
          %dma_start3A_85 = arith.constant 0 : i32
          %dma_start3A_86 = tpu.memref_slice %arg3[%add3A_80, %dma_start3A_85] : memref<2500x128xi32, #tpu.memory_space<hbm>> -> memref<1x128xi32, #tpu.memory_space<hbm>>
          %dma_start3A_87 = arith.constant 0 : i32
          %dma_start3A_88 = arith.constant 0 : i32
          %dma_start3A_89 = tpu.memref_slice %arg7[%sub3A_81, %dma_start3A_87, %dma_start3A_88] : memref<2x1x128xi32, #tpu.memory_space<vmem>> -> memref<1x1x128xi32, #tpu.memory_space<vmem>>
          %dma_start3A_90 = tpu.memref_squeeze %dma_start3A_89 : memref<1x1x128xi32, #tpu.memory_space<vmem>> -> memref<1x128xi32, #tpu.memory_space<vmem>>
          %dma_start3A_91 = arith.constant 0 : i32
          %dma_start3A_92 = tpu.memref_slice %arg3[%add3A_80, %dma_start3A_91] : memref<2500x128xi32, #tpu.memory_space<hbm>> -> memref<1x128xi32, #tpu.memory_space<hbm>>
          tpu.enqueue_dma source(%dma_start3A_92 : memref<1x128xi32, #tpu.memory_space<hbm>>) target(%dma_start3A_90 : memref<1x128xi32, #tpu.memory_space<vmem>>) target_semaphore(%arg10 : memref<!tpu.dma_semaphore, #tpu.memory_space<semaphore_mem>>)
          %mul3A_93 = arith.constant 128 : i32
          %mul3A_94 = arith.muli %add3A_80, %mul3A_93 : i32
          %dma_start3A_95 = arith.constant 0 : i32
          %dma_start3A_96 = arith.constant 0 : i32
          %dma_start3A_97 = tpu.memref_slice %arg8[%sub3A_81, %dma_start3A_95, %dma_start3A_96] : memref<2x128x128xf32, #tpu.memory_space<vmem>> -> memref<1x128x128xf32, #tpu.memory_space<vmem>>
          %dma_start3A_98 = tpu.memref_squeeze %dma_start3A_97 : memref<1x128x128xf32, #tpu.memory_space<vmem>> -> memref<128x128xf32, #tpu.memory_space<vmem>>
          %dma_start3A_99 = arith.constant 0 : i32
          %dma_start3A_100 = tpu.memref_slice %arg2[%mul3A_94, %dma_start3A_99] : memref<320000x128xf32, #tpu.memory_space<hbm>> -> memref<128x128xf32, #tpu.memory_space<hbm>>
          %dma_start3A_101 = arith.constant 0 : i32
          %dma_start3A_102 = arith.constant 0 : i32
          %dma_start3A_103 = tpu.memref_slice %arg8[%sub3A_81, %dma_start3A_101, %dma_start3A_102] : memref<2x128x128xf32, #tpu.memory_space<vmem>> -> memref<1x128x128xf32, #tpu.memory_space<vmem>>
          %dma_start3A_104 = tpu.memref_squeeze %dma_start3A_103 : memref<1x128x128xf32, #tpu.memory_space<vmem>> -> memref<128x128xf32, #tpu.memory_space<vmem>>
          %dma_start3A_105 = arith.constant 0 : i32
          %dma_start3A_106 = tpu.memref_slice %arg2[%mul3A_94, %dma_start3A_105] : memref<320000x128xf32, #tpu.memory_space<hbm>> -> memref<128x128xf32, #tpu.memory_space<hbm>>
          tpu.enqueue_dma source(%dma_start3A_106 : memref<128x128xf32, #tpu.memory_space<hbm>>) target(%dma_start3A_104 : memref<128x128xf32, #tpu.memory_space<vmem>>) target_semaphore(%arg11 : memref<!tpu.dma_semaphore, #tpu.memory_space<semaphore_mem>>)
        } else {
        }
        %run_scoped3A = arith.constant 0 : i32
        "tpu.region"() ({
          %run_scoped3A_79 = tpu.sem_alloc : memref<!tpu.dma_semaphore, #tpu.memory_space<semaphore_mem>>
          %dma_start3A = arith.constant 0 : i32
          %dma_start3A_80 = arith.constant 0 : i32
          %dma_start3A_81 = tpu.memref_slice %arg8[%and3A_38, %dma_start3A, %dma_start3A_80] : memref<2x128x128xf32, #tpu.memory_space<vmem>> -> memref<1x128x128xf32, #tpu.memory_space<vmem>>
          %dma_start3A_82 = tpu.memref_squeeze %dma_start3A_81 : memref<1x128x128xf32, #tpu.memory_space<vmem>> -> memref<128x128xf32, #tpu.memory_space<vmem>>
          %dma_start3A_83 = arith.constant 0 : i32
          %dma_start3A_84 = tpu.memref_slice %arg7[%and3A_38, %run_scoped3A, %dma_start3A_83] : memref<2x1x128xi32, #tpu.memory_space<vmem>> -> memref<1x1x128xi32, #tpu.memory_space<vmem>>
          %dma_start3A_85 = tpu.memref_squeeze %dma_start3A_84 : memref<1x1x128xi32, #tpu.memory_space<vmem>> -> memref<128xi32, #tpu.memory_space<vmem>>
          %dma_start3A_86 = arith.constant 0 : i32
          %dma_start3A_87 = arith.constant 0 : i32
          %dma_start3A_88 = tpu.memref_slice %arg9[%dma_start3A_86, %dma_start3A_87] : memref<10000x128xf32, #tpu.memory_space<vmem_shared>> -> memref<10000x128xf32, #tpu.memory_space<vmem_shared>>
          tpu.enqueue_indirect_dma source(%dma_start3A_82 : memref<128x128xf32, #tpu.memory_space<vmem>>) target(%dma_start3A_88 : memref<10000x128xf32, #tpu.memory_space<vmem_shared>>) offsets(%dma_start3A_85 : memref<128xi32, #tpu.memory_space<vmem>>) semaphore(%run_scoped3A_79 : memref<!tpu.dma_semaphore, #tpu.memory_space<semaphore_mem>>) {add = true}
          %dma_wait3A_89 = arith.constant 0 : i32
          %dma_wait3A_90 = arith.constant 0 : i32
          %dma_wait3A_91 = tpu.memref_slice %arg8[%and3A_38, %dma_wait3A_89, %dma_wait3A_90] : memref<2x128x128xf32, #tpu.memory_space<vmem>> -> memref<1x128x128xf32, #tpu.memory_space<vmem>>
          %dma_wait3A_92 = tpu.memref_squeeze %dma_wait3A_91 : memref<1x128x128xf32, #tpu.memory_space<vmem>> -> memref<128x128xf32, #tpu.memory_space<vmem>>
          %dma_wait3A_93 = arith.constant 0 : i32
          %dma_wait3A_94 = tpu.memref_slice %arg7[%and3A_38, %run_scoped3A, %dma_wait3A_93] : memref<2x1x128xi32, #tpu.memory_space<vmem>> -> memref<1x1x128xi32, #tpu.memory_space<vmem>>
          %dma_wait3A_95 = tpu.memref_squeeze %dma_wait3A_94 : memref<1x1x128xi32, #tpu.memory_space<vmem>> -> memref<128xi32, #tpu.memory_space<vmem>>
          %dma_wait3A_96 = arith.constant 0 : i32
          %dma_wait3A_97 = arith.constant 0 : i32
          %dma_wait3A_98 = tpu.memref_slice %arg9[%dma_wait3A_96, %dma_wait3A_97] : memref<10000x128xf32, #tpu.memory_space<vmem_shared>> -> memref<10000x128xf32, #tpu.memory_space<vmem_shared>>
          tpu.wait_indirect_dma semaphore(%run_scoped3A_79 : memref<!tpu.dma_semaphore, #tpu.memory_space<semaphore_mem>>) src(%dma_wait3A_92 : memref<128x128xf32, #tpu.memory_space<vmem>>) dst(%dma_wait3A_98 : memref<10000x128xf32, #tpu.memory_space<vmem_shared>>)
          tpu.yield
        }) : () -> ()
      } else {
      }
    }
    %scan3A_32 = arith.constant 79 : i32
    %barrier3A_33 = arith.constant 0 : index
    tpu.barrier barrier_id(%barrier3A_33)
    %mul3A_34 = arith.constant 625 : i32
    %mul3A_35 = arith.muli %arg1, %mul3A_34 : i32
    "tpu.region"() ({
      %run_scoped3A = tpu.sem_alloc : memref<!tpu.dma_semaphore, #tpu.memory_space<semaphore_mem>>
      %dma_start3A = arith.constant 0 : i32
      %dma_start3A_36 = tpu.memref_slice %arg6[%arg0, %mul3A_35, %dma_start3A] : memref<2x10000x128xf32, #tpu.memory_space<hbm>> -> memref<1x625x128xf32, #tpu.memory_space<hbm>>
      %dma_start3A_37 = tpu.memref_squeeze %dma_start3A_36 : memref<1x625x128xf32, #tpu.memory_space<hbm>> -> memref<625x128xf32, #tpu.memory_space<hbm>>
      %dma_start3A_38 = arith.constant 0 : i32
      %dma_start3A_39 = tpu.memref_slice %arg9[%mul3A_35, %dma_start3A_38] : memref<10000x128xf32, #tpu.memory_space<vmem_shared>> -> memref<625x128xf32, #tpu.memory_space<vmem_shared>>
      tpu.enqueue_dma source(%dma_start3A_39 : memref<625x128xf32, #tpu.memory_space<vmem_shared>>) target(%dma_start3A_37 : memref<625x128xf32, #tpu.memory_space<hbm>>) target_semaphore(%run_scoped3A : memref<!tpu.dma_semaphore, #tpu.memory_space<semaphore_mem>>)
      %dma_wait3A = arith.constant 0 : i32
      %dma_wait3A_40 = tpu.memref_slice %arg6[%arg0, %mul3A_35, %dma_wait3A] : memref<2x10000x128xf32, #tpu.memory_space<hbm>> -> memref<1x625x128xf32, #tpu.memory_space<hbm>>
      %dma_wait3A_41 = tpu.memref_squeeze %dma_wait3A_40 : memref<1x625x128xf32, #tpu.memory_space<hbm>> -> memref<625x128xf32, #tpu.memory_space<hbm>>
      %dma_wait3A_42 = arith.constant 0 : i32
      %dma_wait3A_43 = tpu.memref_slice %arg9[%mul3A_35, %dma_wait3A_42] : memref<10000x128xf32, #tpu.memory_space<vmem_shared>> -> memref<625x128xf32, #tpu.memory_space<vmem_shared>>
      tpu.wait_dma2 semaphore(%run_scoped3A : memref<!tpu.dma_semaphore, #tpu.memory_space<semaphore_mem>>) src(%dma_wait3A_43 : memref<625x128xf32, #tpu.memory_space<vmem_shared>>) dst(%dma_wait3A_41 : memref<625x128xf32, #tpu.memory_space<hbm>>)
      tpu.yield
    }) : () -> ()
    return
  }
}

module attributes {stable_mosaic.version = 14 : i64} {
  func.func @body(%arg0: memref<10000x128xf32, #tpu.memory_space<vmem>>, %arg1: memref<128x64xf32, #tpu.memory_space<vmem>>, %arg2: memref<128x64xf32, #tpu.memory_space<vmem>>, %arg3: memref<1x64xf32, #tpu.memory_space<vmem>>, %arg4: memref<10000x64xbf16, #tpu.memory_space<vmem>>, %arg5: memref<10000x64xbf16, #tpu.memory_space<vmem>>) attributes {dimension_semantics = [], scalar_prefetch = 0 : i64, scratch_operands = 0 : i64, tpu.core_type = #tpu.core_type<tc>} {
    %get3A = arith.constant 0 : index
    %get3A_0 = arith.constant 0 : index
    %get3A_1 = vector.load %arg0[%get3A, %get3A_0] : memref<10000x128xf32, #tpu.memory_space<vmem>>, vector<10000x128xf32>
    %get3A_2 = arith.constant 0 : index
    %get3A_3 = arith.constant 0 : index
    %get3A_4 = vector.load %arg1[%get3A_2, %get3A_3] : memref<128x64xf32, #tpu.memory_space<vmem>>, vector<128x64xf32>
    %dot_general3A = arith.constant dense<0.000000e+00> : vector<10000x64xf32>
    %dot_general3A_5 = tpu.matmul %get3A_1, %get3A_4, %dot_general3A {dimension_numbers = #tpu.dot_dimension_numbers<[1], [0], [0], [1], [0, 0, 1, 1], [], []>, transpose_lhs_hint = false} : vector<10000x128xf32>, vector<128x64xf32>, vector<10000x64xf32> -> vector<10000x64xf32>
    %get3A_6 = arith.constant 0 : index
    %get3A_7 = arith.constant 0 : index
    %get3A_8 = vector.load %arg3[%get3A_6, %get3A_7] : memref<1x64xf32, #tpu.memory_space<vmem>>, vector<1x64xf32>
    %add3A = vector.broadcast %get3A_8 : vector<1x64xf32> to vector<10000x64xf32>
    %add3A_9 = arith.addf %dot_general3A_5, %add3A : vector<10000x64xf32>
    %convert_element_type3A = arith.truncf %add3A_9 : vector<10000x64xf32> to vector<10000x64xbf16>
    %swap3A = arith.constant 0 : index
    %swap3A_10 = arith.constant 0 : index
    %swap3A_11 = vector.load %arg4[%swap3A, %swap3A_10] : memref<10000x64xbf16, #tpu.memory_space<vmem>>, vector<10000x64xbf16>
    tpu.vector_store %arg4[%swap3A, %swap3A_10], %convert_element_type3A {strides = array<i32>} : memref<10000x64xbf16, #tpu.memory_space<vmem>>, vector<10000x64xbf16>,
    %get3A_12 = arith.constant 0 : index
    %get3A_13 = arith.constant 0 : index
    %get3A_14 = vector.load %arg2[%get3A_12, %get3A_13] : memref<128x64xf32, #tpu.memory_space<vmem>>, vector<128x64xf32>
    %dot_general3A_15 = arith.constant dense<0.000000e+00> : vector<10000x64xf32>
    %dot_general3A_16 = tpu.matmul %get3A_1, %get3A_14, %dot_general3A_15 {dimension_numbers = #tpu.dot_dimension_numbers<[1], [0], [0], [1], [0, 0, 1, 1], [], []>, transpose_lhs_hint = false} : vector<10000x128xf32>, vector<128x64xf32>, vector<10000x64xf32> -> vector<10000x64xf32>
    %convert_element_type3A_17 = arith.truncf %dot_general3A_16 : vector<10000x64xf32> to vector<10000x64xbf16>
    %swap3A_18 = arith.constant 0 : index
    %swap3A_19 = arith.constant 0 : index
    %swap3A_20 = vector.load %arg5[%swap3A_18, %swap3A_19] : memref<10000x64xbf16, #tpu.memory_space<vmem>>, vector<10000x64xbf16>
    tpu.vector_store %arg5[%swap3A_18, %swap3A_19], %convert_element_type3A_17 {strides = array<i32>} : memref<10000x64xbf16, #tpu.memory_space<vmem>>, vector<10000x64xbf16>,
    return
  }
}

module attributes {stable_mosaic.version = 14 : i64} {
  func.func @body(%arg0: i32, %arg1: memref<1280x128xf32, #tpu.memory_space<vmem>>, %arg2: memref<64x128xf32, #tpu.memory_space<vmem>>, %arg3: memref<1x128xf32, #tpu.memory_space<vmem>>, %arg4: memref<2560x128xf32, #tpu.memory_space<vmem>>) attributes {dimension_semantics = [#tpu.dimension_semantics<arbitrary>], iteration_bounds = array<i64: 125>, scalar_prefetch = 0 : i64, scratch_operands = 0 : i64, tpu.core_type = #tpu.core_type<tc>, window_params = [{transform_indices = @transform_0, window_bounds = array<i64: 1280, 128>}, {pipeline_mode = #tpu.pipeline_mode<synchronous>, transform_indices = @transform_1, window_bounds = array<i64: 64, 128>}, {pipeline_mode = #tpu.pipeline_mode<synchronous>, transform_indices = @transform_2, window_bounds = array<i64: 1, 128>}, {transform_indices = @transform_3, window_bounds = array<i64: 2560, 128>}]} {
    %get3A = arith.constant 0 : index
    %get3A_0 = arith.constant 0 : index
    %get3A_1 = vector.load %arg1[%get3A, %get3A_0] : memref<1280x128xf32, #tpu.memory_space<vmem>>, vector<1280x128xf32>
    %get3A_2 = arith.constant 0 : index
    %get3A_3 = arith.constant 0 : index
    %get3A_4 = vector.load %arg2[%get3A_2, %get3A_3] : memref<64x128xf32, #tpu.memory_space<vmem>>, vector<64x128xf32>
    %get3A_5 = arith.constant 0 : index
    %get3A_6 = arith.constant 0 : index
    %get3A_7 = vector.load %arg3[%get3A_5, %get3A_6] : memref<1x128xf32, #tpu.memory_space<vmem>>, vector<1x128xf32>
    %slice3A = vector.extract_strided_slice %get3A_1 {offsets = [0, 0], sizes = [1280, 64], strides = [1, 1]} : vector<1280x128xf32> to vector<1280x64xf32>
    %dot_general3A = arith.constant dense<0.000000e+00> : vector<1280x128xf32>
    %dot_general3A_8 = tpu.matmul %slice3A, %get3A_4, %dot_general3A {dimension_numbers = #tpu.dot_dimension_numbers<[1], [0], [0], [1], [0, 0, 1, 1], [], []>, transpose_lhs_hint = false} : vector<1280x64xf32>, vector<64x128xf32>, vector<1280x128xf32> -> vector<1280x128xf32>
    %add3A = vector.broadcast %get3A_7 : vector<1x128xf32> to vector<1280x128xf32>
    %add3A_9 = arith.addf %dot_general3A_8, %add3A : vector<1280x128xf32>
    %max3A = arith.constant 0.000000e+00 : f32
    %max3A_10 = vector.broadcast %max3A : f32 to vector<1280x128xf32>
    %max3A_11 = arith.maximumf %add3A_9, %max3A_10 : vector<1280x128xf32>
    %slice3A_12 = vector.extract_strided_slice %get3A_1 {offsets = [0, 64], sizes = [1280, 64], strides = [1, 1]} : vector<1280x128xf32> to vector<1280x64xf32>
    %dot_general3A_13 = arith.constant dense<0.000000e+00> : vector<1280x128xf32>
    %dot_general3A_14 = tpu.matmul %slice3A_12, %get3A_4, %dot_general3A_13 {dimension_numbers = #tpu.dot_dimension_numbers<[1], [0], [0], [1], [0, 0, 1, 1], [], []>, transpose_lhs_hint = false} : vector<1280x64xf32>, vector<64x128xf32>, vector<1280x128xf32> -> vector<1280x128xf32>
    %add3A_15 = vector.broadcast %get3A_7 : vector<1x128xf32> to vector<1280x128xf32>
    %add3A_16 = arith.addf %dot_general3A_14, %add3A_15 : vector<1280x128xf32>
    %max3A_17 = arith.constant 0.000000e+00 : f32
    %max3A_18 = vector.broadcast %max3A_17 : f32 to vector<1280x128xf32>
    %max3A_19 = arith.maximumf %add3A_16, %max3A_18 : vector<1280x128xf32>
    %broadcast_in_dim3A = vector.shape_cast %max3A_11 : vector<1280x128xf32> to vector<1280x1x128xf32>
    %broadcast_in_dim3A_20 = vector.shape_cast %max3A_19 : vector<1280x128xf32> to vector<1280x1x128xf32>
    %concatenate3A = tpu.concatenate %broadcast_in_dim3A, %broadcast_in_dim3A_20 in 1 : vector<1280x1x128xf32>, vector<1280x1x128xf32> -> vector<1280x2x128xf32>
    %reshape3A = vector.shape_cast %concatenate3A : vector<1280x2x128xf32> to vector<2560x128xf32>
    %swap3A = arith.constant 0 : index
    %swap3A_21 = arith.constant 0 : index
    %swap3A_22 = vector.load %arg4[%swap3A, %swap3A_21] : memref<2560x128xf32, #tpu.memory_space<vmem>>, vector<2560x128xf32>
    tpu.vector_store %arg4[%swap3A, %swap3A_21], %reshape3A {strides = array<i32>} : memref<2560x128xf32, #tpu.memory_space<vmem>>, vector<2560x128xf32>,
    return
  }
  func.func @transform_0(%arg0: i32) -> (i32, i32) {
    %c0_i32 = arith.constant 0 : i32
    %c0_i32_0 = arith.constant 0 : i32
    return %arg0, %c0_i32 : i32, i32
  }
  func.func @transform_1(%arg0: i32) -> (i32, i32) {
    %c0_i32 = arith.constant 0 : i32
    %c0_i32_0 = arith.constant 0 : i32
    %c0_i32_1 = arith.constant 0 : i32
    return %c0_i32, %c0_i32_0 : i32, i32
  }
  func.func @transform_2(%arg0: i32) -> (i32, i32) {
    %c0_i32 = arith.constant 0 : i32
    %c0_i32_0 = arith.constant 0 : i32
    %c0_i32_1 = arith.constant 0 : i32
    return %c0_i32, %c0_i32_0 : i32, i32
  }
  func.func @transform_3(%arg0: i32) -> (i32, i32) {
    %c0_i32 = arith.constant 0 : i32
    %c0_i32_0 = arith.constant 0 : i32
    return %arg0, %c0_i32 : i32, i32
  }
}

module attributes {stable_mosaic.version = 14 : i64} {
  func.func @body(%arg0: memref<2x10000x128xf32, #tpu.memory_space<vmem>>, %arg1: memref<2x10000x16xf32, #tpu.memory_space<vmem>>, %arg2: memref<128x64xf32, #tpu.memory_space<vmem>>, %arg3: memref<128x64xf32, #tpu.memory_space<vmem>>, %arg4: memref<1x64xf32, #tpu.memory_space<vmem>>, %arg5: memref<10000x64xbf16, #tpu.memory_space<vmem>>, %arg6: memref<10000x64xbf16, #tpu.memory_space<vmem>>) attributes {dimension_semantics = [], scalar_prefetch = 0 : i64, scratch_operands = 0 : i64, tpu.core_type = #tpu.core_type<tc>} {
    %get3A = arith.constant 0 : index
    %get3A_0 = arith.constant 0 : index
    %get3A_1 = arith.constant 0 : index
    %get3A_2 = vector.load %arg1[%get3A, %get3A_0, %get3A_1] : memref<2x10000x16xf32, #tpu.memory_space<vmem>>, vector<1x10000x1xf32>
    %get3A_3 = vector.shape_cast %get3A_2 : vector<1x10000x1xf32> to vector<10000xf32>
    %get3A_4 = arith.constant 1 : index
    %get3A_5 = arith.constant 0 : index
    %get3A_6 = arith.constant 0 : index
    %get3A_7 = vector.load %arg1[%get3A_4, %get3A_5, %get3A_6] : memref<2x10000x16xf32, #tpu.memory_space<vmem>>, vector<1x10000x1xf32>
    %get3A_8 = vector.shape_cast %get3A_7 : vector<1x10000x1xf32> to vector<10000xf32>
    %add3A = arith.addf %get3A_3, %get3A_8 : vector<10000xf32>
    %get3A_9 = arith.constant 0 : index
    %get3A_10 = arith.constant 0 : index
    %get3A_11 = arith.constant 0 : index
    %get3A_12 = vector.load %arg0[%get3A_9, %get3A_10, %get3A_11] : memref<2x10000x128xf32, #tpu.memory_space<vmem>>, vector<1x10000x128xf32>
    %get3A_13 = vector.shape_cast %get3A_12 : vector<1x10000x128xf32> to vector<10000x128xf32>
    %get3A_14 = arith.constant 1 : index
    %get3A_15 = arith.constant 0 : index
    %get3A_16 = arith.constant 0 : index
    %get3A_17 = vector.load %arg0[%get3A_14, %get3A_15, %get3A_16] : memref<2x10000x128xf32, #tpu.memory_space<vmem>>, vector<1x10000x128xf32>
    %get3A_18 = vector.shape_cast %get3A_17 : vector<1x10000x128xf32> to vector<10000x128xf32>
    %add3A_19 = arith.addf %get3A_13, %get3A_18 : vector<10000x128xf32>
    %max3A = arith.constant 1.000000e+00 : f32
    %max3A_20 = vector.broadcast %max3A : f32 to vector<10000xf32>
    %max3A_21 = arith.maximumf %add3A, %max3A_20 : vector<10000xf32>
    %broadcast_in_dim3A = vector.shape_cast %max3A_21 : vector<10000xf32> to vector<10000x1xf32>
    %div3A = vector.broadcast %broadcast_in_dim3A : vector<10000x1xf32> to vector<10000x128xf32>
    %div3A_22 = arith.divf %add3A_19, %div3A : vector<10000x128xf32>
    %get3A_23 = arith.constant 0 : index
    %get3A_24 = arith.constant 0 : index
    %get3A_25 = vector.load %arg2[%get3A_23, %get3A_24] : memref<128x64xf32, #tpu.memory_space<vmem>>, vector<128x64xf32>
    %dot_general3A = arith.constant dense<0.000000e+00> : vector<10000x64xf32>
    %dot_general3A_26 = tpu.matmul %div3A_22, %get3A_25, %dot_general3A {dimension_numbers = #tpu.dot_dimension_numbers<[1], [0], [0], [1], [0, 0, 1, 1], [], []>, transpose_lhs_hint = false} : vector<10000x128xf32>, vector<128x64xf32>, vector<10000x64xf32> -> vector<10000x64xf32>
    %get3A_27 = arith.constant 0 : index
    %get3A_28 = arith.constant 0 : index
    %get3A_29 = vector.load %arg4[%get3A_27, %get3A_28] : memref<1x64xf32, #tpu.memory_space<vmem>>, vector<1x64xf32>
    %add3A_30 = vector.broadcast %get3A_29 : vector<1x64xf32> to vector<10000x64xf32>
    %add3A_31 = arith.addf %dot_general3A_26, %add3A_30 : vector<10000x64xf32>
    %convert_element_type3A = arith.truncf %add3A_31 : vector<10000x64xf32> to vector<10000x64xbf16>
    %swap3A = arith.constant 0 : index
    %swap3A_32 = arith.constant 0 : index
    %swap3A_33 = vector.load %arg5[%swap3A, %swap3A_32] : memref<10000x64xbf16, #tpu.memory_space<vmem>>, vector<10000x64xbf16>
    tpu.vector_store %arg5[%swap3A, %swap3A_32], %convert_element_type3A {strides = array<i32>} : memref<10000x64xbf16, #tpu.memory_space<vmem>>, vector<10000x64xbf16>,
    %get3A_34 = arith.constant 0 : index
    %get3A_35 = arith.constant 0 : index
    %get3A_36 = vector.load %arg3[%get3A_34, %get3A_35] : memref<128x64xf32, #tpu.memory_space<vmem>>, vector<128x64xf32>
    %dot_general3A_37 = arith.constant dense<0.000000e+00> : vector<10000x64xf32>
    %dot_general3A_38 = tpu.matmul %div3A_22, %get3A_36, %dot_general3A_37 {dimension_numbers = #tpu.dot_dimension_numbers<[1], [0], [0], [1], [0, 0, 1, 1], [], []>, transpose_lhs_hint = false} : vector<10000x128xf32>, vector<128x64xf32>, vector<10000x64xf32> -> vector<10000x64xf32>
    %convert_element_type3A_39 = arith.truncf %dot_general3A_38 : vector<10000x64xf32> to vector<10000x64xbf16>
    %swap3A_40 = arith.constant 0 : index
    %swap3A_41 = arith.constant 0 : index
    %swap3A_42 = vector.load %arg6[%swap3A_40, %swap3A_41] : memref<10000x64xbf16, #tpu.memory_space<vmem>>, vector<10000x64xbf16>
    tpu.vector_store %arg6[%swap3A_40, %swap3A_41], %convert_element_type3A_39 {strides = array<i32>} : memref<10000x64xbf16, #tpu.memory_space<vmem>>, vector<10000x64xbf16>,
    return
  }
}

module attributes {stable_mosaic.version = 14 : i64} {
  func.func @body(%arg0: memref<2x10000x128xf32, #tpu.memory_space<vmem>>, %arg1: memref<2x10000x16xf32, #tpu.memory_space<vmem>>, %arg2: memref<10000x128xf32, #tpu.memory_space<vmem>>) attributes {dimension_semantics = [], scalar_prefetch = 0 : i64, scratch_operands = 0 : i64, tpu.core_type = #tpu.core_type<tc>} {
    %get3A = arith.constant 0 : index
    %get3A_0 = arith.constant 0 : index
    %get3A_1 = arith.constant 0 : index
    %get3A_2 = vector.load %arg1[%get3A, %get3A_0, %get3A_1] : memref<2x10000x16xf32, #tpu.memory_space<vmem>>, vector<1x10000x1xf32>
    %get3A_3 = vector.shape_cast %get3A_2 : vector<1x10000x1xf32> to vector<10000xf32>
    %get3A_4 = arith.constant 1 : index
    %get3A_5 = arith.constant 0 : index
    %get3A_6 = arith.constant 0 : index
    %get3A_7 = vector.load %arg1[%get3A_4, %get3A_5, %get3A_6] : memref<2x10000x16xf32, #tpu.memory_space<vmem>>, vector<1x10000x1xf32>
    %get3A_8 = vector.shape_cast %get3A_7 : vector<1x10000x1xf32> to vector<10000xf32>
    %add3A = arith.addf %get3A_3, %get3A_8 : vector<10000xf32>
    %get3A_9 = arith.constant 0 : index
    %get3A_10 = arith.constant 0 : index
    %get3A_11 = arith.constant 0 : index
    %get3A_12 = vector.load %arg0[%get3A_9, %get3A_10, %get3A_11] : memref<2x10000x128xf32, #tpu.memory_space<vmem>>, vector<1x10000x128xf32>
    %get3A_13 = vector.shape_cast %get3A_12 : vector<1x10000x128xf32> to vector<10000x128xf32>
    %get3A_14 = arith.constant 1 : index
    %get3A_15 = arith.constant 0 : index
    %get3A_16 = arith.constant 0 : index
    %get3A_17 = vector.load %arg0[%get3A_14, %get3A_15, %get3A_16] : memref<2x10000x128xf32, #tpu.memory_space<vmem>>, vector<1x10000x128xf32>
    %get3A_18 = vector.shape_cast %get3A_17 : vector<1x10000x128xf32> to vector<10000x128xf32>
    %add3A_19 = arith.addf %get3A_13, %get3A_18 : vector<10000x128xf32>
    %max3A = arith.constant 1.000000e+00 : f32
    %max3A_20 = vector.broadcast %max3A : f32 to vector<10000xf32>
    %max3A_21 = arith.maximumf %add3A, %max3A_20 : vector<10000xf32>
    %broadcast_in_dim3A = vector.shape_cast %max3A_21 : vector<10000xf32> to vector<10000x1xf32>
    %div3A = vector.broadcast %broadcast_in_dim3A : vector<10000x1xf32> to vector<10000x128xf32>
    %div3A_22 = arith.divf %add3A_19, %div3A : vector<10000x128xf32>
    %swap3A = arith.constant 0 : index
    %swap3A_23 = arith.constant 0 : index
    %swap3A_24 = vector.load %arg2[%swap3A, %swap3A_23] : memref<10000x128xf32, #tpu.memory_space<vmem>>, vector<10000x128xf32>
    tpu.vector_store %arg2[%swap3A, %swap3A_23], %div3A_22 {strides = array<i32>} : memref<10000x128xf32, #tpu.memory_space<vmem>>, vector<10000x128xf32>,
    return
  }
}

</mosaic_0001>

<sc_bundles>
// kernel: kernel.11.cloned.1.call-start
scs
__scs_entry_jumppad:
0x0: {  	(pc) =	sbr.rel $0x88, $3  }
0x1: {  	(tag) =	ssettag $0x0;
	lr =	simm.s32 $0x1  }
0x2: {  	[smem:$0x3F97] =	sst lr;
	_ =	strace $0xD0000000  }
0x3: {  	_ = 	snop  }
0x4: {  	_ = 	snop  }
0x5: {  	_ = 	snop  }
0x6: {  	_ = 	snop  }
0x7: {  	_ = 	snop  }
__scs_overlays_trampoline_lowered:
0x8: {  	[smem:$0x3FA6] =	sst s0  }
0x9: {  	[smem:$0x3FA7] =	sst s1  }
0xa: {  	[smem:$0x3FA8] =	sst s2  }
0xb: {  	[smem:$0x3FA9] =	sst s3  }
0xc: {  	[smem:$0x3FAA] =	sst s4  }
0xd: {  	[smem:$0x3FAB] =	sst s5  }
0xe: {  	[smem:$0x3FAC] =	sst s6  }
0xf: {  	[smem:$0x3FAD] =	sst s7  }
0x10: {  	[smem:$0x3FAE] =	sst s8  }
0x11: {  	[smem:$0x3FAF] =	sst s9;
	s0 =	simm.s32 @!p0 $0x0  }
0x12: {  	s1 =	sld [smem:$0x3F95];
	s0 =	simm.s32 @p0 $0x1  }
0x13: {  	[smem:$0x3FB0] =	sst s0;
	s0 =	simm.s32 @!p1 $0x0  }
0x14: {  	s2 =	sld [smem:$0x3F94];
	s0 =	simm.s32 @p1 $0x1  }
0x15: {  	[smem:$0x3FB1] =	sst s0;
	s0 =	simm.s32 @!p2 $0x0  }
0x16: {  	s3 =	sld [smem:$0x3FDB];
	s0 =	simm.s32 @p2 $0x1  }
0x17: {  	s4 =	simm.s32 $0x1BF5;
	[smem:$0x3FB3] =	sst s0  }
0x18: {  	s0 =	sld [smem:$0x3F96];
	_ =	swait.ge [sflag:s4], $0x0  }
0x19: {  	s7 =	sld [smem:$0x3F97]  }
0x1a: {  	s8 =	sadd.s32 $0xFFFFE003, lr  }
0x1b: {  	s9 =	sadd.s32 $0xFFFFFEF7, lr;
	s5 =	simm.s32 $0xFFFFFFFF;
	p2 =	slt.u32 s8, $0xFFFFF086  }
0x1c: {  	p1 =	slt.u32 s9, $0xF7A;
	s5 =	simm.s32 @!p2 $0x0  }
0x1d: {  	s5 =	simm.s32 @p1 $0x1;
	p0 =	seq.s32 s7, s2  }
0x1e: {  	s7 =	smul.u32 @!p0 $0xF7A, s2;
	p2 =	seq.s32 @!p0 s5, $0x0  }
0x1f: {  	s9 =	smul.u32 $0xF7A, s1;
	s8 =	simm.s32 @!p0 $0x1BF5;
	p2 =	por !p2, p0  }
0x20: {  	[sflag:s8] =	ssyncset.s32 @!p0 $0xFFFFF086;
	s6 =	sadd.s32 @!p0 s3, s7;
	s7 =	simm.s32 @!p0 $0x108  }
0x21: {  	s3 =	sadd.s32 s3, s9;
	s6 =	sadd.s32 @!p0 $0x88, s6;
	s7 =	simm.s32 @p2 $0x1082  }
0x22: {  	[simem:s7], [sflag:s8] =	dma.local @!p0 [hbm:s6], $0xF7A  }
0x23: {  	s9 =	sor.u32 $0xD0000000, s2;
	s6 =	simm.s32 $0x108;
	_ =	swait.ge @!p0 [sflag:s8], $0x0  }
0x24: {  	s3 =	sadd.s32 $0x88, s3;
	s6 =	simm.s32 @!p1 $0x1082;
	[sflag:s4] =	ssyncset.s32 $0xFFFFF086  }
0x25: {  	[simem:s6], [sflag:s4] =	dma.local [hbm:s3], $0xF7A  }
0x26: {  	[smem:$0x3F97] =	sst s1;
	(tag) =	ssettag s2;
	_ =	strace s9  }
0x27: {  	s1 =	sld [smem:$0x3FA7]  }
0x28: {  	s2 =	sld [smem:$0x3FA8]  }
0x29: {  	s4 =	sld [smem:$0x3FAA]  }
0x2a: {  	p0 =	seq.s32 s5, $0x0;
	s5 =	sld [smem:$0x3FAB]  }
0x2b: {  	s6 =	sld [smem:$0x3FAC]  }
0x2c: {  	s7 =	sld [smem:$0x3FAD]  }
0x2d: {  	s3 =	simm.s32 $0x108;
	s8 =	sld [smem:$0x3FAE]  }
0x2e: {  	s3 =	simm.s32 @!p0 $0x1082;
	s9 =	sld [smem:$0x3FAF]  }
0x2f: {  	lr =	sadd.s32 s0, s3;
	s0 =	sld [smem:$0x3FA6]  }
0x30: {  	s3 =	sld [smem:$0x3FA9]  }
0x31: {  	[smem:$0x3FB2] =	sst s10  }
0x32: {  	s10 =	sld [smem:$0x3FB0];
	_ =	sdelay $0x3  }
0x33: {  	p0 =	seq.s32 s10, $0x1;
	s10 =	sld [smem:$0x3FB2];
	_ =	sdelay $0x3  }
0x34: {  	[smem:$0x3FB2] =	sst s10  }
0x35: {  	s10 =	sld [smem:$0x3FB1];
	_ =	sdelay $0x3  }
0x36: {  	p1 =	seq.s32 s10, $0x1;
	s10 =	sld [smem:$0x3FB2];
	_ =	sdelay $0x3  }
0x37: {  	[smem:$0x3FB2] =	sst s10  }
0x38: {  	s10 =	sld [smem:$0x3FB3]  }
0x39: {  	_ = 	snop;
	(pc) =	sbr.ind lr, $3  }
0x3a: {  	_ = 	snop  }
0x3b: {  	_ = 	snop  }
0x3c: {  	p2 =	seq.s32 s10, $0x1;
	s10 =	sld [smem:$0x3FB2]  }
0x3d: {  	_ =	shalt  }
0x3e: {  	_ =	shalt  }
0x3f: {  	_ =	shalt  }
0x40: {  	_ =	shalt  }
0x41: {  	_ =	shalt  }
0x42: {  	_ =	shalt  }
0x43: {  	_ =	shalt  }
0x44: {  	_ =	shalt  }
0x45: {  	_ =	shalt  }
0x46: {  	_ =	shalt  }
0x47: {  	_ =	shalt  }
0x48: {  	_ =	shalt  }
0x49: {  	_ =	shalt  }
0x4a: {  	_ =	shalt  }
0x4b: {  	_ =	shalt  }
0x4c: {  	_ =	shalt  }
0x4d: {  	_ =	shalt  }
0x4e: {  	_ =	shalt  }
0x4f: {  	_ =	shalt  }
0x50: {  	_ =	shalt  }
0x51: {  	_ =	shalt  }
0x52: {  	_ =	shalt  }
0x53: {  	_ =	shalt  }
0x54: {  	_ =	shalt  }
0x55: {  	_ =	shalt  }
0x56: {  	_ =	shalt  }
0x57: {  	_ =	shalt  }
0x58: {  	_ =	shalt  }
0x59: {  	_ =	shalt  }
0x5a: {  	_ =	shalt  }
0x5b: {  	_ =	shalt  }
0x5c: {  	_ =	shalt  }
0x5d: {  	_ =	shalt  }
0x5e: {  	_ =	shalt  }
0x5f: {  	_ =	shalt  }
0x60: {  	_ =	shalt  }
0x61: {  	_ =	shalt  }
0x62: {  	_ =	shalt  }
0x63: {  	_ =	shalt  }
0x64: {  	_ =	shalt  }
0x65: {  	_ =	shalt  }
0x66: {  	_ =	shalt  }
0x67: {  	_ =	shalt  }
0x68: {  	_ =	shalt  }
0x69: {  	_ =	shalt  }
0x6a: {  	_ =	shalt  }
0x6b: {  	_ =	shalt  }
0x6c: {  	_ =	shalt  }
0x6d: {  	_ =	shalt  }
0x6e: {  	_ =	shalt  }
0x6f: {  	_ =	shalt  }
0x70: {  	_ =	shalt  }
0x71: {  	_ =	shalt  }
0x72: {  	_ =	shalt  }
0x73: {  	_ =	shalt  }
0x74: {  	_ =	shalt  }
0x75: {  	_ =	shalt  }
0x76: {  	_ =	shalt  }
0x77: {  	_ =	shalt  }
0x78: {  	_ =	shalt  }
0x79: {  	_ =	shalt  }
0x7a: {  	_ =	shalt  }
0x7b: {  	_ =	shalt  }
0x7c: {  	_ =	shalt  }
0x7d: {  	_ =	shalt  }
0x7e: {  	_ =	shalt  }
0x7f: {  	_ =	shalt  }
0x80: {  	_ =	shalt  }
0x81: {  	_ =	shalt  }
0x82: {  	_ =	shalt  }
0x83: {  	_ =	shalt  }
0x84: {  	_ =	shalt  }
0x85: {  	_ =	shalt  }
0x86: {  	_ =	shalt  }
0x87: {  	_ =	shalt  }
.Lfunc_end0:
.L_simem_size_0:
called_computation_lowered:
.L_overlay_start_0:
0x88: {  	s2 =	sld [smem:$0x3FD9]  }
0x89: {  	s3 =	sld [smem:$0x3FFE];
	_ =	sdelay $0x1  }
0x8a: {  	s1 =	srdreg.scid  }
0x8b: {  	s0 =	sand.u32 $0x1, s1  }
0x8c: {  	s17 =	sshll.u32 s0, $0xA;
	s2 =	sadd.s32 s3, s2  }
0x8d: {  	s2 =	sadd.s32 s2, s17  }
0x8e: {  	[smem:$0x3FBE] =	sst s2  }
0x8f: {  	_ = 	snop  }
0x90: {  	s2 =	sld [smem:$0x3FD0];
	(tm) =	ssettm $0x1  }
0x91: {  	s18 =	sld [smem:$0x3FFB];
	_ =	sdelay $0x3  }
0x92: {  	_ =	strace s18  }
0x93: {  	s3 =	sld [smem:$0x3FFC];
	_ =	sdelay $0x3  }
0x94: {  	_ =	strace s3  }
0x95: {  	s3 =	sld [smem:$0x3FFD];
	_ =	sdelay $0x3  }
0x96: {  	_ =	strace s3  }
0x97: {  	_ =	strace $0x8FFFFFFF  }
0x98: {  	s19 =	sld [smem:$0x3FDB];
	_ =	sdelay $0x1  }
0x99: {  	s4 =	simm.s32 $_scs_section_size  }
0x9a: {  	s5 =	simm.s32 $_size__tile_overlayer_lowered;
	s6 =	simm.s32 $_tile_overlayer_lowered  }
0x9b: {  	s22 =	simm.s32 $0x1BFF;
	s21 =	sshll.u32 s6, $0x1;
	s3 =	sadd.s32 s4, s19  }
0x9c: {  	s7 =	simm.s32 $0x0;
	s20 =	sshll.u32 s5, $0x1;
	s5 =	sadd.s32 s21, s3  }
0x9d: {  	[timem:s7], [sflag:s22] =	dma.local [hbm:s5], s20  }
0x9e: {  	_ =	swait.ge [sflag:s22], s20  }
0x9f: {  	s4 =	ssub.s32 $0x0, s20;
	[sflag:s22] =	ssyncset.done $0x0  }
0xa0: {  	[sflag:s22] =	ssyncadd.s32 s4;
	_ =	sdelay $0x1  }
0xa1: {  	s23 =	simm.s32 $0x1B8B  }
0xa2: {  	_ =	swait.ge [sflag:s23], $0x1  }
0xa3: {  	[sflag:s23] =	ssyncset.done $0x0  }
0xa4: {  	s25 =	simm.s32 $0x1B8E;
	s24 =	sld [smem:$0x3FFE];
	[sflag:s23] =	ssyncadd.s32 $0xFFFFFFFF  }
0xa5: {  	s26 =	simm.s32 $execute0_lowered;
	[smem:$0x3FD2] =	sst s25  }
0xa6: {  	s5 =	sshll.u32 s26, $0x1;
	_ =	strace $0x80000046;
	[dreg:$0x1] =	wrdreg $0xFFFFFFFF  }
0xa7: {  	s28 =	simm.s32 $_size_execute0_lowered;
	s3 =	sadd.s32 s3, s5;
	[dreg:$0x0] =	wrdreg $0x0  }
0xa8: {  	s5 =	sshll.u32 s28, $0x1;
	[dreg:$0x2] =	wrdreg s3  }
0xa9: {  	[dreg:$0x3] =	wrdreg s5  }
0xaa: {  	[dreg:$0x4] =	wrdreg $0xC0  }
0xab: {  	_ =	task [dreg:s7], $0x5FFFF  }
0xac: {  	[dreg:$0x1] =	wrdreg $0xFFFFFFFF  }
0xad: {  	[dreg:$0x0] =	wrdreg $0x60  }
0xae: {  	[dreg:$0x2] =	wrdreg s24  }
0xaf: {  	[dreg:$0x3] =	wrdreg s2  }
0xb0: {  	[dreg:$0x4] =	wrdreg $0x9  }
0xb1: {  	_ =	task.clear_ibuf [dreg:s7], $0x5FFFF;
	_ =	strace $0x90000046  }
0xb2: {  	s29 =	simm.s32 $0x9;
	_ =	strace $0x80000048  }
0xb3: {  	_ =	swait.ge [sflag:s29], $0x1  }
0xb4: {  	[sflag:s29] =	ssyncadd.s32 $0xFFFFFFFF  }
0xb5: {  	_ =	strace $0x90000048  }
0xb6: {  	_ =	sfence  }
0xb7: {  	s30 =	sld [smem:$0x0];
	_ =	sdelay $0x2  }
0xb8: {  	s31 =	sshll.u32 s1, $0xD;
	s1 =	sshrl.u32 s1, $0x2  }
0xb9: {  	s3 =	sand.u32 $0x4000, s31;
	s1 =	sadd.s32 s1, s30  }
0xba: {  	s0 =	sor.u32 s3, s0;
	s1 =	sshll.u32 s1, $0x11  }
0xbb: {  	s0 =	sor.u32 s1, s0  }
0xbc: {  	s0 =	sadd.s32 $0x8F2B, s0  }
0xbd: {  	[sflag:s0] =	ssyncadd.remote.s32 $0x1  }
0xbe: {  	_ =	sfence.sel $0xFFFF  }
0xbf: {  	[dreg:$0x0] =	wrdreg $0xFFFFFFFF;
	(pc) =	sbr.abs _section_cstart, $3  }
0xc0: {  	[dreg:$0x1] =	wrdreg $0xFFFFFFFF  }
0xc1: {  	_ =	task.clear_ibuf [dreg:s7], $0x2FFFF;
	_ =	strace $0x9FFFFFFF  }
0xc2: {  	(tm) =	ssettm $0x7FFFFFFF  }
0xc3: {  	_ =	shalt  }
tec
execute0_lowered:
.L_overlay_start_1:
0x0: {  	(tag) =	ssettag $0x1  }
0x1: {  	s0 =	rddreg [dreg:$0x0]  }
0x2: {  	s2 =	rddreg [dreg:$0x1]  }
0x3: {  	s3 =	simm.s32 $0x0;
	s1 =	srdreg.scid;
	s4 =	stileid.u32  }
0x4: {  	s14 =	simm.s32 $0x100;
	s15 =	simm.s32 $0x1;
	s16 =	simm.s32 $0x40  }
0x5: {  	s20 =	simm.s32 $0x140;
	s21 =	simm.s32 $0x2A00;
	s22 =	simm.s32 $0x80  }
0x6: {  	s23 =	simm.s32 $0x180;
	s24 =	simm.s32 $0x2;
	s25 =	simm.s32 $0x3  }
0x7: {  	s26 =	simm.s32 $0x0;
	s1 =	sand.u32 $0x1, s1;
	s4 =	sshll.u32 s4, $0x1  }
0x8: {  	[smem:$0x7FF] =	sst s3;
	s5 =	sadd.s32 $0x16A00, s0;
	s8 =	sor.u32 s1, s4  }
0x9: {  	s6 =	sadd.s32 $0x2E00, s0;
	s7 =	sadd.s32 $0x20800, s0;
	s9 =	smul.u32 $0x2780, s8  }
.Ltmp0:
0xa: {  	_ =	strace $0x80000047;
	s30 =	ssub.s32 $0x2, s1;
	(pc) =	sbr.rel .LBB2_1-.Ltmp0, $4  }
0xb: {  	s4 =	sadd.s32 $0xCC00, s0;
	s1 =	sshrl.u32 s30, $0x1;
	s10 =	smul.u32 $0x4F0, s8  }
0xc: {  	s8 =	smul.u32 $0x4F, s8;
	s0 =	ssub.s32 s30, s1;
	s9 =	sshrl.u32 s9, $0x3  }
0xd: {  	s13 =	smax.u32 s0, $0x1;
	s31 =	sadd.s32 $0x10, s9;
	s9 =	sadd.s32 s6, s10  }
0xe: {  	v0 =	vimm.bf16 $0.0e+00;
	s10 =	sadd.s32 s2, s10;
	s11 =	sadd.s32 s6, s31;
	s12 =	sadd.s32 s2, s31  }
.LBB2_7:
0xf: {  	s26 =	sadd.s32 $0x1, s26  }
0x10: {  	_ =	swait.ge [sflag:s25], $0x2000;
	p0 =	sne.s32 s26, s13  }
.Ltmp1:
0x11: {  	[sflag:s25] =	ssyncset.done $0x0;
	(pc) =	sbr.rel @!p0 .LBB2_8-.Ltmp1, $4  }
0x12: {  	[sflag:s25] =	ssyncadd.s32 $0xFFFFE000  }
0x13: {  	_ =	swait.ge [sflag:s25], $0x2000  }
0x14: {  	[sflag:s25] =	ssyncset.done $0x0  }
0x15: {  	[sflag:s25] =	ssyncadd.s32 $0xFFFFE000  }
.LBB2_1:
0x16: {  	[tilespmem:s3], [sflag:$0x1] =	stream.linear.gather [hbm4b:s9+s3], $0x80, $0x38;
	[tilespmem:$0x8200] =	vst v63  }
0x17: {  	_ = 	snop  }
0x18: {  	[tilespmem:s14], [sflag:$0x1] =	stream.linear.gather [hbm4b:s10+s3], $0x80, $0x38;
	[tilespmem:$0x8200] =	vst v63  }
0x19: {  	_ =	swait.ge [sflag:s15], $0x80  }
0x1a: {  	[sflag:s15] =	ssyncset.done $0x0  }
0x1b: {  	[sflag:s15] =	ssyncadd.s32 $0xFFFFFF80  }
0x1c: {  	_ =	swait.ge [sflag:s15], $0x80  }
0x1d: {  	[sflag:s15] =	ssyncset.done $0x0  }
0x1e: {  	s0 =	simm.s32 $0x200;
	[sflag:s15] =	ssyncadd.s32 $0xFFFFFF80  }
0x1f: {  	[tilespmem:s0], [sflag:$0x2] =	stream.indirect.gather [hbm4b:s4+s16], $0x20, s3, s16, $0xb8;
	[tilespmem:$0x8200] =	vst v63  }
0x20: {  	s30 =	simm.s32 $0x2200  }
0x21: {  	[tilespmem:s30], [sflag:$0x2] =	stream.indirect.gather [hbm4b:s5+s16], $0x20, s14, s16, $0xb8;
	[tilespmem:$0x8200] =	vst v63  }
0x22: {  	s31 =	simm.s32 $0xA00  }
0x23: {  	[tilespmem:s31], [sflag:$0x2] =	stream.indirect.gather [hbm4b:s4+s16], $0x20, s16, s16, $0xb8;
	[tilespmem:$0x8200] =	vst v63  }
0x24: {  	_ = 	snop  }
0x25: {  	[tilespmem:s21], [sflag:$0x2] =	stream.indirect.gather [hbm4b:s5+s16], $0x20, s20, s16, $0xb8;
	[tilespmem:$0x8200] =	vst v63  }
.Ltmp2:
0x26: {  	_ = 	snop;
	(pc) =	sbr.rel .LBB2_2-.Ltmp2, $4  }
0x27: {  	_ = 	snop  }
0x28: {  	[tilespmem:s22], [sflag:$0x1] =	stream.linear.gather [hbm4b:s11+s3], $0x80, $0x38;
	[tilespmem:$0x8200] =	vst v63  }
0x29: {  	p0 =	por $0x0, $0x0;
	s28 =	simm.s32 $0x0  }
0x2a: {  	[tilespmem:s23], [sflag:$0x1] =	stream.linear.gather [hbm4b:s12+s3], $0x80, $0x38;
	[tilespmem:$0x8200] =	vst v63  }
.LBB2_6:
0x2b: {  	s28 =	sadd.s32 $0x1, s28  }
0x2c: {  	p1 =	sne.s32 s28, $0x4F  }
.Ltmp3:
0x2d: {  	_ = 	snop;
	(pc) =	sbr.rel @!p1 .LBB2_7-.Ltmp3, $2  }
0x2e: {  	_ =	sdelay $0x2  }
0x2f: {  	p0 =	por !p0, !p0  }
.LBB2_2:
0x30: {  	s29 =	sadd.s32 s8, s28  }
0x31: {  	p1 =	sgt.u32 s29, $0x9C3  }
.Ltmp4:
0x32: {  	_ = 	snop;
	(pc) =	sbr.rel @p1 .LBB2_6-.Ltmp4, $1  }
0x33: {  	_ =	sdelay $0x3  }
0x34: {  	_ =	swait.ge [sflag:s24], $0x800  }
0x35: {  	[sflag:s24] =	ssyncset.done $0x0  }
0x36: {  	[sflag:s24] =	ssyncadd.s32 $0xFFFFF800  }
0x37: {  	_ =	swait.ge [sflag:s24], $0x800  }
0x38: {  	[sflag:s24] =	ssyncset.done $0x0  }
0x39: {  	[sflag:s24] =	ssyncadd.s32 $0xFFFFF800  }
0x3a: {  	p1 =	sgt.u32 s28, $0x4C;
	_ =	swait.ge [sflag:s24], $0x800  }
0x3b: {  	p2 =	sgt.u32 @!p1 s29, $0x9C1;
	[sflag:s24] =	ssyncset.done $0x0  }
0x3c: {  	s1 =	sand.u32 $0x1, s28;
	p1 =	por p2, p1;
	[sflag:s24] =	ssyncadd.s32 $0xFFFFF800  }
0x3d: {  	p2 =	seq.s32 s28, $0x4E;
	s0 =	sshll.u32 @!p1 s29, $0x4;
	_ =	swait.ge [sflag:s24], $0x800  }
0x3e: {  	s17 =	sshll.u32 @!p1 s1, $0x7;
	s0 =	sadd.s32 @!p1 $0x20, s0;
	[sflag:s24] =	ssyncset.done $0x0  }
0x3f: {  	s31 =	simm.s32 @!p1 $0x0;
	s30 =	sadd.s32 @!p1 s6, s0;
	[sflag:s24] =	ssyncadd.s32 $0xFFFFF800  }
0x40: {  	[tilespmem:s17], [sflag:$0x1] =	stream.linear.gather @!p1 [hbm4b:s30+s31], $0x80, $0x38;
	[tilespmem:$0x8200] =	vst v63  }
0x41: {  	p3 =	seq.s32 @!p2 s29, $0x9C3;
	s0 =	sadd.s32 @!p1 s2, s0;
	s17 =	sor.u32 @!p1 $0x100, s17  }
0x42: {  	[tilespmem:s17], [sflag:$0x1] =	stream.linear.gather @!p1 [hbm4b:s0+s31], $0x80, $0x38;
	[tilespmem:$0x8200] =	vst v63  }
0x43: {  	p1 =	por p3, p2  }
0x44: {  	p4 =	seq.s32 @!p1 s28, $0x0  }
0x45: {  	p3 =	por @!p2 p4, p3  }
0x46: {  	p2 =	por p3, p2  }
0x47: {  	s0 =	simm.s32 @!p2 $0x3  }
0x48: {  	_ =	swait.ge @!p2 [sflag:s0], $0x2000  }
0x49: {  	[sflag:s0] =	ssyncset.done @!p2 $0x0  }
0x4a: {  	[sflag:s0] =	ssyncadd.s32 @!p2 $0xFFFFE000;
	s0 =	simm.s32 @!p1 $0x1  }
0x4b: {  	_ =	swait.ge @!p1 [sflag:s0], $0x80  }
0x4c: {  	[sflag:s0] =	ssyncset.done @!p1 $0x0  }
0x4d: {  	[sflag:s0] =	ssyncadd.s32 @!p1 $0xFFFFFF80  }
0x4e: {  	_ =	swait.ge @!p1 [sflag:s0], $0x80  }
0x4f: {  	s17 =	sxor.u32 @!p1 $0x1, s1;
	[sflag:s0] =	ssyncset.done @!p1 $0x0  }
0x50: {  	s30 =	simm.s32 $0x1;
	[sflag:s0] =	ssyncadd.s32 @!p1 $0xFFFFFF80;
	s0 =	sshll.u32 @!p1 s17, $0xC  }
0x51: {  	s18 =	simm.s32 @!p1 $0x40;
	s17 =	sshll.u32 @!p1 s17, $0x7;
	s31 =	sor.u32 @!p1 $0x200, s0  }
0x52: {  	[tilespmem:s31], [sflag:$0x2] =	stream.indirect.gather @!p1 [hbm4b:s4+s18], $0x20, s17, s18, $0xb8;
	[tilespmem:$0x8200] =	vst v63  }
0x53: {  	s30 =	simm.s32 @!p0 $0x0;
	s19 =	sor.u32 @!p1 $0x100, s17;
	s31 =	sor.u32 @!p1 $0x2200, s0  }
0x54: {  	[tilespmem:s31], [sflag:$0x2] =	stream.indirect.gather @!p1 [hbm4b:s5+s18], $0x20, s19, s18, $0xb8;
	[tilespmem:$0x8200] =	vst v63  }
0x55: {  	s19 =	sshll.u32 s30, $0xC;
	s30 =	sor.u32 @!p1 $0xA00, s0;
	s31 =	sor.u32 @!p1 $0x40, s17  }
0x56: {  	[tilespmem:s30], [sflag:$0x2] =	stream.indirect.gather @!p1 [hbm4b:s4+s18], $0x20, s31, s18, $0xb8;
	[tilespmem:$0x8200] =	vst v63  }
0x57: {  	s0 =	sor.u32 @!p1 $0x2A00, s0;
	s17 =	sor.u32 @!p1 $0x140, s17;
	s30 =	sor.u32 $0x2210, s19  }
0x58: {  	[tilespmem:s0], [sflag:$0x2] =	stream.indirect.gather @!p1 [hbm4b:s5+s18], $0x20, s17, s18, $0xb8;
	[tilespmem:$0x8200] =	vst v63  }
0x59: {  	s0 =	sor.u32 $0x210, s19;
	v1 =	vld [tilespmem:s30+$0xFFFFFFF0]  }
0x5a: {  	v2 =	vld [tilespmem:s0+$0xFFFFFFF0];
	_ =	sdelay $0x4  }
0x5b: {  	s1 =	sshll.u32 s1, $0xD;
	s18 =	simm.s32 $0x0;
	v1 =	vadd.bf16 v1, v2  }
0x5c: {  	s31 =	sor.u32 $0x4200, s1;
	s19 =	sand.u32 $0x1F80, s18  }
0x5d: {  	s17 =	sand.u32 $0x40, s18;
	s1 =	sadd.s32 s19, s31;
	v1 =	vmax.bf16 v1, v0  }
0x5e: {  	s17 =	sadd.s32 s17, s1;
	v2 =	vshll.u32 v1, $0x10  }
0x5f: {  	v1 =	vand.u32 $0xFFFF0000, v1;
	[tilespmem:s17+$0x0] =	vst v2  }
0x60: {  	[tilespmem:s17+$0x10] =	vst v1  }
0x61: {  	v1 =	vld [tilespmem:s0+$0x0]  }
0x62: {  	v2 =	vld [tilespmem:s30+$0x0];
	_ =	sdelay $0x4  }
0x63: {  	s1 =	simm.s32 $0x40;
	v1 =	vadd.bf16 v2, v1  }
.LBB2_4:
0x64: {  	_ = 	snop  }
0x65: {  	p1 =	sne.s32 s1, $0x1FC0;
	s0 =	sadd.s32 $0x20, s0;
	s30 =	sadd.s32 $0x20, s30;
	v1 =	vmax.bf16 v1, v0  }
0x66: {  	s18 =	smov.u32 s1;
	s1 =	sadd.s32 $0x40, s1;
	v2 =	vshll.u32 v1, $0x10;
	v1 =	vand.u32 $0xFFFF0000, v1  }
0x67: {  	[tilespmem:s17+$0x20] =	vst v2  }
0x68: {  	[tilespmem:s17+$0x30] =	vst v1  }
0x69: {  	v1 =	vld [tilespmem:s30+$0xFFFFFFF0]  }
0x6a: {  	v2 =	vld [tilespmem:s0+$0xFFFFFFF0];
	_ =	sdelay $0x4  }
0x6b: {  	v1 =	vadd.bf16 v1, v2  }
0x6c: {  	s17 =	sand.u32 $0x1F80, s18  }
0x6d: {  	s18 =	sand.u32 $0x40, s18;
	s17 =	sadd.s32 s17, s31;
	v1 =	vmax.bf16 v1, v0  }
0x6e: {  	s17 =	sadd.s32 s18, s17;
	v2 =	vshll.u32 v1, $0x10;
	v1 =	vand.u32 $0xFFFF0000, v1  }
0x6f: {  	[tilespmem:s17+$0x0] =	vst v2  }
0x70: {  	[tilespmem:s17+$0x10] =	vst v1  }
0x71: {  	v1 =	vld [tilespmem:s0+$0x0]  }
0x72: {  	v2 =	vld [tilespmem:s30+$0x0]  }
.Ltmp5:
0x73: {  	(pc) =	sbr.rel @p1 .LBB2_4-.Ltmp5, $2  }
0x74: {  	_ =	sdelay $0x2  }
0x75: {  	v1 =	vadd.bf16 v2, v1  }
0x76: {  	_ = 	snop  }
.Ltmp6:
0x77: {  	v1 =	vmax.bf16 v1, v0;
	(pc) =	sbr.rel .LBB2_6-.Ltmp6, $4  }
0x78: {  	v2 =	vshll.u32 v1, $0x10  }
0x79: {  	s0 =	sshll.u32 s29, $0xA;
	v1 =	vand.u32 $0xFFFF0000, v1;
	[tilespmem:s17+$0x20] =	vst v2  }
0x7a: {  	s0 =	sadd.s32 s7, s0;
	[tilespmem:s17+$0x30] =	vst v1  }
0x7b: {  	[hbm4b:s0+s3] =	stream.linear.scatter [tilespmem:s31], [sflag:$0x3], $0x2000, $0x38;
	[tilespmem:$0x8200] =	vst v63  }
.LBB2_8:
0x7c: {  	_ =	sfence.sel $0x180000  }
0x7d: {  	[bflag:$0x0] =	sbarrier.arrive $0xFFFF  }
0x7e: {  	_ =	strace $0x90000047  }
0x7f: {  	s0 =	stileid.u32;
	[bflag:$0x2] =	sbarrier.arrive $0xFFFF  }
0x80: {  	p0 =	sne.s32 s0, $0x0;
	s0 =	rddreg [dreg:$0x2]  }
0x81: {  	s0 =	sadd.s32 @!p0 $0x100000, s0  }
0x82: {  	[sflag:s0] =	ssyncadd.tile.s32 @!p0 $0x1;
	_ =	shalt  }
.Lfunc_end2:
_tile_overlayer_lowered:
.L_overlay_start_2:
0x83: {  	(tag) =	ssettag $0x2  }
0x84: {  	s0 =	rddreg [dreg:$0x0];
	s2 =	stileid.u32  }
0x85: {  	s1 =	rddreg [dreg:$0x1];
	p0 =	sne.s32 s2, $0x0  }
0x86: {  	s3 =	rddreg [dreg:$0x2];
	[bflag:$0x3] =	sbarrier.arrive $0xFFFF;
	s2 =	simm.s32 @!p0 $0x1C04  }
0x87: {  	[timem:s3], [sflag:s2] =	dma.local @!p0 [hbm:s0], s1  }
0x88: {  	s0 =	simm.s32 @!p0 $0x4  }
0x89: {  	_ =	swait.ge @!p0 [sflag:s0], s1  }
0x8a: {  	s1 =	ssub.s32 @!p0 $0x0, s1;
	[sflag:s0] =	ssyncset.done @!p0 $0x0  }
0x8b: {  	[sflag:s0] =	ssyncadd.s32 @!p0 s1  }
0x8c: {  	[bflag:$0x3] =	sbarrier.arrive $0xFFFF  }
0x8d: {  	_ =	shalt  }

// kernel: kernel.14.cloned.1.call-start
scs
__scs_entry_jumppad:
0x0: {  	(pc) =	sbr.rel $0x88, $3  }
0x1: {  	(tag) =	ssettag $0x0;
	lr =	simm.s32 $0x1  }
0x2: {  	[smem:$0x3F97] =	sst lr;
	_ =	strace $0xD0000000  }
0x3: {  	_ = 	snop  }
0x4: {  	_ = 	snop  }
0x5: {  	_ = 	snop  }
0x6: {  	_ = 	snop  }
0x7: {  	_ = 	snop  }
__scs_overlays_trampoline_lowered:
0x8: {  	[smem:$0x3FA6] =	sst s0  }
0x9: {  	[smem:$0x3FA7] =	sst s1  }
0xa: {  	[smem:$0x3FA8] =	sst s2  }
0xb: {  	[smem:$0x3FA9] =	sst s3  }
0xc: {  	[smem:$0x3FAA] =	sst s4  }
0xd: {  	[smem:$0x3FAB] =	sst s5  }
0xe: {  	[smem:$0x3FAC] =	sst s6  }
0xf: {  	[smem:$0x3FAD] =	sst s7  }
0x10: {  	[smem:$0x3FAE] =	sst s8  }
0x11: {  	[smem:$0x3FAF] =	sst s9;
	s0 =	simm.s32 @!p0 $0x0  }
0x12: {  	s1 =	sld [smem:$0x3F95];
	s0 =	simm.s32 @p0 $0x1  }
0x13: {  	[smem:$0x3FB0] =	sst s0;
	s0 =	simm.s32 @!p1 $0x0  }
0x14: {  	s2 =	sld [smem:$0x3F94];
	s0 =	simm.s32 @p1 $0x1  }
0x15: {  	[smem:$0x3FB1] =	sst s0;
	s0 =	simm.s32 @!p2 $0x0  }
0x16: {  	s3 =	sld [smem:$0x3FDB];
	s0 =	simm.s32 @p2 $0x1  }
0x17: {  	s4 =	simm.s32 $0x1BF5;
	[smem:$0x3FB3] =	sst s0  }
0x18: {  	s0 =	sld [smem:$0x3F96];
	_ =	swait.ge [sflag:s4], $0x0  }
0x19: {  	s7 =	sld [smem:$0x3F97]  }
0x1a: {  	s8 =	sadd.s32 $0xFFFFE003, lr  }
0x1b: {  	s9 =	sadd.s32 $0xFFFFFEF7, lr;
	s5 =	simm.s32 $0xFFFFFFFF;
	p2 =	slt.u32 s8, $0xFFFFF086  }
0x1c: {  	p1 =	slt.u32 s9, $0xF7A;
	s5 =	simm.s32 @!p2 $0x0  }
0x1d: {  	s5 =	simm.s32 @p1 $0x1;
	p0 =	seq.s32 s7, s2  }
0x1e: {  	s7 =	smul.u32 @!p0 $0xF7A, s2;
	p2 =	seq.s32 @!p0 s5, $0x0  }
0x1f: {  	s9 =	smul.u32 $0xF7A, s1;
	s8 =	simm.s32 @!p0 $0x1BF5;
	p2 =	por !p2, p0  }
0x20: {  	[sflag:s8] =	ssyncset.s32 @!p0 $0xFFFFF086;
	s6 =	sadd.s32 @!p0 s3, s7;
	s7 =	simm.s32 @!p0 $0x108  }
0x21: {  	s3 =	sadd.s32 s3, s9;
	s6 =	sadd.s32 @!p0 $0x88, s6;
	s7 =	simm.s32 @p2 $0x1082  }
0x22: {  	[simem:s7], [sflag:s8] =	dma.local @!p0 [hbm:s6], $0xF7A  }
0x23: {  	s9 =	sor.u32 $0xD0000000, s2;
	s6 =	simm.s32 $0x108;
	_ =	swait.ge @!p0 [sflag:s8], $0x0  }
0x24: {  	s3 =	sadd.s32 $0x88, s3;
	s6 =	simm.s32 @!p1 $0x1082;
	[sflag:s4] =	ssyncset.s32 $0xFFFFF086  }
0x25: {  	[simem:s6], [sflag:s4] =	dma.local [hbm:s3], $0xF7A  }
0x26: {  	[smem:$0x3F97] =	sst s1;
	(tag) =	ssettag s2;
	_ =	strace s9  }
0x27: {  	s1 =	sld [smem:$0x3FA7]  }
0x28: {  	s2 =	sld [smem:$0x3FA8]  }
0x29: {  	s4 =	sld [smem:$0x3FAA]  }
0x2a: {  	p0 =	seq.s32 s5, $0x0;
	s5 =	sld [smem:$0x3FAB]  }
0x2b: {  	s6 =	sld [smem:$0x3FAC]  }
0x2c: {  	s7 =	sld [smem:$0x3FAD]  }
0x2d: {  	s3 =	simm.s32 $0x108;
	s8 =	sld [smem:$0x3FAE]  }
0x2e: {  	s3 =	simm.s32 @!p0 $0x1082;
	s9 =	sld [smem:$0x3FAF]  }
0x2f: {  	lr =	sadd.s32 s0, s3;
	s0 =	sld [smem:$0x3FA6]  }
0x30: {  	s3 =	sld [smem:$0x3FA9]  }
0x31: {  	[smem:$0x3FB2] =	sst s10  }
0x32: {  	s10 =	sld [smem:$0x3FB0];
	_ =	sdelay $0x3  }
0x33: {  	p0 =	seq.s32 s10, $0x1;
	s10 =	sld [smem:$0x3FB2];
	_ =	sdelay $0x3  }
0x34: {  	[smem:$0x3FB2] =	sst s10  }
0x35: {  	s10 =	sld [smem:$0x3FB1];
	_ =	sdelay $0x3  }
0x36: {  	p1 =	seq.s32 s10, $0x1;
	s10 =	sld [smem:$0x3FB2];
	_ =	sdelay $0x3  }
0x37: {  	[smem:$0x3FB2] =	sst s10  }
0x38: {  	s10 =	sld [smem:$0x3FB3]  }
0x39: {  	_ = 	snop;
	(pc) =	sbr.ind lr, $3  }
0x3a: {  	_ = 	snop  }
0x3b: {  	_ = 	snop  }
0x3c: {  	p2 =	seq.s32 s10, $0x1;
	s10 =	sld [smem:$0x3FB2]  }
0x3d: {  	_ =	shalt  }
0x3e: {  	_ =	shalt  }
0x3f: {  	_ =	shalt  }
0x40: {  	_ =	shalt  }
0x41: {  	_ =	shalt  }
0x42: {  	_ =	shalt  }
0x43: {  	_ =	shalt  }
0x44: {  	_ =	shalt  }
0x45: {  	_ =	shalt  }
0x46: {  	_ =	shalt  }
0x47: {  	_ =	shalt  }
0x48: {  	_ =	shalt  }
0x49: {  	_ =	shalt  }
0x4a: {  	_ =	shalt  }
0x4b: {  	_ =	shalt  }
0x4c: {  	_ =	shalt  }
0x4d: {  	_ =	shalt  }
0x4e: {  	_ =	shalt  }
0x4f: {  	_ =	shalt  }
0x50: {  	_ =	shalt  }
0x51: {  	_ =	shalt  }
0x52: {  	_ =	shalt  }
0x53: {  	_ =	shalt  }
0x54: {  	_ =	shalt  }
0x55: {  	_ =	shalt  }
0x56: {  	_ =	shalt  }
0x57: {  	_ =	shalt  }
0x58: {  	_ =	shalt  }
0x59: {  	_ =	shalt  }
0x5a: {  	_ =	shalt  }
0x5b: {  	_ =	shalt  }
0x5c: {  	_ =	shalt  }
0x5d: {  	_ =	shalt  }
0x5e: {  	_ =	shalt  }
0x5f: {  	_ =	shalt  }
0x60: {  	_ =	shalt  }
0x61: {  	_ =	shalt  }
0x62: {  	_ =	shalt  }
0x63: {  	_ =	shalt  }
0x64: {  	_ =	shalt  }
0x65: {  	_ =	shalt  }
0x66: {  	_ =	shalt  }
0x67: {  	_ =	shalt  }
0x68: {  	_ =	shalt  }
0x69: {  	_ =	shalt  }
0x6a: {  	_ =	shalt  }
0x6b: {  	_ =	shalt  }
0x6c: {  	_ =	shalt  }
0x6d: {  	_ =	shalt  }
0x6e: {  	_ =	shalt  }
0x6f: {  	_ =	shalt  }
0x70: {  	_ =	shalt  }
0x71: {  	_ =	shalt  }
0x72: {  	_ =	shalt  }
0x73: {  	_ =	shalt  }
0x74: {  	_ =	shalt  }
0x75: {  	_ =	shalt  }
0x76: {  	_ =	shalt  }
0x77: {  	_ =	shalt  }
0x78: {  	_ =	shalt  }
0x79: {  	_ =	shalt  }
0x7a: {  	_ =	shalt  }
0x7b: {  	_ =	shalt  }
0x7c: {  	_ =	shalt  }
0x7d: {  	_ =	shalt  }
0x7e: {  	_ =	shalt  }
0x7f: {  	_ =	shalt  }
0x80: {  	_ =	shalt  }
0x81: {  	_ =	shalt  }
0x82: {  	_ =	shalt  }
0x83: {  	_ =	shalt  }
0x84: {  	_ =	shalt  }
0x85: {  	_ =	shalt  }
0x86: {  	_ =	shalt  }
0x87: {  	_ =	shalt  }
.Lfunc_end0:
.L_simem_size_0:
called_computation.1_lowered:
.L_overlay_start_0:
0x88: {  	s2 =	sld [smem:$0x3FD9]  }
0x89: {  	s3 =	sld [smem:$0x3FFE];
	_ =	sdelay $0x1  }
0x8a: {  	s1 =	srdreg.scid  }
0x8b: {  	s0 =	sand.u32 $0x1, s1  }
0x8c: {  	s16 =	sshll.u32 s0, $0xA;
	s2 =	sadd.s32 s3, s2  }
0x8d: {  	s2 =	sadd.s32 s2, s16  }
0x8e: {  	[smem:$0x3FBE] =	sst s2  }
0x8f: {  	_ = 	snop  }
0x90: {  	(tm) =	ssettm $0x1  }
0x91: {  	s17 =	sld [smem:$0x3FFB];
	_ =	sdelay $0x3  }
0x92: {  	_ =	strace s17  }
0x93: {  	s2 =	sld [smem:$0x3FFC];
	_ =	sdelay $0x3  }
0x94: {  	_ =	strace s2  }
0x95: {  	s2 =	sld [smem:$0x3FFD];
	_ =	sdelay $0x3  }
0x96: {  	_ =	strace s2  }
0x97: {  	_ =	strace $0x8FFFFFFF  }
0x98: {  	s18 =	sld [smem:$0x3FDB];
	_ =	sdelay $0x1  }
0x99: {  	s19 =	simm.s32 $_scs_section_size  }
0x9a: {  	s4 =	simm.s32 $_size__tile_overlayer_lowered;
	s5 =	simm.s32 $_tile_overlayer_lowered  }
0x9b: {  	s22 =	simm.s32 $0x1BFF;
	s21 =	sshll.u32 s5, $0x1;
	s2 =	sadd.s32 s19, s18  }
0x9c: {  	s6 =	simm.s32 $0x0;
	s20 =	sshll.u32 s4, $0x1;
	s4 =	sadd.s32 s21, s2  }
0x9d: {  	[timem:s6], [sflag:s22] =	dma.local [hbm:s4], s20  }
0x9e: {  	_ =	swait.ge [sflag:s22], s20  }
0x9f: {  	s3 =	ssub.s32 $0x0, s20;
	[sflag:s22] =	ssyncset.done $0x0  }
0xa0: {  	[sflag:s22] =	ssyncadd.s32 s3;
	_ =	sdelay $0x1  }
0xa1: {  	s23 =	simm.s32 $0x1B8B  }
0xa2: {  	_ =	swait.ge [sflag:s23], $0x1  }
0xa3: {  	[sflag:s23] =	ssyncset.done $0x0  }
0xa4: {  	s25 =	simm.s32 $0x1B8E;
	s24 =	sld [smem:$0x3FFE];
	[sflag:s23] =	ssyncadd.s32 $0xFFFFFFFF  }
0xa5: {  	s26 =	simm.s32 $execute0_lowered;
	[smem:$0x3FD2] =	sst s25  }
0xa6: {  	s4 =	sshll.u32 s26, $0x1;
	_ =	strace $0x80000049;
	[dreg:$0x1] =	wrdreg $0xFFFFFFFF  }
0xa7: {  	s28 =	simm.s32 $_size_execute0_lowered;
	s2 =	sadd.s32 s2, s4;
	[dreg:$0x0] =	wrdreg $0x0  }
0xa8: {  	s4 =	sshll.u32 s28, $0x1;
	[dreg:$0x2] =	wrdreg s2  }
0xa9: {  	[dreg:$0x3] =	wrdreg s4  }
0xaa: {  	[dreg:$0x4] =	wrdreg $0xC0  }
0xab: {  	_ =	task [dreg:s6], $0x5FFFF  }
0xac: {  	[dreg:$0x1] =	wrdreg $0xFFFFFFFF  }
0xad: {  	[dreg:$0x0] =	wrdreg $0x60  }
0xae: {  	[dreg:$0x2] =	wrdreg s24  }
0xaf: {  	[dreg:$0x3] =	wrdreg $0x81000  }
0xb0: {  	[dreg:$0x4] =	wrdreg $0x1C1800  }
0xb1: {  	[dreg:$0x5] =	wrdreg $0x9  }
0xb2: {  	_ =	task.clear_ibuf [dreg:s6], $0x6FFFF;
	_ =	strace $0x90000049  }
0xb3: {  	s29 =	simm.s32 $0x9;
	_ =	strace $0x8000004B  }
0xb4: {  	_ =	swait.ge [sflag:s29], $0x1  }
0xb5: {  	[sflag:s29] =	ssyncadd.s32 $0xFFFFFFFF  }
0xb6: {  	_ =	strace $0x9000004B  }
0xb7: {  	_ =	sfence  }
0xb8: {  	s30 =	sld [smem:$0x0];
	_ =	sdelay $0x2  }
0xb9: {  	s31 =	sshll.u32 s1, $0xD;
	s1 =	sshrl.u32 s1, $0x2  }
0xba: {  	s3 =	sand.u32 $0x4000, s31;
	s1 =	sadd.s32 s1, s30  }
0xbb: {  	s0 =	sor.u32 s3, s0;
	s1 =	sshll.u32 s1, $0x11  }
0xbc: {  	s0 =	sor.u32 s1, s0  }
0xbd: {  	s0 =	sadd.s32 $0x8F2B, s0  }
0xbe: {  	[sflag:s0] =	ssyncadd.remote.s32 $0x1  }
0xbf: {  	_ =	sfence.sel $0xFFFF  }
0xc0: {  	[dreg:$0x0] =	wrdreg $0xFFFFFFFF;
	(pc) =	sbr.abs _section_cstart, $3  }
0xc1: {  	[dreg:$0x1] =	wrdreg $0xFFFFFFFF  }
0xc2: {  	_ =	task.clear_ibuf [dreg:s6], $0x2FFFF;
	_ =	strace $0x9FFFFFFF  }
0xc3: {  	(tm) =	ssettm $0x7FFFFFFF  }
tec
execute0_lowered:
.L_overlay_start_1:
0x0: {  	(tag) =	ssettag $0x1  }
0x1: {  	s14 =	stileid.u32  }
0x2: {  	s5 =	smul.u32 $0x4F, s14  }
0x3: {  	s0 =	rddreg [dreg:$0x0];
	s9 =	smul.u32 $0x13880, s14  }
0x4: {  	s1 =	srdreg.scid;
	s10 =	smul.u32 $0x2710, s14  }
0x5: {  	s2 =	rddreg [dreg:$0x1];
	s1 =	sand.u32 $0x1, s1;
	s20 =	smul.u32 $0x271, s14  }
0x6: {  	s3 =	rddreg [dreg:$0x2];
	s4 =	simm.s32 $0x0;
	s8 =	smul.u32 $0x4E2, s1  }
0x7: {  	s28 =	simm.s32 $0x3;
	[smem:$0x7FF] =	sst s4;
	s7 =	smul.u32 $0x138800, s1  }
0x8: {  	s22 =	sshll.u32 s14, $0x6;
	s11 =	smul.u32 $0x27100, s1;
	s1 =	ssub.s32 $0x2, s1  }
0x9: {  	_ =	strace $0x8000004A;
	s19 =	sshrl.u32 s1, $0x1;
	s23 =	sadd.s32 $0x7D, s20  }
0xa: {  	s25 =	sadd.s32 $0xFA, s20;
	s30 =	sadd.s32 $0x177, s20;
	s5 =	sadd.s32 s5, s8  }
0xb: {  	s12 =	sadd.s32 s9, s7;
	s7 =	sadd.s32 $0xCC00, s0;
	s11 =	sadd.s32 s10, s11  }
0xc: {  	s1 =	ssub.s32 s1, s19;
	s9 =	sadd.s32 s9, s2;
	s10 =	sadd.s32 s10, s3  }
0xd: {  	s24 =	sshll.u32 s23, $0x7;
	s26 =	sshll.u32 s25, $0x7;
	s29 =	sshll.u32 s25, $0x4  }
0xe: {  	s31 =	sshll.u32 s30, $0x7;
	s14 =	sshll.u32 s30, $0x4;
	s6 =	sshll.u32 s5, $0xB  }
0xf: {  	s17 =	sshll.u32 s5, $0x4;
	s12 =	sshrl.u32 s12, $0x3;
	[dreg:$0x4] =	wrdreg s9  }
0x10: {  	s11 =	sshrl.u32 s11, $0x3;
	s9 =	sor.u32 $0x1C03, s22;
	[dreg:$0x5] =	wrdreg s10  }
0x11: {  	s10 =	sshll.u32 s23, $0x4;
	s19 =	sadd.s32 s24, s2;
	s21 =	sadd.s32 s26, s2  }
0x12: {  	s22 =	sadd.s32 s29, s3;
	s23 =	sadd.s32 s31, s2;
	s24 =	sadd.s32 s14, s3  }
0x13: {  	s31 =	smax.u32 s1, $0x1;
	s18 =	sadd.s32 s6, s0;
	s16 =	sadd.s32 s17, s0  }
0x14: {  	s6 =	sadd.s32 $0xCE00, s0;
	s13 =	sadd.s32 s12, s0;
	s0 =	sadd.s32 s11, s0  }
0x15: {  	s10 =	sadd.s32 s10, s3;
	s12 =	sadd.s32 $0x1F4, s20;
	s11 =	sadd.s32 $0x4E2, s8  }
0x16: {  	s20 =	sadd.s32 $0x4E, s5;
	[dreg:$0x9] =	wrdreg s31;
	s19 =	sshrl.u32 s19, $0x3  }
0x17: {  	s21 =	sshrl.u32 s21, $0x3;
	s22 =	sshrl.u32 s22, $0x3;
	s23 =	sshrl.u32 s23, $0x3  }
0x18: {  	s24 =	sshrl.u32 s24, $0x3;
	s15 =	sshll.u32 s12, $0x7;
	s17 =	sshll.u32 s12, $0x4  }
0x19: {  	p0 =	sge.u32 s20, s11;
	s29 =	sadd.s32 $0x2E00, s16;
	s30 =	sadd.s32 $0x17400, s13  }
0x1a: {  	s0 =	sadd.s32 $0xD600, s0;
	s16 =	sadd.s32 $0x2E10, s16;
	[dreg:$0x6] =	wrdreg s29  }
0x1b: {  	s20 =	sshrl.u32 s10, $0x3;
	s25 =	sadd.s32 s15, s2;
	[dreg:$0x7] =	wrdreg s30  }
0x1c: {  	v0 =	vimm.f32 $0.0e+00;
	vm0 =	vcmask $0x300;
	s26 =	sadd.s32 s17, s3;
	[dreg:$0x8] =	wrdreg s0;
	s17 =	sadd.s32 $0x291A00, s18  }
0x1d: {  	v0 =	vsel vm0, $0x3F800000, v0;
	s18 =	sadd.s32 $0x292200, s18;
	s25 =	sshrl.u32 s25, $0x3;
	s26 =	sshrl.u32 s26, $0x3  }
.LBB2_1:
0x1e: {  	s0 =	simm.s32 $0x40;
	s1 =	simm.s32 $0x0  }
.LBB2_2:
0x1f: {  	p1 =	sne.s32 s0, $0x1FC0;
	[tilespmem:s1+$0x1B980] =	vst v0;
	s1 =	smov.u32 s0;
	s0 =	sadd.s32 $0x40, s0  }
.Ltmp0:
0x20: {  	(pc) =	sbr.rel @p1 .LBB2_2-.Ltmp0, $2  }
0x21: {  	_ =	sdelay $0x2  }
0x22: {  	s1 =	sshra.s32 s1, $0x2  }
0x23: {  	s0 =	rddreg [dreg:$0x4]  }
0x24: {  	[tilespmem:s1+$0x1B980] =	vst v0;
	s30 =	sshrl.u32 s0, $0x3  }
0x25: {  	[spmem:s30], [sflag:s9] =	dma.local [hbm:s6], $0x7D0  }
0x26: {  	_ =	swait.ge [sflag:s28], $0x7D0  }
0x27: {  	[sflag:s28] =	ssyncset.done $0x0;
	s8 =	rddreg [dreg:$0x5]  }
0x28: {  	[sflag:s28] =	ssyncadd.s32 $0xFFFFF830;
	s31 =	sshrl.u32 s8, $0x3  }
0x29: {  	[spmem:s31], [sflag:s9] =	dma.local [hbm:s7], $0xFA  }
0x2a: {  	_ =	swait.ge [sflag:s28], $0xFA  }
0x2b: {  	[sflag:s28] =	ssyncset.done $0x0  }
0x2c: {  	[sflag:s28] =	ssyncadd.s32 $0xFFFFFF06  }
0x2d: {  	[spmem:s19], [sflag:s9] =	dma.local [hbm:s6], $0x7D0  }
0x2e: {  	_ =	swait.ge [sflag:s28], $0x7D0  }
0x2f: {  	[sflag:s28] =	ssyncset.done $0x0  }
0x30: {  	[sflag:s28] =	ssyncadd.s32 $0xFFFFF830  }
0x31: {  	[spmem:s20], [sflag:s9] =	dma.local [hbm:s7], $0xFA  }
0x32: {  	_ =	swait.ge [sflag:s28], $0xFA  }
0x33: {  	[sflag:s28] =	ssyncset.done $0x0  }
0x34: {  	[sflag:s28] =	ssyncadd.s32 $0xFFFFFF06  }
0x35: {  	[spmem:s21], [sflag:s9] =	dma.local [hbm:s6], $0x7D0  }
0x36: {  	_ =	swait.ge [sflag:s28], $0x7D0  }
0x37: {  	[sflag:s28] =	ssyncset.done $0x0  }
0x38: {  	[sflag:s28] =	ssyncadd.s32 $0xFFFFF830  }
0x39: {  	[spmem:s22], [sflag:s9] =	dma.local [hbm:s7], $0xFA  }
0x3a: {  	_ =	swait.ge [sflag:s28], $0xFA  }
0x3b: {  	[sflag:s28] =	ssyncset.done $0x0  }
0x3c: {  	[sflag:s28] =	ssyncadd.s32 $0xFFFFFF06  }
0x3d: {  	[spmem:s23], [sflag:s9] =	dma.local [hbm:s6], $0x7D0  }
0x3e: {  	_ =	swait.ge [sflag:s28], $0x7D0  }
0x3f: {  	[sflag:s28] =	ssyncset.done $0x0  }
0x40: {  	[sflag:s28] =	ssyncadd.s32 $0xFFFFF830  }
0x41: {  	[spmem:s24], [sflag:s9] =	dma.local [hbm:s7], $0xFA  }
0x42: {  	_ =	swait.ge [sflag:s28], $0xFA  }
0x43: {  	[sflag:s28] =	ssyncset.done $0x0  }
0x44: {  	[sflag:s28] =	ssyncadd.s32 $0xFFFFFF06  }
0x45: {  	[spmem:s25], [sflag:s9] =	dma.local [hbm:s6], $0x7D0  }
0x46: {  	_ =	swait.ge [sflag:s28], $0x7D0  }
0x47: {  	[sflag:s28] =	ssyncset.done $0x0  }
0x48: {  	[sflag:s28] =	ssyncadd.s32 $0xFFFFF830  }
0x49: {  	[spmem:s26], [sflag:s9] =	dma.local [hbm:s7], $0xFA  }
0x4a: {  	_ =	swait.ge [sflag:s28], $0xFA  }
0x4b: {  	[sflag:s28] =	ssyncset.done $0x0  }
0x4c: {  	[sflag:s28] =	ssyncadd.s32 $0xFFFFFF06  }
0x4d: {  	s14 =	sadd.s32 $0x0, s5;
	[bflag:$0x0] =	sbarrier.arrive $0xFFFF  }
0x4e: {  	s10 =	simm.s32 $0x0;
	p1 =	sge.u32 s14, s11;
	s12 =	rddreg [dreg:$0x6]  }
0x4f: {  	[tilespmem:s10], [sflag:$0x1] =	stream.linear.gather [hbm4b:s12+s10], $0x80, $0x38;
	[tilespmem:$0x1E890] =	vst v63  }
0x50: {  	s13 =	simm.s32 $0x100;
	s1 =	simm.s32 @!p1 $0x1;
	p1 =	por p1, p1  }
0x51: {  	[tilespmem:s13], [sflag:$0x2] =	stream.linear.gather [hbm4b:s17+s10], $0x4000, $0x38;
	[tilespmem:$0x1E890] =	vst v63  }
0x52: {  	s8 =	sadd.s32 @!p1 $0x0, s5;
	_ =	swait.ge @!p1 [sflag:s1], $0x80  }
0x53: {  	s8 =	sadd.s32 @!p1 $0x1, s8;
	[sflag:s1] =	ssyncset.done @!p1 $0x0  }
0x54: {  	p2 =	sge.u32 @!p1 s8, s11;
	[sflag:s1] =	ssyncadd.s32 @!p1 $0xFFFFFF80;
	s1 =	simm.s32 @!p1 $0x2  }
0x55: {  	s0 =	sand.u32 $0x1, s10;
	p2 =	por p2, p1;
	_ =	swait.ge @!p1 [sflag:s1], $0x4000  }
0x56: {  	s8 =	sxor.u32 @!p2 $0x1, s0;
	s10 =	simm.s32 @!p2 $0x0;
	[sflag:s1] =	ssyncset.done @!p1 $0x0  }
0x57: {  	[sflag:s1] =	ssyncadd.s32 @!p1 $0xFFFFC000;
	s1 =	sshll.u32 @!p2 s8, $0x7;
	s8 =	sshll.u32 @!p2 s8, $0xE  }
0x58: {  	[tilespmem:s1], [sflag:$0x1] =	stream.linear.gather @!p2 [hbm4b:s16+s10], $0x80, $0x38;
	[tilespmem:$0x1E890] =	vst v63  }
0x59: {  	s29 =	simm.s32 @!p1 $0x4;
	s1 =	sshll.u32 @!p1 s0, $0xE;
	s8 =	sor.u32 @!p2 $0x100, s8  }
0x5a: {  	[tilespmem:s8], [sflag:$0x2] =	stream.linear.gather @!p2 [hbm4b:s18+s10], $0x4000, $0x38;
	[tilespmem:$0x1E890] =	vst v63  }
0x5b: {  	s0 =	sshll.u32 @!p1 s0, $0x7;
	s1 =	sor.u32 @!p1 $0x100, s1;
	s8 =	simm.s32 @!p1 $0x80  }
0x5c: {  	[spmem:s2] =	stream.indirect.scatter.add.f32 @!p1 [tilespmem:s1], [sflag:$0x4], $0x80, s0, s8, $0xb8;
	[tilespmem:$0x1E890] =	vst v63  }
0x5d: {  	s15 =	sadd.s32 $0x1, s5;
	_ =	swait.ge @!p1 [sflag:s29], $0x4000  }
0x5e: {  	p3 =	sge.u32 s15, s11;
	[sflag:s29] =	ssyncset.done @!p1 $0x0  }
0x5f: {  	s10 =	simm.s32 @!p1 $0x3;
	s1 =	simm.s32 @!p1 $0x1B980;
	[sflag:s29] =	ssyncadd.s32 @!p1 $0xFFFFC000  }
0x60: {  	[spmem:s3] =	stream.indirect.scatter.add.f32 @!p1 [tilespmem:s1], [sflag:$0x3], $0x10, s0, s8, $0xb8;
	[tilespmem:$0x1E890] =	vst v63  }
0x61: {  	s29 =	simm.s32 $0x2;
	s8 =	simm.s32 $0x1;
	_ =	swait.ge @!p1 [sflag:s10], $0x800  }
0x62: {  	s1 =	sadd.s32 $0x800, s18;
	s0 =	sadd.s32 $0x10, s16;
	[sflag:s10] =	ssyncset.done @!p1 $0x0  }
.LBB2_4:
0x63: {  	s12 =	simm.s32 @!p3 $0x1;
	[sflag:s10] =	ssyncadd.s32 @!p1 $0xFFFFF800  }
0x64: {  	s10 =	smov.u32 s29;
	s29 =	sadd.s32 $0x1, s29;
	p1 =	por p3, p3  }
0x65: {  	p2 =	sne.s32 s29, $0x4E;
	_ =	swait.ge @!p1 [sflag:s12], $0x80;
	s13 =	sadd.s32 @!p1 s8, s5  }
0x66: {  	[sflag:s12] =	ssyncset.done @!p1 $0x0;
	s13 =	sadd.s32 @!p1 $0x1, s13  }
0x67: {  	[sflag:s12] =	ssyncadd.s32 @!p1 $0xFFFFFF80;
	s12 =	simm.s32 @!p1 $0x2;
	p3 =	sge.u32 @!p1 s13, s11  }
0x68: {  	s8 =	sand.u32 $0x1, s8;
	_ =	swait.ge @!p1 [sflag:s12], $0x4000;
	p3 =	por p3, p1  }
0x69: {  	[sflag:s12] =	ssyncset.done @!p1 $0x0;
	s13 =	sxor.u32 @!p3 $0x1, s8;
	s14 =	simm.s32 @!p3 $0x0  }
0x6a: {  	[sflag:s12] =	ssyncadd.s32 @!p1 $0xFFFFC000;
	s12 =	sshll.u32 @!p3 s13, $0x7;
	s13 =	sshll.u32 @!p3 s13, $0xE  }
0x6b: {  	[tilespmem:s12], [sflag:$0x1] =	stream.linear.gather @!p3 [hbm4b:s0+s14], $0x80, $0x38;
	[tilespmem:$0x1E890] =	vst v63  }
0x6c: {  	s15 =	simm.s32 @!p1 $0x4;
	s12 =	sshll.u32 @!p1 s8, $0xE;
	s13 =	sor.u32 @!p3 $0x100, s13  }
0x6d: {  	[tilespmem:s13], [sflag:$0x2] =	stream.linear.gather @!p3 [hbm4b:s1+s14], $0x4000, $0x38;
	[tilespmem:$0x1E890] =	vst v63  }
0x6e: {  	s13 =	sshll.u32 @!p1 s8, $0x7;
	s8 =	sor.u32 @!p1 $0x100, s12;
	s12 =	simm.s32 @!p1 $0x80  }
0x6f: {  	[spmem:s2] =	stream.indirect.scatter.add.f32 @!p1 [tilespmem:s8], [sflag:$0x4], $0x80, s13, s12, $0xb8;
	[tilespmem:$0x1E890] =	vst v63  }
0x70: {  	s8 =	smov.u32 s10;
	_ =	swait.ge @!p1 [sflag:s15], $0x4000  }
.Ltmp1:
0x71: {  	[sflag:s15] =	ssyncset.done @!p1 $0x0;
	(pc) =	sbr.rel @p2 .LBB2_4-.Ltmp1, $4  }
0x72: {  	s14 =	simm.s32 @!p1 $0x1B980;
	s10 =	simm.s32 @!p1 $0x3;
	[sflag:s15] =	ssyncadd.s32 @!p1 $0xFFFFC000  }
0x73: {  	[spmem:s3] =	stream.indirect.scatter.add.f32 @!p1 [tilespmem:s14], [sflag:$0x3], $0x10, s13, s12, $0xb8;
	[tilespmem:$0x1E890] =	vst v63  }
0x74: {  	s1 =	sadd.s32 $0x800, s1;
	s12 =	sadd.s32 s8, s5;
	_ =	swait.ge @!p1 [sflag:s10], $0x800  }
0x75: {  	s0 =	sadd.s32 $0x10, s0;
	p3 =	sge.u32 s12, s11;
	[sflag:s10] =	ssyncset.done @!p1 $0x0  }
0x76: {  	s12 =	simm.s32 @!p3 $0x1;
	[sflag:s10] =	ssyncadd.s32 @!p1 $0xFFFFF800;
	p1 =	por p3, p3  }
0x77: {  	_ =	swait.ge @!p1 [sflag:s12], $0x80;
	s10 =	sadd.s32 @!p1 s8, s5  }
0x78: {  	[sflag:s12] =	ssyncset.done @!p1 $0x0;
	s10 =	sadd.s32 @!p1 $0x1, s10  }
0x79: {  	[sflag:s12] =	ssyncadd.s32 @!p1 $0xFFFFFF80;
	s12 =	simm.s32 @!p1 $0x2;
	p2 =	sge.u32 @!p1 s10, s11  }
0x7a: {  	s8 =	sand.u32 $0x1, s8;
	_ =	swait.ge @!p1 [sflag:s12], $0x4000;
	p2 =	por p2, p1  }
0x7b: {  	[sflag:s12] =	ssyncset.done @!p1 $0x0;
	s10 =	sxor.u32 @!p2 $0x1, s8;
	s13 =	simm.s32 @!p2 $0x0  }
0x7c: {  	[sflag:s12] =	ssyncadd.s32 @!p1 $0xFFFFC000;
	s12 =	sshll.u32 @!p2 s10, $0x7;
	s10 =	sshll.u32 @!p2 s10, $0xE  }
0x7d: {  	[tilespmem:s12], [sflag:$0x1] =	stream.linear.gather @!p2 [hbm4b:s0+s13], $0x80, $0x38;
	[tilespmem:$0x1E890] =	vst v63  }
0x7e: {  	s0 =	sshll.u32 @!p1 s8, $0xE;
	s10 =	sor.u32 @!p2 $0x100, s10;
	s12 =	simm.s32 @!p1 $0x4  }
0x7f: {  	[tilespmem:s10], [sflag:$0x2] =	stream.linear.gather @!p2 [hbm4b:s1+s13], $0x4000, $0x38;
	[tilespmem:$0x1E890] =	vst v63  }
0x80: {  	s0 =	sor.u32 @!p1 $0x100, s0;
	s1 =	sshll.u32 @!p1 s8, $0x7;
	s8 =	simm.s32 @!p1 $0x80  }
0x81: {  	[spmem:s2] =	stream.indirect.scatter.add.f32 @!p1 [tilespmem:s0], [sflag:$0x4], $0x80, s1, s8, $0xb8;
	[tilespmem:$0x1E890] =	vst v63  }
0x82: {  	_ =	swait.ge @!p1 [sflag:s12], $0x4000  }
0x83: {  	[sflag:s12] =	ssyncset.done @!p1 $0x0  }
0x84: {  	s10 =	simm.s32 @!p1 $0x3;
	s0 =	simm.s32 @!p1 $0x1B980;
	[sflag:s12] =	ssyncadd.s32 @!p1 $0xFFFFC000  }
0x85: {  	[spmem:s3] =	stream.indirect.scatter.add.f32 @!p1 [tilespmem:s0], [sflag:$0x3], $0x10, s1, s8, $0xb8;
	[tilespmem:$0x1E890] =	vst v63  }
0x86: {  	_ =	swait.ge @!p1 [sflag:s10], $0x800  }
0x87: {  	[sflag:s10] =	ssyncset.done @!p1 $0x0  }
0x88: {  	s0 =	simm.s32 @!p0 $0x1;
	[sflag:s10] =	ssyncadd.s32 @!p1 $0xFFFFF800  }
0x89: {  	_ =	swait.ge @!p0 [sflag:s0], $0x80  }
0x8a: {  	[sflag:s0] =	ssyncset.done @!p0 $0x0  }
0x8b: {  	[sflag:s0] =	ssyncadd.s32 @!p0 $0xFFFFFF80;
	s0 =	simm.s32 @!p0 $0x2  }
0x8c: {  	_ =	swait.ge @!p0 [sflag:s0], $0x4000  }
0x8d: {  	s1 =	simm.s32 @!p0 $0x0;
	[sflag:s0] =	ssyncset.done @!p0 $0x0  }
0x8e: {  	s8 =	simm.s32 @!p0 $0x100;
	[sflag:s0] =	ssyncadd.s32 @!p0 $0xFFFFC000;
	s0 =	simm.s32 @!p0 $0x80  }
0x8f: {  	[spmem:s2] =	stream.indirect.scatter.add.f32 @!p0 [tilespmem:s8], [sflag:$0x4], $0x80, s1, s0, $0xb8;
	[tilespmem:$0x1E890] =	vst v63  }
0x90: {  	s8 =	simm.s32 @!p0 $0x4  }
0x91: {  	_ =	swait.ge @!p0 [sflag:s8], $0x4000  }
0x92: {  	[sflag:s8] =	ssyncset.done @!p0 $0x0  }
0x93: {  	[sflag:s8] =	ssyncadd.s32 @!p0 $0xFFFFC000;
	s8 =	simm.s32 @!p0 $0x1B980  }
0x94: {  	[spmem:s3] =	stream.indirect.scatter.add.f32 @!p0 [tilespmem:s8], [sflag:$0x3], $0x10, s1, s0, $0xb8;
	[tilespmem:$0x1E890] =	vst v63  }
0x95: {  	s0 =	simm.s32 @!p0 $0x3  }
0x96: {  	_ =	swait.ge @!p0 [sflag:s0], $0x800  }
0x97: {  	[sflag:s0] =	ssyncset.done @!p0 $0x0  }
0x98: {  	[sflag:s0] =	ssyncadd.s32 @!p0 $0xFFFFF800  }
0x99: {  	[bflag:$0x0] =	sbarrier.arrive $0xFFFF  }
0x9a: {  	s29 =	rddreg [dreg:$0x7]  }
0x9b: {  	[hbm:s29], [sflag:s9] =	dma.local [spmem:s30], $0x2710  }
0x9c: {  	_ =	swait.ge [sflag:s28], $0x2710  }
0x9d: {  	[sflag:s28] =	ssyncset.done $0x0  }
0x9e: {  	s30 =	rddreg [dreg:$0x8];
	[sflag:s28] =	ssyncadd.s32 $0xFFFFD8F0  }
0x9f: {  	[hbm:s30], [sflag:s9] =	dma.local [spmem:s31], $0x4E2  }
0xa0: {  	_ =	swait.ge [sflag:s28], $0x4E2  }
0xa1: {  	s4 =	sadd.s32 $0x1, s4;
	s31 =	rddreg [dreg:$0x9]  }
0xa2: {  	p1 =	sne.s32 s4, s31  }
.Ltmp2:
0xa3: {  	_ = 	snop;
	(pc) =	sbr.rel @p1 .LBB2_1-.Ltmp2, $3  }
0xa4: {  	_ =	sdelay $0x1  }
0xa5: {  	[sflag:s28] =	ssyncset.done $0x0  }
0xa6: {  	[sflag:s28] =	ssyncadd.s32 $0xFFFFFB1E  }
0xa7: {  	_ =	sfence.sel $0x180000  }
0xa8: {  	[bflag:$0x0] =	sbarrier.arrive $0xFFFF  }
0xa9: {  	_ =	strace $0x9000004A  }
0xaa: {  	s0 =	stileid.u32;
	[bflag:$0x2] =	sbarrier.arrive $0xFFFF  }
0xab: {  	p0 =	sne.s32 s0, $0x0;
	s0 =	rddreg [dreg:$0x3]  }
0xac: {  	s0 =	sadd.s32 @!p0 $0x100000, s0  }
0xad: {  	[sflag:s0] =	ssyncadd.tile.s32 @!p0 $0x1;
	_ =	shalt  }
.Lfunc_end2:
_tile_overlayer_lowered:
.L_overlay_start_2:
0xae: {  	(tag) =	ssettag $0x2  }
0xaf: {  	s0 =	rddreg [dreg:$0x0];
	s2 =	stileid.u32  }
0xb0: {  	s1 =	rddreg [dreg:$0x1];
	p0 =	sne.s32 s2, $0x0  }
0xb1: {  	s3 =	rddreg [dreg:$0x2];
	[bflag:$0x3] =	sbarrier.arrive $0xFFFF;
	s2 =	simm.s32 @!p0 $0x1C03  }
0xb2: {  	[timem:s3], [sflag:s2] =	dma.local @!p0 [hbm:s0], s1  }
0xb3: {  	s0 =	simm.s32 @!p0 $0x3  }
0xb4: {  	_ =	swait.ge @!p0 [sflag:s0], s1  }
0xb5: {  	s1 =	ssub.s32 @!p0 $0x0, s1;
	[sflag:s0] =	ssyncset.done @!p0 $0x0  }
0xb6: {  	[sflag:s0] =	ssyncadd.s32 @!p0 s1  }
0xb7: {  	[bflag:$0x3] =	sbarrier.arrive $0xFFFF  }
0xb8: {  	_ =	shalt  }

// kernel: kernel.17.cloned.1.call-start
scs
__scs_entry_jumppad:
0x0: {  	(pc) =	sbr.rel $0x88, $3  }
0x1: {  	(tag) =	ssettag $0x0;
	lr =	simm.s32 $0x1  }
0x2: {  	[smem:$0x3F97] =	sst lr;
	_ =	strace $0xD0000000  }
0x3: {  	_ = 	snop  }
0x4: {  	_ = 	snop  }
0x5: {  	_ = 	snop  }
0x6: {  	_ = 	snop  }
0x7: {  	_ = 	snop  }
__scs_overlays_trampoline_lowered:
0x8: {  	[smem:$0x3FA6] =	sst s0  }
0x9: {  	[smem:$0x3FA7] =	sst s1  }
0xa: {  	[smem:$0x3FA8] =	sst s2  }
0xb: {  	[smem:$0x3FA9] =	sst s3  }
0xc: {  	[smem:$0x3FAA] =	sst s4  }
0xd: {  	[smem:$0x3FAB] =	sst s5  }
0xe: {  	[smem:$0x3FAC] =	sst s6  }
0xf: {  	[smem:$0x3FAD] =	sst s7  }
0x10: {  	[smem:$0x3FAE] =	sst s8  }
0x11: {  	[smem:$0x3FAF] =	sst s9;
	s0 =	simm.s32 @!p0 $0x0  }
0x12: {  	s1 =	sld [smem:$0x3F95];
	s0 =	simm.s32 @p0 $0x1  }
0x13: {  	[smem:$0x3FB0] =	sst s0;
	s0 =	simm.s32 @!p1 $0x0  }
0x14: {  	s2 =	sld [smem:$0x3F94];
	s0 =	simm.s32 @p1 $0x1  }
0x15: {  	[smem:$0x3FB1] =	sst s0;
	s0 =	simm.s32 @!p2 $0x0  }
0x16: {  	s3 =	sld [smem:$0x3FDB];
	s0 =	simm.s32 @p2 $0x1  }
0x17: {  	s4 =	simm.s32 $0x1BF5;
	[smem:$0x3FB3] =	sst s0  }
0x18: {  	s0 =	sld [smem:$0x3F96];
	_ =	swait.ge [sflag:s4], $0x0  }
0x19: {  	s7 =	sld [smem:$0x3F97]  }
0x1a: {  	s8 =	sadd.s32 $0xFFFFE003, lr  }
0x1b: {  	s9 =	sadd.s32 $0xFFFFFEF7, lr;
	s5 =	simm.s32 $0xFFFFFFFF;
	p2 =	slt.u32 s8, $0xFFFFF086  }
0x1c: {  	p1 =	slt.u32 s9, $0xF7A;
	s5 =	simm.s32 @!p2 $0x0  }
0x1d: {  	s5 =	simm.s32 @p1 $0x1;
	p0 =	seq.s32 s7, s2  }
0x1e: {  	s7 =	smul.u32 @!p0 $0xF7A, s2;
	p2 =	seq.s32 @!p0 s5, $0x0  }
0x1f: {  	s9 =	smul.u32 $0xF7A, s1;
	s8 =	simm.s32 @!p0 $0x1BF5;
	p2 =	por !p2, p0  }
0x20: {  	[sflag:s8] =	ssyncset.s32 @!p0 $0xFFFFF086;
	s6 =	sadd.s32 @!p0 s3, s7;
	s7 =	simm.s32 @!p0 $0x108  }
0x21: {  	s3 =	sadd.s32 s3, s9;
	s6 =	sadd.s32 @!p0 $0x88, s6;
	s7 =	simm.s32 @p2 $0x1082  }
0x22: {  	[simem:s7], [sflag:s8] =	dma.local @!p0 [hbm:s6], $0xF7A  }
0x23: {  	s9 =	sor.u32 $0xD0000000, s2;
	s6 =	simm.s32 $0x108;
	_ =	swait.ge @!p0 [sflag:s8], $0x0  }
0x24: {  	s3 =	sadd.s32 $0x88, s3;
	s6 =	simm.s32 @!p1 $0x1082;
	[sflag:s4] =	ssyncset.s32 $0xFFFFF086  }
0x25: {  	[simem:s6], [sflag:s4] =	dma.local [hbm:s3], $0xF7A  }
0x26: {  	[smem:$0x3F97] =	sst s1;
	(tag) =	ssettag s2;
	_ =	strace s9  }
0x27: {  	s1 =	sld [smem:$0x3FA7]  }
0x28: {  	s2 =	sld [smem:$0x3FA8]  }
0x29: {  	s4 =	sld [smem:$0x3FAA]  }
0x2a: {  	p0 =	seq.s32 s5, $0x0;
	s5 =	sld [smem:$0x3FAB]  }
0x2b: {  	s6 =	sld [smem:$0x3FAC]  }
0x2c: {  	s7 =	sld [smem:$0x3FAD]  }
0x2d: {  	s3 =	simm.s32 $0x108;
	s8 =	sld [smem:$0x3FAE]  }
0x2e: {  	s3 =	simm.s32 @!p0 $0x1082;
	s9 =	sld [smem:$0x3FAF]  }
0x2f: {  	lr =	sadd.s32 s0, s3;
	s0 =	sld [smem:$0x3FA6]  }
0x30: {  	s3 =	sld [smem:$0x3FA9]  }
0x31: {  	[smem:$0x3FB2] =	sst s10  }
0x32: {  	s10 =	sld [smem:$0x3FB0];
	_ =	sdelay $0x3  }
0x33: {  	p0 =	seq.s32 s10, $0x1;
	s10 =	sld [smem:$0x3FB2];
	_ =	sdelay $0x3  }
0x34: {  	[smem:$0x3FB2] =	sst s10  }
0x35: {  	s10 =	sld [smem:$0x3FB1];
	_ =	sdelay $0x3  }
0x36: {  	p1 =	seq.s32 s10, $0x1;
	s10 =	sld [smem:$0x3FB2];
	_ =	sdelay $0x3  }
0x37: {  	[smem:$0x3FB2] =	sst s10  }
0x38: {  	s10 =	sld [smem:$0x3FB3]  }
0x39: {  	_ = 	snop;
	(pc) =	sbr.ind lr, $3  }
0x3a: {  	_ = 	snop  }
0x3b: {  	_ = 	snop  }
0x3c: {  	p2 =	seq.s32 s10, $0x1;
	s10 =	sld [smem:$0x3FB2]  }
0x3d: {  	_ =	shalt  }
0x3e: {  	_ =	shalt  }
0x3f: {  	_ =	shalt  }
0x40: {  	_ =	shalt  }
0x41: {  	_ =	shalt  }
0x42: {  	_ =	shalt  }
0x43: {  	_ =	shalt  }
0x44: {  	_ =	shalt  }
0x45: {  	_ =	shalt  }
0x46: {  	_ =	shalt  }
0x47: {  	_ =	shalt  }
0x48: {  	_ =	shalt  }
0x49: {  	_ =	shalt  }
0x4a: {  	_ =	shalt  }
0x4b: {  	_ =	shalt  }
0x4c: {  	_ =	shalt  }
0x4d: {  	_ =	shalt  }
0x4e: {  	_ =	shalt  }
0x4f: {  	_ =	shalt  }
0x50: {  	_ =	shalt  }
0x51: {  	_ =	shalt  }
0x52: {  	_ =	shalt  }
0x53: {  	_ =	shalt  }
0x54: {  	_ =	shalt  }
0x55: {  	_ =	shalt  }
0x56: {  	_ =	shalt  }
0x57: {  	_ =	shalt  }
0x58: {  	_ =	shalt  }
0x59: {  	_ =	shalt  }
0x5a: {  	_ =	shalt  }
0x5b: {  	_ =	shalt  }
0x5c: {  	_ =	shalt  }
0x5d: {  	_ =	shalt  }
0x5e: {  	_ =	shalt  }
0x5f: {  	_ =	shalt  }
0x60: {  	_ =	shalt  }
0x61: {  	_ =	shalt  }
0x62: {  	_ =	shalt  }
0x63: {  	_ =	shalt  }
0x64: {  	_ =	shalt  }
0x65: {  	_ =	shalt  }
0x66: {  	_ =	shalt  }
0x67: {  	_ =	shalt  }
0x68: {  	_ =	shalt  }
0x69: {  	_ =	shalt  }
0x6a: {  	_ =	shalt  }
0x6b: {  	_ =	shalt  }
0x6c: {  	_ =	shalt  }
0x6d: {  	_ =	shalt  }
0x6e: {  	_ =	shalt  }
0x6f: {  	_ =	shalt  }
0x70: {  	_ =	shalt  }
0x71: {  	_ =	shalt  }
0x72: {  	_ =	shalt  }
0x73: {  	_ =	shalt  }
0x74: {  	_ =	shalt  }
0x75: {  	_ =	shalt  }
0x76: {  	_ =	shalt  }
0x77: {  	_ =	shalt  }
0x78: {  	_ =	shalt  }
0x79: {  	_ =	shalt  }
0x7a: {  	_ =	shalt  }
0x7b: {  	_ =	shalt  }
0x7c: {  	_ =	shalt  }
0x7d: {  	_ =	shalt  }
0x7e: {  	_ =	shalt  }
0x7f: {  	_ =	shalt  }
0x80: {  	_ =	shalt  }
0x81: {  	_ =	shalt  }
0x82: {  	_ =	shalt  }
0x83: {  	_ =	shalt  }
0x84: {  	_ =	shalt  }
0x85: {  	_ =	shalt  }
0x86: {  	_ =	shalt  }
0x87: {  	_ =	shalt  }
.Lfunc_end0:
.L_simem_size_0:
called_computation.2_lowered:
.L_overlay_start_0:
0x88: {  	s2 =	sld [smem:$0x3FD9]  }
0x89: {  	s3 =	sld [smem:$0x3FFE];
	_ =	sdelay $0x1  }
0x8a: {  	s1 =	srdreg.scid  }
0x8b: {  	s0 =	sand.u32 $0x1, s1  }
0x8c: {  	s17 =	sshll.u32 s0, $0xA;
	s2 =	sadd.s32 s3, s2  }
0x8d: {  	s2 =	sadd.s32 s2, s17  }
0x8e: {  	[smem:$0x3FBE] =	sst s2  }
0x8f: {  	_ = 	snop  }
0x90: {  	s2 =	sld [smem:$0x3FD0];
	(tm) =	ssettm $0x1  }
0x91: {  	s18 =	sld [smem:$0x3FFB];
	_ =	sdelay $0x3  }
0x92: {  	_ =	strace s18  }
0x93: {  	s3 =	sld [smem:$0x3FFC];
	_ =	sdelay $0x3  }
0x94: {  	_ =	strace s3  }
0x95: {  	s3 =	sld [smem:$0x3FFD];
	_ =	sdelay $0x3  }
0x96: {  	_ =	strace s3  }
0x97: {  	_ =	strace $0x8FFFFFFF  }
0x98: {  	s19 =	sld [smem:$0x3FDB];
	_ =	sdelay $0x1  }
0x99: {  	s4 =	simm.s32 $_scs_section_size  }
0x9a: {  	s5 =	simm.s32 $_size__tile_overlayer_lowered;
	s6 =	simm.s32 $_tile_overlayer_lowered  }
0x9b: {  	s22 =	simm.s32 $0x1BFF;
	s21 =	sshll.u32 s6, $0x1;
	s3 =	sadd.s32 s4, s19  }
0x9c: {  	s7 =	simm.s32 $0x0;
	s20 =	sshll.u32 s5, $0x1;
	s5 =	sadd.s32 s21, s3  }
0x9d: {  	[timem:s7], [sflag:s22] =	dma.local [hbm:s5], s20  }
0x9e: {  	_ =	swait.ge [sflag:s22], s20  }
0x9f: {  	s4 =	ssub.s32 $0x0, s20;
	[sflag:s22] =	ssyncset.done $0x0  }
0xa0: {  	[sflag:s22] =	ssyncadd.s32 s4;
	_ =	sdelay $0x1  }
0xa1: {  	s23 =	simm.s32 $0x1B8B  }
0xa2: {  	_ =	swait.ge [sflag:s23], $0x1  }
0xa3: {  	[sflag:s23] =	ssyncset.done $0x0  }
0xa4: {  	s25 =	simm.s32 $0x1B8E;
	s24 =	sld [smem:$0x3FFE];
	[sflag:s23] =	ssyncadd.s32 $0xFFFFFFFF  }
0xa5: {  	s26 =	simm.s32 $execute0_lowered;
	[smem:$0x3FD2] =	sst s25  }
0xa6: {  	s5 =	sshll.u32 s26, $0x1;
	_ =	strace $0x8000004C;
	[dreg:$0x1] =	wrdreg $0xFFFFFFFF  }
0xa7: {  	s28 =	simm.s32 $_size_execute0_lowered;
	s3 =	sadd.s32 s3, s5;
	[dreg:$0x0] =	wrdreg $0x0  }
0xa8: {  	s5 =	sshll.u32 s28, $0x1;
	[dreg:$0x2] =	wrdreg s3  }
0xa9: {  	[dreg:$0x3] =	wrdreg s5  }
0xaa: {  	[dreg:$0x4] =	wrdreg $0xC0  }
0xab: {  	_ =	task [dreg:s7], $0x5FFFF  }
0xac: {  	[dreg:$0x1] =	wrdreg $0xFFFFFFFF  }
0xad: {  	[dreg:$0x0] =	wrdreg $0x60  }
0xae: {  	[dreg:$0x2] =	wrdreg s24  }
0xaf: {  	[dreg:$0x3] =	wrdreg s2  }
0xb0: {  	[dreg:$0x4] =	wrdreg $0x9  }
0xb1: {  	_ =	task.clear_ibuf [dreg:s7], $0x5FFFF;
	_ =	strace $0x9000004C  }
0xb2: {  	s29 =	simm.s32 $0x9;
	_ =	strace $0x8000004E  }
0xb3: {  	_ =	swait.ge [sflag:s29], $0x1  }
0xb4: {  	[sflag:s29] =	ssyncadd.s32 $0xFFFFFFFF  }
0xb5: {  	_ =	strace $0x9000004E  }
0xb6: {  	_ =	sfence  }
0xb7: {  	s30 =	sld [smem:$0x0];
	_ =	sdelay $0x2  }
0xb8: {  	s31 =	sshll.u32 s1, $0xD;
	s1 =	sshrl.u32 s1, $0x2  }
0xb9: {  	s3 =	sand.u32 $0x4000, s31;
	s1 =	sadd.s32 s1, s30  }
0xba: {  	s0 =	sor.u32 s3, s0;
	s1 =	sshll.u32 s1, $0x11  }
0xbb: {  	s0 =	sor.u32 s1, s0  }
0xbc: {  	s0 =	sadd.s32 $0x8F2B, s0  }
0xbd: {  	[sflag:s0] =	ssyncadd.remote.s32 $0x1  }
0xbe: {  	_ =	sfence.sel $0xFFFF  }
0xbf: {  	[dreg:$0x0] =	wrdreg $0xFFFFFFFF;
	(pc) =	sbr.abs _section_cstart, $3  }
0xc0: {  	[dreg:$0x1] =	wrdreg $0xFFFFFFFF  }
0xc1: {  	_ =	task.clear_ibuf [dreg:s7], $0x2FFFF;
	_ =	strace $0x9FFFFFFF  }
0xc2: {  	(tm) =	ssettm $0x7FFFFFFF  }
0xc3: {  	_ =	shalt  }
tec
execute0_lowered:
.L_overlay_start_1:
0x0: {  	(tag) =	ssettag $0x1  }
0x1: {  	s0 =	rddreg [dreg:$0x0]  }
0x2: {  	s2 =	rddreg [dreg:$0x1]  }
0x3: {  	s3 =	simm.s32 $0x0;
	s1 =	srdreg.scid;
	s4 =	stileid.u32  }
0x4: {  	s14 =	simm.s32 $0x100;
	s15 =	simm.s32 $0x1;
	s16 =	simm.s32 $0x40  }
0x5: {  	s20 =	simm.s32 $0x140;
	s21 =	simm.s32 $0x2A00;
	s22 =	simm.s32 $0x80  }
0x6: {  	s23 =	simm.s32 $0x180;
	s24 =	simm.s32 $0x2;
	s25 =	simm.s32 $0x3  }
0x7: {  	s26 =	simm.s32 $0x0;
	s1 =	sand.u32 $0x1, s1;
	s4 =	sshll.u32 s4, $0x1  }
0x8: {  	[smem:$0x7FF] =	sst s3;
	s5 =	sadd.s32 $0x17400, s0;
	s8 =	sor.u32 s1, s4  }
0x9: {  	s6 =	sadd.s32 $0x2E00, s0;
	s7 =	sadd.s32 $0x291A00, s0;
	s9 =	smul.u32 $0x2780, s8  }
.Ltmp0:
0xa: {  	_ =	strace $0x8000004D;
	s30 =	ssub.s32 $0x2, s1;
	(pc) =	sbr.rel .LBB2_1-.Ltmp0, $4  }
0xb: {  	s4 =	sadd.s32 $0xD600, s0;
	s1 =	sshrl.u32 s30, $0x1;
	s10 =	smul.u32 $0x4F0, s8  }
0xc: {  	s8 =	smul.u32 $0x4F, s8;
	s0 =	ssub.s32 s30, s1;
	s9 =	sshrl.u32 s9, $0x3  }
0xd: {  	s13 =	smax.u32 s0, $0x1;
	s31 =	sadd.s32 $0x10, s9;
	s9 =	sadd.s32 s6, s10  }
0xe: {  	v0 =	vimm.bf16 $0.0e+00;
	s10 =	sadd.s32 s2, s10;
	s11 =	sadd.s32 s6, s31;
	s12 =	sadd.s32 s2, s31  }
.LBB2_7:
0xf: {  	s26 =	sadd.s32 $0x1, s26  }
0x10: {  	_ =	swait.ge [sflag:s25], $0x2000;
	p0 =	sne.s32 s26, s13  }
.Ltmp1:
0x11: {  	[sflag:s25] =	ssyncset.done $0x0;
	(pc) =	sbr.rel @!p0 .LBB2_8-.Ltmp1, $4  }
0x12: {  	[sflag:s25] =	ssyncadd.s32 $0xFFFFE000  }
0x13: {  	_ =	swait.ge [sflag:s25], $0x2000  }
0x14: {  	[sflag:s25] =	ssyncset.done $0x0  }
0x15: {  	[sflag:s25] =	ssyncadd.s32 $0xFFFFE000  }
.LBB2_1:
0x16: {  	[tilespmem:s3], [sflag:$0x1] =	stream.linear.gather [hbm4b:s9+s3], $0x80, $0x38;
	[tilespmem:$0x8200] =	vst v63  }
0x17: {  	_ = 	snop  }
0x18: {  	[tilespmem:s14], [sflag:$0x1] =	stream.linear.gather [hbm4b:s10+s3], $0x80, $0x38;
	[tilespmem:$0x8200] =	vst v63  }
0x19: {  	_ =	swait.ge [sflag:s15], $0x80  }
0x1a: {  	[sflag:s15] =	ssyncset.done $0x0  }
0x1b: {  	[sflag:s15] =	ssyncadd.s32 $0xFFFFFF80  }
0x1c: {  	_ =	swait.ge [sflag:s15], $0x80  }
0x1d: {  	[sflag:s15] =	ssyncset.done $0x0  }
0x1e: {  	s0 =	simm.s32 $0x200;
	[sflag:s15] =	ssyncadd.s32 $0xFFFFFF80  }
0x1f: {  	[tilespmem:s0], [sflag:$0x2] =	stream.indirect.gather [hbm4b:s4+s16], $0x20, s3, s16, $0xb8;
	[tilespmem:$0x8200] =	vst v63  }
0x20: {  	s30 =	simm.s32 $0x2200  }
0x21: {  	[tilespmem:s30], [sflag:$0x2] =	stream.indirect.gather [hbm4b:s5+s16], $0x20, s14, s16, $0xb8;
	[tilespmem:$0x8200] =	vst v63  }
0x22: {  	s31 =	simm.s32 $0xA00  }
0x23: {  	[tilespmem:s31], [sflag:$0x2] =	stream.indirect.gather [hbm4b:s4+s16], $0x20, s16, s16, $0xb8;
	[tilespmem:$0x8200] =	vst v63  }
0x24: {  	_ = 	snop  }
0x25: {  	[tilespmem:s21], [sflag:$0x2] =	stream.indirect.gather [hbm4b:s5+s16], $0x20, s20, s16, $0xb8;
	[tilespmem:$0x8200] =	vst v63  }
.Ltmp2:
0x26: {  	_ = 	snop;
	(pc) =	sbr.rel .LBB2_2-.Ltmp2, $4  }
0x27: {  	_ = 	snop  }
0x28: {  	[tilespmem:s22], [sflag:$0x1] =	stream.linear.gather [hbm4b:s11+s3], $0x80, $0x38;
	[tilespmem:$0x8200] =	vst v63  }
0x29: {  	p0 =	por $0x0, $0x0;
	s28 =	simm.s32 $0x0  }
0x2a: {  	[tilespmem:s23], [sflag:$0x1] =	stream.linear.gather [hbm4b:s12+s3], $0x80, $0x38;
	[tilespmem:$0x8200] =	vst v63  }
.LBB2_6:
0x2b: {  	s28 =	sadd.s32 $0x1, s28  }
0x2c: {  	p1 =	sne.s32 s28, $0x4F  }
.Ltmp3:
0x2d: {  	_ = 	snop;
	(pc) =	sbr.rel @!p1 .LBB2_7-.Ltmp3, $2  }
0x2e: {  	_ =	sdelay $0x2  }
0x2f: {  	p0 =	por !p0, !p0  }
.LBB2_2:
0x30: {  	s29 =	sadd.s32 s8, s28  }
0x31: {  	p1 =	sgt.u32 s29, $0x9C3  }
.Ltmp4:
0x32: {  	_ = 	snop;
	(pc) =	sbr.rel @p1 .LBB2_6-.Ltmp4, $1  }
0x33: {  	_ =	sdelay $0x3  }
0x34: {  	_ =	swait.ge [sflag:s24], $0x800  }
0x35: {  	[sflag:s24] =	ssyncset.done $0x0  }
0x36: {  	[sflag:s24] =	ssyncadd.s32 $0xFFFFF800  }
0x37: {  	_ =	swait.ge [sflag:s24], $0x800  }
0x38: {  	[sflag:s24] =	ssyncset.done $0x0  }
0x39: {  	[sflag:s24] =	ssyncadd.s32 $0xFFFFF800  }
0x3a: {  	p1 =	sgt.u32 s28, $0x4C;
	_ =	swait.ge [sflag:s24], $0x800  }
0x3b: {  	p2 =	sgt.u32 @!p1 s29, $0x9C1;
	[sflag:s24] =	ssyncset.done $0x0  }
0x3c: {  	s1 =	sand.u32 $0x1, s28;
	p1 =	por p2, p1;
	[sflag:s24] =	ssyncadd.s32 $0xFFFFF800  }
0x3d: {  	p2 =	seq.s32 s28, $0x4E;
	s0 =	sshll.u32 @!p1 s29, $0x4;
	_ =	swait.ge [sflag:s24], $0x800  }
0x3e: {  	s17 =	sshll.u32 @!p1 s1, $0x7;
	s0 =	sadd.s32 @!p1 $0x20, s0;
	[sflag:s24] =	ssyncset.done $0x0  }
0x3f: {  	s31 =	simm.s32 @!p1 $0x0;
	s30 =	sadd.s32 @!p1 s6, s0;
	[sflag:s24] =	ssyncadd.s32 $0xFFFFF800  }
0x40: {  	[tilespmem:s17], [sflag:$0x1] =	stream.linear.gather @!p1 [hbm4b:s30+s31], $0x80, $0x38;
	[tilespmem:$0x8200] =	vst v63  }
0x41: {  	p3 =	seq.s32 @!p2 s29, $0x9C3;
	s0 =	sadd.s32 @!p1 s2, s0;
	s17 =	sor.u32 @!p1 $0x100, s17  }
0x42: {  	[tilespmem:s17], [sflag:$0x1] =	stream.linear.gather @!p1 [hbm4b:s0+s31], $0x80, $0x38;
	[tilespmem:$0x8200] =	vst v63  }
0x43: {  	p1 =	por p3, p2  }
0x44: {  	p4 =	seq.s32 @!p1 s28, $0x0  }
0x45: {  	p3 =	por @!p2 p4, p3  }
0x46: {  	p2 =	por p3, p2  }
0x47: {  	s0 =	simm.s32 @!p2 $0x3  }
0x48: {  	_ =	swait.ge @!p2 [sflag:s0], $0x2000  }
0x49: {  	[sflag:s0] =	ssyncset.done @!p2 $0x0  }
0x4a: {  	[sflag:s0] =	ssyncadd.s32 @!p2 $0xFFFFE000;
	s0 =	simm.s32 @!p1 $0x1  }
0x4b: {  	_ =	swait.ge @!p1 [sflag:s0], $0x80  }
0x4c: {  	[sflag:s0] =	ssyncset.done @!p1 $0x0  }
0x4d: {  	[sflag:s0] =	ssyncadd.s32 @!p1 $0xFFFFFF80  }
0x4e: {  	_ =	swait.ge @!p1 [sflag:s0], $0x80  }
0x4f: {  	s17 =	sxor.u32 @!p1 $0x1, s1;
	[sflag:s0] =	ssyncset.done @!p1 $0x0  }
0x50: {  	s30 =	simm.s32 $0x1;
	[sflag:s0] =	ssyncadd.s32 @!p1 $0xFFFFFF80;
	s0 =	sshll.u32 @!p1 s17, $0xC  }
0x51: {  	s18 =	simm.s32 @!p1 $0x40;
	s17 =	sshll.u32 @!p1 s17, $0x7;
	s31 =	sor.u32 @!p1 $0x200, s0  }
0x52: {  	[tilespmem:s31], [sflag:$0x2] =	stream.indirect.gather @!p1 [hbm4b:s4+s18], $0x20, s17, s18, $0xb8;
	[tilespmem:$0x8200] =	vst v63  }
0x53: {  	s30 =	simm.s32 @!p0 $0x0;
	s19 =	sor.u32 @!p1 $0x100, s17;
	s31 =	sor.u32 @!p1 $0x2200, s0  }
0x54: {  	[tilespmem:s31], [sflag:$0x2] =	stream.indirect.gather @!p1 [hbm4b:s5+s18], $0x20, s19, s18, $0xb8;
	[tilespmem:$0x8200] =	vst v63  }
0x55: {  	s19 =	sshll.u32 s30, $0xC;
	s30 =	sor.u32 @!p1 $0xA00, s0;
	s31 =	sor.u32 @!p1 $0x40, s17  }
0x56: {  	[tilespmem:s30], [sflag:$0x2] =	stream.indirect.gather @!p1 [hbm4b:s4+s18], $0x20, s31, s18, $0xb8;
	[tilespmem:$0x8200] =	vst v63  }
0x57: {  	s0 =	sor.u32 @!p1 $0x2A00, s0;
	s17 =	sor.u32 @!p1 $0x140, s17;
	s30 =	sor.u32 $0x2210, s19  }
0x58: {  	[tilespmem:s0], [sflag:$0x2] =	stream.indirect.gather @!p1 [hbm4b:s5+s18], $0x20, s17, s18, $0xb8;
	[tilespmem:$0x8200] =	vst v63  }
0x59: {  	s0 =	sor.u32 $0x210, s19;
	v1 =	vld [tilespmem:s30+$0xFFFFFFF0]  }
0x5a: {  	v2 =	vld [tilespmem:s0+$0xFFFFFFF0];
	_ =	sdelay $0x4  }
0x5b: {  	s1 =	sshll.u32 s1, $0xD;
	s18 =	simm.s32 $0x0;
	v1 =	vadd.bf16 v1, v2  }
0x5c: {  	s31 =	sor.u32 $0x4200, s1;
	s19 =	sand.u32 $0x1F80, s18  }
0x5d: {  	s17 =	sand.u32 $0x40, s18;
	s1 =	sadd.s32 s19, s31;
	v1 =	vmax.bf16 v1, v0  }
0x5e: {  	s17 =	sadd.s32 s17, s1;
	v2 =	vshll.u32 v1, $0x10  }
0x5f: {  	v1 =	vand.u32 $0xFFFF0000, v1;
	[tilespmem:s17+$0x0] =	vst v2  }
0x60: {  	[tilespmem:s17+$0x10] =	vst v1  }
0x61: {  	v1 =	vld [tilespmem:s0+$0x0]  }
0x62: {  	v2 =	vld [tilespmem:s30+$0x0];
	_ =	sdelay $0x4  }
0x63: {  	s1 =	simm.s32 $0x40;
	v1 =	vadd.bf16 v2, v1  }
.LBB2_4:
0x64: {  	_ = 	snop  }
0x65: {  	p1 =	sne.s32 s1, $0x1FC0;
	s0 =	sadd.s32 $0x20, s0;
	s30 =	sadd.s32 $0x20, s30;
	v1 =	vmax.bf16 v1, v0  }
0x66: {  	s18 =	smov.u32 s1;
	s1 =	sadd.s32 $0x40, s1;
	v2 =	vshll.u32 v1, $0x10;
	v1 =	vand.u32 $0xFFFF0000, v1  }
0x67: {  	[tilespmem:s17+$0x20] =	vst v2  }
0x68: {  	[tilespmem:s17+$0x30] =	vst v1  }
0x69: {  	v1 =	vld [tilespmem:s30+$0xFFFFFFF0]  }
0x6a: {  	v2 =	vld [tilespmem:s0+$0xFFFFFFF0];
	_ =	sdelay $0x4  }
0x6b: {  	v1 =	vadd.bf16 v1, v2  }
0x6c: {  	s17 =	sand.u32 $0x1F80, s18  }
0x6d: {  	s18 =	sand.u32 $0x40, s18;
	s17 =	sadd.s32 s17, s31;
	v1 =	vmax.bf16 v1, v0  }
0x6e: {  	s17 =	sadd.s32 s18, s17;
	v2 =	vshll.u32 v1, $0x10;
	v1 =	vand.u32 $0xFFFF0000, v1  }
0x6f: {  	[tilespmem:s17+$0x0] =	vst v2  }
0x70: {  	[tilespmem:s17+$0x10] =	vst v1  }
0x71: {  	v1 =	vld [tilespmem:s0+$0x0]  }
0x72: {  	v2 =	vld [tilespmem:s30+$0x0]  }
.Ltmp5:
0x73: {  	(pc) =	sbr.rel @p1 .LBB2_4-.Ltmp5, $2  }
0x74: {  	_ =	sdelay $0x2  }
0x75: {  	v1 =	vadd.bf16 v2, v1  }
0x76: {  	_ = 	snop  }
.Ltmp6:
0x77: {  	v1 =	vmax.bf16 v1, v0;
	(pc) =	sbr.rel .LBB2_6-.Ltmp6, $4  }
0x78: {  	v2 =	vshll.u32 v1, $0x10  }
0x79: {  	s0 =	sshll.u32 s29, $0xA;
	v1 =	vand.u32 $0xFFFF0000, v1;
	[tilespmem:s17+$0x20] =	vst v2  }
0x7a: {  	s0 =	sadd.s32 s7, s0;
	[tilespmem:s17+$0x30] =	vst v1  }
0x7b: {  	[hbm4b:s0+s3] =	stream.linear.scatter [tilespmem:s31], [sflag:$0x3], $0x2000, $0x38;
	[tilespmem:$0x8200] =	vst v63  }
.LBB2_8:
0x7c: {  	_ =	sfence.sel $0x180000  }
0x7d: {  	[bflag:$0x0] =	sbarrier.arrive $0xFFFF  }
0x7e: {  	_ =	strace $0x9000004D  }
0x7f: {  	s0 =	stileid.u32;
	[bflag:$0x2] =	sbarrier.arrive $0xFFFF  }
0x80: {  	p0 =	sne.s32 s0, $0x0;
	s0 =	rddreg [dreg:$0x2]  }
0x81: {  	s0 =	sadd.s32 @!p0 $0x100000, s0  }
0x82: {  	[sflag:s0] =	ssyncadd.tile.s32 @!p0 $0x1;
	_ =	shalt  }
.Lfunc_end2:
_tile_overlayer_lowered:
.L_overlay_start_2:
0x83: {  	(tag) =	ssettag $0x2  }
0x84: {  	s0 =	rddreg [dreg:$0x0];
	s2 =	stileid.u32  }
0x85: {  	s1 =	rddreg [dreg:$0x1];
	p0 =	sne.s32 s2, $0x0  }
0x86: {  	s3 =	rddreg [dreg:$0x2];
	[bflag:$0x3] =	sbarrier.arrive $0xFFFF;
	s2 =	simm.s32 @!p0 $0x1C04  }
0x87: {  	[timem:s3], [sflag:s2] =	dma.local @!p0 [hbm:s0], s1  }
0x88: {  	s0 =	simm.s32 @!p0 $0x4  }
0x89: {  	_ =	swait.ge @!p0 [sflag:s0], s1  }
0x8a: {  	s1 =	ssub.s32 @!p0 $0x0, s1;
	[sflag:s0] =	ssyncset.done @!p0 $0x0  }
0x8b: {  	[sflag:s0] =	ssyncadd.s32 @!p0 s1  }
0x8c: {  	[bflag:$0x3] =	sbarrier.arrive $0xFFFF  }
0x8d: {  	_ =	shalt  }

// kernel: kernel.20.cloned.1.call-start
scs
__scs_entry_jumppad:
0x0: {  	(pc) =	sbr.rel $0x88, $3  }
0x1: {  	(tag) =	ssettag $0x0;
	lr =	simm.s32 $0x1  }
0x2: {  	[smem:$0x3F97] =	sst lr;
	_ =	strace $0xD0000000  }
0x3: {  	_ = 	snop  }
0x4: {  	_ = 	snop  }
0x5: {  	_ = 	snop  }
0x6: {  	_ = 	snop  }
0x7: {  	_ = 	snop  }
__scs_overlays_trampoline_lowered:
0x8: {  	[smem:$0x3FA6] =	sst s0  }
0x9: {  	[smem:$0x3FA7] =	sst s1  }
0xa: {  	[smem:$0x3FA8] =	sst s2  }
0xb: {  	[smem:$0x3FA9] =	sst s3  }
0xc: {  	[smem:$0x3FAA] =	sst s4  }
0xd: {  	[smem:$0x3FAB] =	sst s5  }
0xe: {  	[smem:$0x3FAC] =	sst s6  }
0xf: {  	[smem:$0x3FAD] =	sst s7  }
0x10: {  	[smem:$0x3FAE] =	sst s8  }
0x11: {  	[smem:$0x3FAF] =	sst s9;
	s0 =	simm.s32 @!p0 $0x0  }
0x12: {  	s1 =	sld [smem:$0x3F95];
	s0 =	simm.s32 @p0 $0x1  }
0x13: {  	[smem:$0x3FB0] =	sst s0;
	s0 =	simm.s32 @!p1 $0x0  }
0x14: {  	s2 =	sld [smem:$0x3F94];
	s0 =	simm.s32 @p1 $0x1  }
0x15: {  	[smem:$0x3FB1] =	sst s0;
	s0 =	simm.s32 @!p2 $0x0  }
0x16: {  	s3 =	sld [smem:$0x3FDB];
	s0 =	simm.s32 @p2 $0x1  }
0x17: {  	s4 =	simm.s32 $0x1BF5;
	[smem:$0x3FB3] =	sst s0  }
0x18: {  	s0 =	sld [smem:$0x3F96];
	_ =	swait.ge [sflag:s4], $0x0  }
0x19: {  	s7 =	sld [smem:$0x3F97]  }
0x1a: {  	s8 =	sadd.s32 $0xFFFFE003, lr  }
0x1b: {  	s9 =	sadd.s32 $0xFFFFFEF7, lr;
	s5 =	simm.s32 $0xFFFFFFFF;
	p2 =	slt.u32 s8, $0xFFFFF086  }
0x1c: {  	p1 =	slt.u32 s9, $0xF7A;
	s5 =	simm.s32 @!p2 $0x0  }
0x1d: {  	s5 =	simm.s32 @p1 $0x1;
	p0 =	seq.s32 s7, s2  }
0x1e: {  	s7 =	smul.u32 @!p0 $0xF7A, s2;
	p2 =	seq.s32 @!p0 s5, $0x0  }
0x1f: {  	s9 =	smul.u32 $0xF7A, s1;
	s8 =	simm.s32 @!p0 $0x1BF5;
	p2 =	por !p2, p0  }
0x20: {  	[sflag:s8] =	ssyncset.s32 @!p0 $0xFFFFF086;
	s6 =	sadd.s32 @!p0 s3, s7;
	s7 =	simm.s32 @!p0 $0x108  }
0x21: {  	s3 =	sadd.s32 s3, s9;
	s6 =	sadd.s32 @!p0 $0x88, s6;
	s7 =	simm.s32 @p2 $0x1082  }
0x22: {  	[simem:s7], [sflag:s8] =	dma.local @!p0 [hbm:s6], $0xF7A  }
0x23: {  	s9 =	sor.u32 $0xD0000000, s2;
	s6 =	simm.s32 $0x108;
	_ =	swait.ge @!p0 [sflag:s8], $0x0  }
0x24: {  	s3 =	sadd.s32 $0x88, s3;
	s6 =	simm.s32 @!p1 $0x1082;
	[sflag:s4] =	ssyncset.s32 $0xFFFFF086  }
0x25: {  	[simem:s6], [sflag:s4] =	dma.local [hbm:s3], $0xF7A  }
0x26: {  	[smem:$0x3F97] =	sst s1;
	(tag) =	ssettag s2;
	_ =	strace s9  }
0x27: {  	s1 =	sld [smem:$0x3FA7]  }
0x28: {  	s2 =	sld [smem:$0x3FA8]  }
0x29: {  	s4 =	sld [smem:$0x3FAA]  }
0x2a: {  	p0 =	seq.s32 s5, $0x0;
	s5 =	sld [smem:$0x3FAB]  }
0x2b: {  	s6 =	sld [smem:$0x3FAC]  }
0x2c: {  	s7 =	sld [smem:$0x3FAD]  }
0x2d: {  	s3 =	simm.s32 $0x108;
	s8 =	sld [smem:$0x3FAE]  }
0x2e: {  	s3 =	simm.s32 @!p0 $0x1082;
	s9 =	sld [smem:$0x3FAF]  }
0x2f: {  	lr =	sadd.s32 s0, s3;
	s0 =	sld [smem:$0x3FA6]  }
0x30: {  	s3 =	sld [smem:$0x3FA9]  }
0x31: {  	[smem:$0x3FB2] =	sst s10  }
0x32: {  	s10 =	sld [smem:$0x3FB0];
	_ =	sdelay $0x3  }
0x33: {  	p0 =	seq.s32 s10, $0x1;
	s10 =	sld [smem:$0x3FB2];
	_ =	sdelay $0x3  }
0x34: {  	[smem:$0x3FB2] =	sst s10  }
0x35: {  	s10 =	sld [smem:$0x3FB1];
	_ =	sdelay $0x3  }
0x36: {  	p1 =	seq.s32 s10, $0x1;
	s10 =	sld [smem:$0x3FB2];
	_ =	sdelay $0x3  }
0x37: {  	[smem:$0x3FB2] =	sst s10  }
0x38: {  	s10 =	sld [smem:$0x3FB3]  }
0x39: {  	_ = 	snop;
	(pc) =	sbr.ind lr, $3  }
0x3a: {  	_ = 	snop  }
0x3b: {  	_ = 	snop  }
0x3c: {  	p2 =	seq.s32 s10, $0x1;
	s10 =	sld [smem:$0x3FB2]  }
0x3d: {  	_ =	shalt  }
0x3e: {  	_ =	shalt  }
0x3f: {  	_ =	shalt  }
0x40: {  	_ =	shalt  }
0x41: {  	_ =	shalt  }
0x42: {  	_ =	shalt  }
0x43: {  	_ =	shalt  }
0x44: {  	_ =	shalt  }
0x45: {  	_ =	shalt  }
0x46: {  	_ =	shalt  }
0x47: {  	_ =	shalt  }
0x48: {  	_ =	shalt  }
0x49: {  	_ =	shalt  }
0x4a: {  	_ =	shalt  }
0x4b: {  	_ =	shalt  }
0x4c: {  	_ =	shalt  }
0x4d: {  	_ =	shalt  }
0x4e: {  	_ =	shalt  }
0x4f: {  	_ =	shalt  }
0x50: {  	_ =	shalt  }
0x51: {  	_ =	shalt  }
0x52: {  	_ =	shalt  }
0x53: {  	_ =	shalt  }
0x54: {  	_ =	shalt  }
0x55: {  	_ =	shalt  }
0x56: {  	_ =	shalt  }
0x57: {  	_ =	shalt  }
0x58: {  	_ =	shalt  }
0x59: {  	_ =	shalt  }
0x5a: {  	_ =	shalt  }
0x5b: {  	_ =	shalt  }
0x5c: {  	_ =	shalt  }
0x5d: {  	_ =	shalt  }
0x5e: {  	_ =	shalt  }
0x5f: {  	_ =	shalt  }
0x60: {  	_ =	shalt  }
0x61: {  	_ =	shalt  }
0x62: {  	_ =	shalt  }
0x63: {  	_ =	shalt  }
0x64: {  	_ =	shalt  }
0x65: {  	_ =	shalt  }
0x66: {  	_ =	shalt  }
0x67: {  	_ =	shalt  }
0x68: {  	_ =	shalt  }
0x69: {  	_ =	shalt  }
0x6a: {  	_ =	shalt  }
0x6b: {  	_ =	shalt  }
0x6c: {  	_ =	shalt  }
0x6d: {  	_ =	shalt  }
0x6e: {  	_ =	shalt  }
0x6f: {  	_ =	shalt  }
0x70: {  	_ =	shalt  }
0x71: {  	_ =	shalt  }
0x72: {  	_ =	shalt  }
0x73: {  	_ =	shalt  }
0x74: {  	_ =	shalt  }
0x75: {  	_ =	shalt  }
0x76: {  	_ =	shalt  }
0x77: {  	_ =	shalt  }
0x78: {  	_ =	shalt  }
0x79: {  	_ =	shalt  }
0x7a: {  	_ =	shalt  }
0x7b: {  	_ =	shalt  }
0x7c: {  	_ =	shalt  }
0x7d: {  	_ =	shalt  }
0x7e: {  	_ =	shalt  }
0x7f: {  	_ =	shalt  }
0x80: {  	_ =	shalt  }
0x81: {  	_ =	shalt  }
0x82: {  	_ =	shalt  }
0x83: {  	_ =	shalt  }
0x84: {  	_ =	shalt  }
0x85: {  	_ =	shalt  }
0x86: {  	_ =	shalt  }
0x87: {  	_ =	shalt  }
.Lfunc_end0:
.L_simem_size_0:
called_computation.3_lowered:
.L_overlay_start_0:
0x88: {  	s2 =	sld [smem:$0x3FD9]  }
0x89: {  	s3 =	sld [smem:$0x3FFE];
	_ =	sdelay $0x1  }
0x8a: {  	s1 =	srdreg.scid  }
0x8b: {  	s0 =	sand.u32 $0x1, s1  }
0x8c: {  	s16 =	sshll.u32 s0, $0xA;
	s2 =	sadd.s32 s3, s2  }
0x8d: {  	s2 =	sadd.s32 s2, s16  }
0x8e: {  	[smem:$0x3FBE] =	sst s2  }
0x8f: {  	_ = 	snop  }
0x90: {  	(tm) =	ssettm $0x1  }
0x91: {  	s17 =	sld [smem:$0x3FFB];
	_ =	sdelay $0x3  }
0x92: {  	_ =	strace s17  }
0x93: {  	s2 =	sld [smem:$0x3FFC];
	_ =	sdelay $0x3  }
0x94: {  	_ =	strace s2  }
0x95: {  	s2 =	sld [smem:$0x3FFD];
	_ =	sdelay $0x3  }
0x96: {  	_ =	strace s2  }
0x97: {  	_ =	strace $0x8FFFFFFF  }
0x98: {  	s18 =	sld [smem:$0x3FDB];
	_ =	sdelay $0x1  }
0x99: {  	s19 =	simm.s32 $_scs_section_size  }
0x9a: {  	s4 =	simm.s32 $_size__tile_overlayer_lowered;
	s5 =	simm.s32 $_tile_overlayer_lowered  }
0x9b: {  	s22 =	simm.s32 $0x1BFF;
	s21 =	sshll.u32 s5, $0x1;
	s2 =	sadd.s32 s19, s18  }
0x9c: {  	s6 =	simm.s32 $0x0;
	s20 =	sshll.u32 s4, $0x1;
	s4 =	sadd.s32 s21, s2  }
0x9d: {  	[timem:s6], [sflag:s22] =	dma.local [hbm:s4], s20  }
0x9e: {  	_ =	swait.ge [sflag:s22], s20  }
0x9f: {  	s3 =	ssub.s32 $0x0, s20;
	[sflag:s22] =	ssyncset.done $0x0  }
0xa0: {  	[sflag:s22] =	ssyncadd.s32 s3;
	_ =	sdelay $0x1  }
0xa1: {  	s23 =	simm.s32 $0x1B8B  }
0xa2: {  	_ =	swait.ge [sflag:s23], $0x1  }
0xa3: {  	[sflag:s23] =	ssyncset.done $0x0  }
0xa4: {  	s25 =	simm.s32 $0x1B8E;
	s24 =	sld [smem:$0x3FFE];
	[sflag:s23] =	ssyncadd.s32 $0xFFFFFFFF  }
0xa5: {  	s26 =	simm.s32 $execute0_lowered;
	[smem:$0x3FD2] =	sst s25  }
0xa6: {  	s4 =	sshll.u32 s26, $0x1;
	_ =	strace $0x8000004F;
	[dreg:$0x1] =	wrdreg $0xFFFFFFFF  }
0xa7: {  	s28 =	simm.s32 $_size_execute0_lowered;
	s2 =	sadd.s32 s2, s4;
	[dreg:$0x0] =	wrdreg $0x0  }
0xa8: {  	s4 =	sshll.u32 s28, $0x1;
	[dreg:$0x2] =	wrdreg s2  }
0xa9: {  	[dreg:$0x3] =	wrdreg s4  }
0xaa: {  	[dreg:$0x4] =	wrdreg $0xC0  }
0xab: {  	_ =	task [dreg:s6], $0x5FFFF  }
0xac: {  	[dreg:$0x1] =	wrdreg $0xFFFFFFFF  }
0xad: {  	[dreg:$0x0] =	wrdreg $0x60  }
0xae: {  	[dreg:$0x2] =	wrdreg s24  }
0xaf: {  	[dreg:$0x3] =	wrdreg $0x81000  }
0xb0: {  	[dreg:$0x4] =	wrdreg $0x9  }
0xb1: {  	_ =	task.clear_ibuf [dreg:s6], $0x5FFFF;
	_ =	strace $0x9000004F  }
0xb2: {  	s29 =	simm.s32 $0x9;
	_ =	strace $0x80000051  }
0xb3: {  	_ =	swait.ge [sflag:s29], $0x1  }
0xb4: {  	[sflag:s29] =	ssyncadd.s32 $0xFFFFFFFF  }
0xb5: {  	_ =	strace $0x90000051  }
0xb6: {  	_ =	sfence  }
0xb7: {  	s30 =	sld [smem:$0x0];
	_ =	sdelay $0x2  }
0xb8: {  	s31 =	sshll.u32 s1, $0xD;
	s1 =	sshrl.u32 s1, $0x2  }
0xb9: {  	s3 =	sand.u32 $0x4000, s31;
	s1 =	sadd.s32 s1, s30  }
0xba: {  	s0 =	sor.u32 s3, s0;
	s1 =	sshll.u32 s1, $0x11  }
0xbb: {  	s0 =	sor.u32 s1, s0  }
0xbc: {  	s0 =	sadd.s32 $0x8F2B, s0  }
0xbd: {  	[sflag:s0] =	ssyncadd.remote.s32 $0x1  }
0xbe: {  	_ =	sfence.sel $0xFFFF  }
0xbf: {  	[dreg:$0x0] =	wrdreg $0xFFFFFFFF;
	(pc) =	sbr.abs _section_cstart, $3  }
0xc0: {  	[dreg:$0x1] =	wrdreg $0xFFFFFFFF  }
0xc1: {  	_ =	task.clear_ibuf [dreg:s6], $0x2FFFF;
	_ =	strace $0x9FFFFFFF  }
0xc2: {  	(tm) =	ssettm $0x7FFFFFFF  }
0xc3: {  	_ =	shalt  }
tec
execute0_lowered:
.L_overlay_start_1:
0x0: {  	(tag) =	ssettag $0x1  }
0x1: {  	s0 =	srdreg.scid;
	s24 =	stileid.u32  }
0x2: {  	s6 =	rddreg [dreg:$0x0];
	s4 =	smul.u32 $0x4F, s24  }
0x3: {  	s2 =	rddreg [dreg:$0x1];
	s8 =	smul.u32 $0x13880, s24  }
0x4: {  	s3 =	simm.s32 $0x0;
	s5 =	sand.u32 $0x1, s0;
	s26 =	smul.u32 $0x4E200, s24  }
0x5: {  	[smem:$0x7FF] =	sst s3;
	s29 =	sshll.u32 s24, $0x6;
	s7 =	smul.u32 $0x4E2, s5  }
0x6: {  	s9 =	smul.u32 $0x138800, s5;
	_ =	strace $0x80000050;
	s25 =	ssub.s32 $0x2, s5  }
0x7: {  	s5 =	sadd.s32 $0xCE00, s6;
	s28 =	sshrl.u32 s25, $0x1;
	s30 =	sshrl.u32 s26, $0x2  }
0x8: {  	s16 =	sadd.s32 s8, s2;
	s4 =	sadd.s32 s4, s7;
	s9 =	sadd.s32 s8, s9  }
0x9: {  	s15 =	ssub.s32 s25, s28;
	s31 =	sadd.s32 s30, s2;
	s7 =	sadd.s32 $0x4E2, s7  }
0xa: {  	s10 =	sshll.u32 s4, $0xB;
	s11 =	sshll.u32 s4, $0x4;
	s9 =	sshrl.u32 s9, $0x3  }
0xb: {  	s17 =	sadd.s32 $0x3E80, s31;
	s18 =	sadd.s32 $0x7D00, s31;
	s19 =	sadd.s32 $0xBB80, s31  }
0xc: {  	s20 =	sadd.s32 $0xFA00, s31;
	s21 =	sadd.s32 $0x4E, s4;
	s13 =	sadd.s32 s10, s6  }
0xd: {  	s12 =	sadd.s32 s11, s6;
	s14 =	sadd.s32 s9, s6;
	s6 =	sor.u32 $0x1C03, s29  }
0xe: {  	s11 =	smax.u32 s15, $0x1;
	s15 =	simm.s32 $0x3;
	p0 =	sge.u32 s21, s7  }
0xf: {  	s21 =	simm.s32 $0x0;
	s8 =	sadd.s32 $0x2E00, s12;
	s9 =	sadd.s32 $0x502A00, s13  }
0x10: {  	s10 =	sadd.s32 $0xD600, s14;
	s12 =	sadd.s32 $0x2E10, s12;
	s13 =	sadd.s32 $0x503200, s13  }
0x11: {  	s14 =	sshrl.u32 s16, $0x3;
	s16 =	sshrl.u32 s17, $0x3;
	s17 =	sshrl.u32 s18, $0x3  }
0x12: {  	s18 =	sshrl.u32 s19, $0x3;
	s19 =	sshrl.u32 s20, $0x3;
	s20 =	simm.s32 $0x100  }
.LBB2_1:
0x13: {  	[spmem:s14], [sflag:s6] =	dma.local [hbm:s5], $0x7D0  }
0x14: {  	_ =	swait.ge [sflag:s15], $0x7D0  }
0x15: {  	[sflag:s15] =	ssyncset.done $0x0  }
0x16: {  	[sflag:s15] =	ssyncadd.s32 $0xFFFFF830  }
0x17: {  	[spmem:s16], [sflag:s6] =	dma.local [hbm:s5], $0x7D0  }
0x18: {  	_ =	swait.ge [sflag:s15], $0x7D0  }
0x19: {  	[sflag:s15] =	ssyncset.done $0x0  }
0x1a: {  	[sflag:s15] =	ssyncadd.s32 $0xFFFFF830  }
0x1b: {  	[spmem:s17], [sflag:s6] =	dma.local [hbm:s5], $0x7D0  }
0x1c: {  	_ =	swait.ge [sflag:s15], $0x7D0  }
0x1d: {  	[sflag:s15] =	ssyncset.done $0x0  }
0x1e: {  	[sflag:s15] =	ssyncadd.s32 $0xFFFFF830  }
0x1f: {  	[spmem:s18], [sflag:s6] =	dma.local [hbm:s5], $0x7D0  }
0x20: {  	_ =	swait.ge [sflag:s15], $0x7D0  }
0x21: {  	[sflag:s15] =	ssyncset.done $0x0  }
0x22: {  	[sflag:s15] =	ssyncadd.s32 $0xFFFFF830  }
0x23: {  	[spmem:s19], [sflag:s6] =	dma.local [hbm:s5], $0x7D0  }
0x24: {  	_ =	swait.ge [sflag:s15], $0x7D0  }
0x25: {  	[sflag:s15] =	ssyncset.done $0x0  }
0x26: {  	s22 =	sadd.s32 $0x0, s4;
	[sflag:s15] =	ssyncadd.s32 $0xFFFFF830  }
0x27: {  	p1 =	sge.u32 s22, s7;
	[bflag:$0x0] =	sbarrier.arrive $0xFFFF  }
0x28: {  	[tilespmem:s3], [sflag:$0x1] =	stream.linear.gather [hbm4b:s8+s3], $0x80, $0x38;
	[tilespmem:$0x1B980] =	vst v63  }
0x29: {  	s22 =	simm.s32 @!p1 $0x1  }
0x2a: {  	[tilespmem:s20], [sflag:$0x2] =	stream.linear.gather [hbm4b:s9+s3], $0x4000, $0x38;
	[tilespmem:$0x1B980] =	vst v63  }
0x2b: {  	s24 =	sand.u32 $0x1, s3;
	s23 =	sadd.s32 @!p1 $0x0, s4;
	_ =	swait.ge @!p1 [sflag:s22], $0x80  }
0x2c: {  	s26 =	simm.s32 $0x1;
	s23 =	sadd.s32 @!p1 $0x1, s23;
	[sflag:s22] =	ssyncset.done @!p1 $0x0  }
0x2d: {  	p2 =	sge.u32 @!p1 s23, s7;
	[sflag:s22] =	ssyncadd.s32 @!p1 $0xFFFFFF80;
	s22 =	simm.s32 @!p1 $0x2  }
0x2e: {  	s25 =	sshll.u32 @!p1 s24, $0xE;
	p2 =	por p2, p1;
	_ =	swait.ge @!p1 [sflag:s22], $0x4000  }
0x2f: {  	s23 =	sxor.u32 @!p2 $0x1, s24;
	s29 =	simm.s32 @!p2 $0x0;
	[sflag:s22] =	ssyncset.done @!p1 $0x0  }
0x30: {  	s28 =	sshll.u32 @!p2 s23, $0x7;
	s23 =	sshll.u32 @!p2 s23, $0xE;
	[sflag:s22] =	ssyncadd.s32 @!p1 $0xFFFFC000  }
0x31: {  	[tilespmem:s28], [sflag:$0x1] =	stream.linear.gather @!p2 [hbm4b:s12+s29], $0x80, $0x38;
	[tilespmem:$0x1B980] =	vst v63  }
0x32: {  	s25 =	sor.u32 @!p1 $0x100, s25;
	s23 =	sor.u32 @!p2 $0x100, s23;
	s22 =	sand.u32 $0x1, s26  }
0x33: {  	[tilespmem:s23], [sflag:$0x2] =	stream.linear.gather @!p2 [hbm4b:s13+s29], $0x4000, $0x38;
	[tilespmem:$0x1B980] =	vst v63  }
0x34: {  	s28 =	simm.s32 @!p1 $0x3;
	s23 =	sshll.u32 @!p1 s24, $0x7;
	s24 =	simm.s32 @!p1 $0x80  }
0x35: {  	[spmem:s2] =	stream.indirect.scatter.add.f32 @!p1 [tilespmem:s25], [sflag:$0x3], $0x80, s23, s24, $0xb8;
	[tilespmem:$0x1B980] =	vst v63  }
0x36: {  	s29 =	sadd.s32 $0x1, s4;
	s25 =	simm.s32 $0x2;
	_ =	swait.ge @!p1 [sflag:s28], $0x4000  }
0x37: {  	s23 =	sadd.s32 $0x800, s13;
	s24 =	sadd.s32 $0x10, s12;
	[sflag:s28] =	ssyncset.done @!p1 $0x0  }
.LBB2_2:
0x38: {  	s30 =	sand.u32 $0x1, s25  }
0x39: {  	[sflag:s28] =	ssyncadd.s32 @!p1 $0xFFFFC000;
	p1 =	sge.u32 s29, s7;
	s28 =	smov.u32 s25  }
0x3a: {  	s29 =	simm.s32 @!p1 $0x1;
	s31 =	sshll.u32 @!p1 s22, $0xE;
	s26 =	sadd.s32 @!p1 s26, s4  }
0x3b: {  	_ =	swait.ge @!p1 [sflag:s29], $0x80;
	s31 =	sor.u32 @!p1 $0x100, s31;
	s26 =	sadd.s32 @!p1 $0x1, s26  }
0x3c: {  	s25 =	sadd.s32 $0x1, s25;
	[sflag:s29] =	ssyncset.done @!p1 $0x0;
	p2 =	sge.u32 @!p1 s26, s7  }
0x3d: {  	s26 =	simm.s32 @!p1 $0x2;
	[sflag:s29] =	ssyncadd.s32 @!p1 $0xFFFFFF80;
	p3 =	por p2, p1  }
0x3e: {  	p2 =	sne.s32 s25, $0x4E;
	_ =	swait.ge @!p1 [sflag:s26], $0x4000;
	s29 =	sxor.u32 @!p3 $0x1, s22  }
0x3f: {  	[sflag:s26] =	ssyncset.done @!p1 $0x0;
	s1 =	sshll.u32 @!p3 s29, $0x7;
	s29 =	sshll.u32 @!p3 s29, $0xE  }
0x40: {  	s0 =	simm.s32 @!p3 $0x0;
	[sflag:s26] =	ssyncadd.s32 @!p1 $0xFFFFC000;
	s29 =	sor.u32 @!p3 $0x100, s29  }
0x41: {  	[tilespmem:s1], [sflag:$0x1] =	stream.linear.gather @!p3 [hbm4b:s24+s0], $0x80, $0x38;
	[tilespmem:$0x1B980] =	vst v63  }
0x42: {  	s26 =	smov.u32 s28  }
0x43: {  	[tilespmem:s29], [sflag:$0x2] =	stream.linear.gather @!p3 [hbm4b:s23+s0], $0x4000, $0x38;
	[tilespmem:$0x1B980] =	vst v63  }
.Ltmp0:
0x44: {  	_ = 	snop;
	(pc) =	sbr.rel @p2 .LBB2_2-.Ltmp0, $4  }
0x45: {  	s28 =	simm.s32 @!p1 $0x3;
	s1 =	simm.s32 @!p1 $0x80;
	s0 =	sshll.u32 @!p1 s22, $0x7  }
0x46: {  	[spmem:s2] =	stream.indirect.scatter.add.f32 @!p1 [tilespmem:s31], [sflag:$0x3], $0x80, s0, s1, $0xb8;
	[tilespmem:$0x1B980] =	vst v63  }
0x47: {  	s23 =	sadd.s32 $0x800, s23;
	s22 =	smov.u32 s30;
	_ =	swait.ge @!p1 [sflag:s28], $0x4000  }
0x48: {  	s24 =	sadd.s32 $0x10, s24;
	s29 =	sadd.s32 s26, s4;
	[sflag:s28] =	ssyncset.done @!p1 $0x0  }
0x49: {  	p2 =	sge.u32 s29, s7  }
0x4a: {  	[sflag:s28] =	ssyncadd.s32 @!p1 $0xFFFFC000;
	s0 =	simm.s32 @!p2 $0x1;
	s1 =	sadd.s32 @!p2 s26, s4  }
0x4b: {  	_ =	swait.ge @!p2 [sflag:s0], $0x80;
	s1 =	sadd.s32 @!p2 $0x1, s1  }
0x4c: {  	[sflag:s0] =	ssyncset.done @!p2 $0x0;
	p1 =	sge.u32 @!p2 s1, s7  }
0x4d: {  	[sflag:s0] =	ssyncadd.s32 @!p2 $0xFFFFFF80;
	s0 =	simm.s32 @!p2 $0x2;
	p1 =	por p1, p2  }
0x4e: {  	_ =	swait.ge @!p2 [sflag:s0], $0x4000;
	s1 =	sxor.u32 @!p1 $0x1, s22  }
0x4f: {  	s25 =	sshll.u32 @!p2 s22, $0xE;
	[sflag:s0] =	ssyncset.done @!p2 $0x0;
	s26 =	sshll.u32 @!p1 s1, $0x7  }
0x50: {  	s1 =	sshll.u32 @!p1 s1, $0xE;
	[sflag:s0] =	ssyncadd.s32 @!p2 $0xFFFFC000;
	s0 =	simm.s32 @!p1 $0x0  }
0x51: {  	[tilespmem:s26], [sflag:$0x1] =	stream.linear.gather @!p1 [hbm4b:s24+s0], $0x80, $0x38;
	[tilespmem:$0x1B980] =	vst v63  }
0x52: {  	s1 =	sor.u32 @!p1 $0x100, s1;
	s24 =	sor.u32 @!p2 $0x100, s25  }
0x53: {  	[tilespmem:s1], [sflag:$0x2] =	stream.linear.gather @!p1 [hbm4b:s23+s0], $0x4000, $0x38;
	[tilespmem:$0x1B980] =	vst v63  }
0x54: {  	s0 =	sshll.u32 @!p2 s22, $0x7;
	s1 =	simm.s32 @!p2 $0x80;
	s22 =	simm.s32 @!p2 $0x3  }
0x55: {  	[spmem:s2] =	stream.indirect.scatter.add.f32 @!p2 [tilespmem:s24], [sflag:$0x3], $0x80, s0, s1, $0xb8;
	[tilespmem:$0x1B980] =	vst v63  }
0x56: {  	_ =	swait.ge @!p2 [sflag:s22], $0x4000  }
0x57: {  	[sflag:s22] =	ssyncset.done @!p2 $0x0  }
0x58: {  	s0 =	simm.s32 @!p0 $0x1;
	[sflag:s22] =	ssyncadd.s32 @!p2 $0xFFFFC000  }
0x59: {  	_ =	swait.ge @!p0 [sflag:s0], $0x80  }
0x5a: {  	[sflag:s0] =	ssyncset.done @!p0 $0x0  }
0x5b: {  	[sflag:s0] =	ssyncadd.s32 @!p0 $0xFFFFFF80;
	s0 =	simm.s32 @!p0 $0x2  }
0x5c: {  	_ =	swait.ge @!p0 [sflag:s0], $0x4000  }
0x5d: {  	s1 =	simm.s32 @!p0 $0x0;
	[sflag:s0] =	ssyncset.done @!p0 $0x0  }
0x5e: {  	s22 =	simm.s32 @!p0 $0x100;
	[sflag:s0] =	ssyncadd.s32 @!p0 $0xFFFFC000;
	s0 =	simm.s32 @!p0 $0x80  }
0x5f: {  	[spmem:s2] =	stream.indirect.scatter.add.f32 @!p0 [tilespmem:s22], [sflag:$0x3], $0x80, s1, s0, $0xb8;
	[tilespmem:$0x1B980] =	vst v63  }
0x60: {  	s0 =	simm.s32 @!p0 $0x3  }
0x61: {  	_ =	swait.ge @!p0 [sflag:s0], $0x4000  }
0x62: {  	s21 =	sadd.s32 $0x1, s21;
	[sflag:s0] =	ssyncset.done @!p0 $0x0  }
0x63: {  	p1 =	sne.s32 s21, s11;
	[sflag:s0] =	ssyncadd.s32 @!p0 $0xFFFFC000  }
.Ltmp1:
0x64: {  	[bflag:$0x0] =	sbarrier.arrive $0xFFFF;
	(pc) =	sbr.rel @p1 .LBB2_1-.Ltmp1, $4  }
0x65: {  	[hbm:s10], [sflag:s6] =	dma.local [spmem:s14], $0x2710  }
0x66: {  	_ =	swait.ge [sflag:s15], $0x2710  }
0x67: {  	[sflag:s15] =	ssyncset.done $0x0  }
0x68: {  	[sflag:s15] =	ssyncadd.s32 $0xFFFFD8F0  }
0x69: {  	_ =	sfence.sel $0x180000  }
0x6a: {  	[bflag:$0x0] =	sbarrier.arrive $0xFFFF  }
0x6b: {  	_ =	strace $0x90000050  }
0x6c: {  	s0 =	stileid.u32;
	[bflag:$0x2] =	sbarrier.arrive $0xFFFF  }
0x6d: {  	p0 =	sne.s32 s0, $0x0;
	s0 =	rddreg [dreg:$0x2]  }
0x6e: {  	s0 =	sadd.s32 @!p0 $0x100000, s0  }
0x6f: {  	[sflag:s0] =	ssyncadd.tile.s32 @!p0 $0x1;
	_ =	shalt  }
.Lfunc_end2:
_tile_overlayer_lowered:
.L_overlay_start_2:
0x70: {  	(tag) =	ssettag $0x2  }
0x71: {  	s0 =	rddreg [dreg:$0x0];
	s2 =	stileid.u32  }
0x72: {  	s1 =	rddreg [dreg:$0x1];
	p0 =	sne.s32 s2, $0x0  }
0x73: {  	s3 =	rddreg [dreg:$0x2];
	[bflag:$0x3] =	sbarrier.arrive $0xFFFF;
	s2 =	simm.s32 @!p0 $0x1C03  }
0x74: {  	[timem:s3], [sflag:s2] =	dma.local @!p0 [hbm:s0], s1  }
0x75: {  	s0 =	simm.s32 @!p0 $0x3  }
0x76: {  	_ =	swait.ge @!p0 [sflag:s0], s1  }
0x77: {  	s1 =	ssub.s32 @!p0 $0x0, s1;
	[sflag:s0] =	ssyncset.done @!p0 $0x0  }
0x78: {  	[sflag:s0] =	ssyncadd.s32 @!p0 s1  }
0x79: {  	[bflag:$0x3] =	sbarrier.arrive $0xFFFF  }
0x7a: {  	_ =	shalt  }

</sc_bundles>
